<compile_context>
chip_gen: v7x
topology: tpu7x:2x2x1
jax: 0.10.2.dev20260603
libtpu: 0.0.44.dev20260713+nightly
codegen_flags: <defaults>
</compile_context>

<pallas_src>
import functools

import jax
import jax.numpy as jnp
from jax import lax
from jax.experimental import pallas as pl
from jax.experimental.pallas import tpu as pltpu
from jax.experimental.pallas import tpu_sc as plsc

HASH_SIZE = 2 ** 22
CELL_SIZE = 0.001
DIM = 4

_M1 = 2246822507
_M2 = 3266489909
_M1L, _M1H = _M1 & 0xFFFF, _M1 >> 16
_M2L, _M2H = _M2 & 0xFFFF, _M2 >> 16

_NC = 2
_NS = 16
_NW = _NC * _NS
_L = 16

_CHUNK = 2048
_STREAM = 1024


def _i32(v):
    return jnp.int32(v)


def _hash16(ix, iy):
    mask16 = _i32(0xFFFF)
    c13 = _i32(13)
    c16 = _i32(16)
    c3 = _i32(3)
    a = ix * _i32(_M1L)
    b = ix * _i32(_M1H)
    l0 = a & mask16
    s1 = (a >> c16) + (b & mask16)
    l1 = s1 & mask16
    l2 = (b >> c16) + (s1 >> c16)
    q0 = l0 ^ (((l0 >> c13) | (l1 << c3)) & mask16)
    q1 = l1 ^ (((l1 >> c13) | (l2 << c3)) & mask16)
    c = iy * _i32(_M2L)
    d = iy * _i32(_M2H)
    g0 = c & mask16
    t1 = (c >> c16) + (d & mask16)
    g1 = t1 & mask16
    g2 = (d >> c16) + (t1 >> c16)
    u0 = q0 + g0
    r0 = u0 & mask16
    u1 = q1 + g1 + (u0 >> c16)
    r1 = u1 & mask16
    r2 = l2 + g2 + (u1 >> c16)
    s0 = r0 ^ r1
    s1b = r1 ^ r2
    return s0 | ((s1b & _i32(0x3F)) << c16)


def _make_kernel(n):
    per_w = n // _NW
    n_chunks = per_w // _CHUNK
    n_streams = _CHUNK * DIM // _STREAM
    mesh = plsc.VectorSubcoreMesh(
        core_axis_name="c", subcore_axis_name="s",
        num_cores=_NC, num_subcores=_NS)

    @functools.partial(
        pl.kernel,
        mesh=mesh,
        out_type=jax.ShapeDtypeStruct((n * DIM,), jnp.float32),
        scratch_types=[
            pltpu.VMEM((2, _CHUNK * 2), jnp.float32),
            pltpu.VMEM((2, n_streams, _STREAM), jnp.int32),
            pltpu.VMEM((2, _CHUNK * DIM), jnp.float32),
            pltpu.SemaphoreType.DMA,
            pltpu.SemaphoreType.DMA,
            pltpu.SemaphoreType.DMA,
            pltpu.SemaphoreType.DMA,
        ],
        compiler_params=pltpu.CompilerParams(
            needs_layout_passes=False, use_tc_tiling_on_sc=False),
    )
    def k(pos_hbm, grid_hbm, out_hbm, pos_v, idx_v, stage_v,
          gsem_a, gsem_b, osem, psem):
        wid = lax.axis_index("s") * _i32(_NC) + lax.axis_index("c")
        base = wid * _i32(per_w)

        def start_pos(ci, b):
            off = base + ci * _i32(_CHUNK)
            pltpu.async_copy(
                pos_hbm.at[pl.ds(off * _i32(2), _CHUNK * 2)],
                pos_v.at[b], psem)

        def wait_pos(b):
            pltpu.make_async_copy(
                pos_hbm.at[pl.ds(base * _i32(2), _CHUNK * 2)],
                pos_v.at[b], psem).wait()

        def compute_chunk(ci, b):
            def vec_body(kk, carry2):
                blk = kk >> _i32(3)
                r0 = (kk & _i32(7)) * _i32(_L)
                po = blk * _i32(256) + r0
                x = pos_v[b, pl.ds(po, _L)]
                y = pos_v[b, pl.ds(po + _i32(128), _L)]
                ix = (x / CELL_SIZE).astype(jnp.int32)
                iy = (y / CELL_SIZE).astype(jnp.int32)
                idx = _hash16(ix, iy)
                w0 = ((idx >> _i32(7)) << _i32(9)) + (idx & _i32(127))
                wbase = blk * _i32(512) + r0
                lgs = _STREAM.bit_length() - 1
                for dcomp in range(DIM):
                    w = wbase + _i32(128 * dcomp)
                    idx_v[b, w >> _i32(lgs), pl.ds(w & _i32(_STREAM - 1), _L)] = (
                        w0 + _i32(128 * dcomp))
                return carry2

            lax.fori_loop(0, _CHUNK // _L, vec_body, _i32(0), unroll=4)

        def fire_streams(b, gsem):
            for j in range(n_streams):
                pltpu.async_copy(
                    grid_hbm.at[idx_v.at[b, _i32(j)]],
                    stage_v.at[b, pl.ds(j * _STREAM, _STREAM)],
                    gsem,
                )

        def drain_streams(b, gsem):
            for j in range(n_streams):
                pltpu.make_async_copy(
                    grid_hbm.at[pl.ds(_i32(0), _STREAM)],
                    stage_v.at[b, pl.ds(j * _STREAM, _STREAM)],
                    gsem,
                ).wait()

        def start_out(ci, b):
            off = base + ci * _i32(_CHUNK)
            pltpu.async_copy(
                stage_v.at[b],
                out_hbm.at[pl.ds(off * _i32(DIM), _CHUNK * DIM)],
                osem,
            )

        def wait_out(b):
            pltpu.make_async_copy(
                stage_v.at[b],
                out_hbm.at[pl.ds(base * _i32(DIM), _CHUNK * DIM)],
                osem,
            ).wait()

        def half_body(ci, b, gsem_mine, gsem_other):
            nb = 1 - b
            wait_pos(b)

            @pl.when(ci < _i32(n_chunks - 1))
            def _():
                start_pos(ci + _i32(1), nb)

            compute_chunk(ci, b)

            @pl.when(ci > _i32(1))
            def _():
                wait_out(b)

            fire_streams(b, gsem_mine)

            @pl.when(ci > _i32(0))
            def _():
                drain_streams(nb, gsem_other)
                start_out(ci - _i32(1), nb)

        def pair_body(i, carry):
            ci0 = i * _i32(2)
            half_body(ci0, 0, gsem_a, gsem_b)
            half_body(ci0 + _i32(1), 1, gsem_b, gsem_a)
            return carry

        start_pos(_i32(0), _i32(0))
        lax.fori_loop(0, n_chunks // 2, pair_body, _i32(0))
        drain_streams(1, gsem_b)
        wait_out(0)
        start_out(_i32(n_chunks - 1), 1)
        wait_out(1)

    return k


def kernel(positions, grid):
    n = positions.shape[0]
    with jax.enable_x64(False):
        posv = positions.reshape(
            n // 128, 128, 2).transpose(0, 2, 1).reshape(-1)
        gridv = grid.reshape(HASH_SIZE // 128, 128, DIM)
        gridv = gridv.transpose(0, 2, 1).reshape(-1)
        out1d = _make_kernel(n)(posv, gridv)
        out = out1d.reshape(
            n // 128, DIM, 128).transpose(0, 2, 1).reshape(n, DIM)
    return out

# --- scband reference (transcript-rebuilt; emitter-appended) ---
"""Pipeline reference for scband-hash-grid2-d-83897891160332 (READ-ONLY COPY).

The authoritative reference and input builder live on the scoring server;
editing this copy changes nothing except your own understanding.
"""

import jax, jax.numpy as jnp
import numpy as np
jax.config.update("jax_enable_x64", True)

HASH_SIZE = 2 ** 22
CELL_SIZE = 0.001
DIM = 4
N = 1048576


def _hash(ix, iy):
    h = ix
    h = h ^ (h >> 16)
    h = h * jnp.int64(2246822507)
    h = h ^ (h >> 13)
    h = h + iy * jnp.int64(3266489909)
    h = h ^ (h >> 16)
    return h % HASH_SIZE


def setup_inputs(seed: int = 0) -> dict:
    key = jax.random.key(seed)
    k1, k2 = jax.random.split(key)
    positions = jax.random.uniform(k1, (N, 2), dtype=jnp.float32)
    grid = jax.random.normal(k2, (HASH_SIZE, DIM), dtype=jnp.float32) * 0.01
    return {"positions": positions, "grid": grid}


def reference(positions, grid):
    ix = jnp.floor(positions[:, 0] / CELL_SIZE).astype(jnp.int64)
    iy = jnp.floor(positions[:, 1] / CELL_SIZE).astype(jnp.int64)
    idx = _hash(ix, iy)
    return jnp.take(grid, idx, axis=0)

if __name__ == "__main__":
    import jax
    _d = setup_inputs()
    print(jax.jit(kernel)(*tuple(_d.values())))

</pallas_src>

<mosaic_0001>
#map = affine_map<(d0, d1) -> (0)>
module attributes {stable_mosaic.version = 14 : i64} {
  func.func @k(%arg0: i32, %arg1: i32, %arg2: memref<2097152xf32, #tpu.memory_space<hbm>>, %arg3: memref<16777216xf32, #tpu.memory_space<hbm>>, %arg4: memref<4194304xf32, #tpu.memory_space<hbm>>, %arg5: memref<2x4096xf32, #tpu.memory_space<vmem>>, %arg6: memref<2x8x1024xi32, #tpu.memory_space<vmem>>, %arg7: memref<2x8192xf32, #tpu.memory_space<vmem>>, %arg8: memref<!tpu.dma_semaphore, #tpu.memory_space<semaphore_mem>>, %arg9: memref<!tpu.dma_semaphore, #tpu.memory_space<semaphore_mem>>, %arg10: memref<!tpu.dma_semaphore, #tpu.memory_space<semaphore_mem>>, %arg11: memref<!tpu.dma_semaphore, #tpu.memory_space<semaphore_mem>>) attributes {dimension_semantics = [#tpu.dimension_semantics<core_parallel>, #tpu.dimension_semantics<subcore_parallel>], iteration_bounds = array<i64: 2, 16>, scalar_prefetch = 0 : i64, scratch_operands = 7 : i64, tpu.core_type = #tpu.core_type<sc_vector_subcore>, window_params = [{transform_indices = #map}, {transform_indices = #map}, {transform_indices = #map}]} {
    %mul3A = arith.constant 2 : i32
    %mul3A_0 = arith.muli %arg1, %mul3A : i32
    %add3A = arith.addi %mul3A_0, %arg0 : i32
    %mul3A_1 = arith.constant 32768 : i32
    %mul3A_2 = arith.muli %add3A, %mul3A_1 : i32
    %mul3A_3 = arith.constant 0 : i32
    %mul3A_4 = arith.constant 2048 : i32
    %mul3A_5 = arith.muli %mul3A_3, %mul3A_4 : i32
    %add3A_6 = arith.addi %mul3A_2, %mul3A_5 : i32
    %mul3A_7 = arith.constant 2 : i32
    %mul3A_8 = arith.muli %add3A_6, %mul3A_7 : i32
    %dma_start3A = arith.constant 0 : i32
    %dma_start3A_9 = arith.constant 0 : i32
    %dma_start3A_10 = tpu.memref_slice %arg5[%dma_start3A, %dma_start3A_9] : memref<2x4096xf32, #tpu.memory_space<vmem>> -> memref<1x4096xf32, #tpu.memory_space<vmem>>
    %dma_start3A_11 = tpu.memref_squeeze %dma_start3A_10 : memref<1x4096xf32, #tpu.memory_space<vmem>> -> memref<4096xf32, #tpu.memory_space<vmem>>
    %dma_start3A_12 = tpu.memref_slice %arg2[%mul3A_8] : memref<2097152xf32, #tpu.memory_space<hbm>> -> memref<4096xf32, #tpu.memory_space<hbm>>
    %dma_start3A_13 = arith.constant 0 : i32
    %dma_start3A_14 = tpu.memref_slice %arg5[%dma_start3A, %dma_start3A_13] : memref<2x4096xf32, #tpu.memory_space<vmem>> -> memref<1x4096xf32, #tpu.memory_space<vmem>>
    %dma_start3A_15 = tpu.memref_squeeze %dma_start3A_14 : memref<1x4096xf32, #tpu.memory_space<vmem>> -> memref<4096xf32, #tpu.memory_space<vmem>>
    %dma_start3A_16 = tpu.memref_slice %arg2[%mul3A_8] : memref<2097152xf32, #tpu.memory_space<hbm>> -> memref<4096xf32, #tpu.memory_space<hbm>>
    tpu.enqueue_dma source(%dma_start3A_16 : memref<4096xf32, #tpu.memory_space<hbm>>) target(%dma_start3A_15 : memref<4096xf32, #tpu.memory_space<vmem>>) target_semaphore(%arg11 : memref<!tpu.dma_semaphore, #tpu.memory_space<semaphore_mem>>)
    %scan3A = arith.constant 0 : i32
    %scan3A_17 = arith.constant 0 : i32
    %scan3A_18 = arith.constant 8 : i32
    %scan3A_19 = arith.addi %scan3A_17, %scan3A_18 : i32
    %scan3A_20 = arith.constant 1 : i32
    scf.for %scan3A_138 = %scan3A_17 to %scan3A_19 step %scan3A_20  : i32 {
      %mul3A_139 = arith.constant 2 : i32
      %mul3A_140 = arith.muli %scan3A_138, %mul3A_139 : i32
      %mul3A_141 = arith.constant 2 : i32
      %mul3A_142 = arith.muli %mul3A_2, %mul3A_141 : i32
      %dma_wait3A_143 = arith.constant 0 : i32
      %dma_wait3A_144 = arith.constant 0 : i32
      %dma_wait3A_145 = tpu.memref_slice %arg5[%dma_wait3A_143, %dma_wait3A_144] : memref<2x4096xf32, #tpu.memory_space<vmem>> -> memref<1x4096xf32, #tpu.memory_space<vmem>>
      %dma_wait3A_146 = tpu.memref_squeeze %dma_wait3A_145 : memref<1x4096xf32, #tpu.memory_space<vmem>> -> memref<4096xf32, #tpu.memory_space<vmem>>
      %dma_wait3A_147 = tpu.memref_slice %arg2[%mul3A_142] : memref<2097152xf32, #tpu.memory_space<hbm>> -> memref<4096xf32, #tpu.memory_space<hbm>>
      %dma_wait3A_148 = arith.constant 0 : i32
      %dma_wait3A_149 = tpu.memref_slice %arg5[%dma_wait3A_143, %dma_wait3A_148] : memref<2x4096xf32, #tpu.memory_space<vmem>> -> memref<1x4096xf32, #tpu.memory_space<vmem>>
      %dma_wait3A_150 = tpu.memref_squeeze %dma_wait3A_149 : memref<1x4096xf32, #tpu.memory_space<vmem>> -> memref<4096xf32, #tpu.memory_space<vmem>>
      %dma_wait3A_151 = tpu.memref_slice %arg2[%mul3A_142] : memref<2097152xf32, #tpu.memory_space<hbm>> -> memref<4096xf32, #tpu.memory_space<hbm>>
      tpu.wait_dma2 semaphore(%arg11 : memref<!tpu.dma_semaphore, #tpu.memory_space<semaphore_mem>>) src(%dma_wait3A_151 : memref<4096xf32, #tpu.memory_space<hbm>>) dst(%dma_wait3A_150 : memref<4096xf32, #tpu.memory_space<vmem>>)
      %lt3A = arith.constant 15 : i32
      %lt3A_152 = arith.cmpi slt, %mul3A_140, %lt3A : i32
      %convert_element_type3A = arith.extui %lt3A_152 : i1 to i32
      %cond3A = arith.constant 0 : i32
      %cond3A_153 = arith.cmpi ne, %convert_element_type3A, %cond3A : i32
      scf.if %cond3A_153 {
        %add3A_379 = arith.constant 1 : i32
        %add3A_380 = arith.addi %mul3A_140, %add3A_379 : i32
        %mul3A_381 = arith.constant 2048 : i32
        %mul3A_382 = arith.muli %add3A_380, %mul3A_381 : i32
        %add3A_383 = arith.addi %mul3A_2, %mul3A_382 : i32
        %mul3A_384 = arith.constant 2 : i32
        %mul3A_385 = arith.muli %add3A_383, %mul3A_384 : i32
        %dma_start3A_386 = arith.constant 1 : i32
        %dma_start3A_387 = arith.constant 0 : i32
        %dma_start3A_388 = tpu.memref_slice %arg5[%dma_start3A_386, %dma_start3A_387] : memref<2x4096xf32, #tpu.memory_space<vmem>> -> memref<1x4096xf32, #tpu.memory_space<vmem>>
        %dma_start3A_389 = tpu.memref_squeeze %dma_start3A_388 : memref<1x4096xf32, #tpu.memory_space<vmem>> -> memref<4096xf32, #tpu.memory_space<vmem>>
        %dma_start3A_390 = tpu.memref_slice %arg2[%mul3A_385] : memref<2097152xf32, #tpu.memory_space<hbm>> -> memref<4096xf32, #tpu.memory_space<hbm>>
        %dma_start3A_391 = arith.constant 0 : i32
        %dma_start3A_392 = tpu.memref_slice %arg5[%dma_start3A_386, %dma_start3A_391] : memref<2x4096xf32, #tpu.memory_space<vmem>> -> memref<1x4096xf32, #tpu.memory_space<vmem>>
        %dma_start3A_393 = tpu.memref_squeeze %dma_start3A_392 : memref<1x4096xf32, #tpu.memory_space<vmem>> -> memref<4096xf32, #tpu.memory_space<vmem>>
        %dma_start3A_394 = tpu.memref_slice %arg2[%mul3A_385] : memref<2097152xf32, #tpu.memory_space<hbm>> -> memref<4096xf32, #tpu.memory_space<hbm>>
        tpu.enqueue_dma source(%dma_start3A_394 : memref<4096xf32, #tpu.memory_space<hbm>>) target(%dma_start3A_393 : memref<4096xf32, #tpu.memory_space<vmem>>) target_semaphore(%arg11 : memref<!tpu.dma_semaphore, #tpu.memory_space<semaphore_mem>>)
      } else {
      }
      %scan3A_154 = arith.constant 0 : i32
      %scan3A_155 = arith.constant 0 : i32
      %scan3A_156 = arith.constant 128 : i32
      %scan3A_157 = arith.addi %scan3A_155, %scan3A_156 : i32
      %scan3A_158 = arith.constant 4 : i32
      scf.for %scan3A_379 = %scan3A_155 to %scan3A_157 step %scan3A_158  : i32 {
        %shift_right_arithmetic3A = arith.constant 3 : i32
        %shift_right_arithmetic3A_380 = arith.shrsi %scan3A_379, %shift_right_arithmetic3A : i32
        %and3A = arith.constant 7 : i32
        %and3A_381 = arith.andi %scan3A_379, %and3A : i32
        %mul3A_382 = arith.constant 16 : i32
        %mul3A_383 = arith.muli %and3A_381, %mul3A_382 : i32
        %mul3A_384 = arith.constant 256 : i32
        %mul3A_385 = arith.muli %shift_right_arithmetic3A_380, %mul3A_384 : i32
        %add3A_386 = arith.addi %mul3A_385, %mul3A_383 : i32
        %get3A = arith.constant 0 : i32
        %get3A_387 = arith.index_cast %get3A : i32 to index
        %get3A_388 = arith.index_cast %add3A_386 : i32 to index
        %get3A_389 = tpu.vector_load %arg5[%get3A_387, %get3A_388] {strides = array<i32>} : memref<2x4096xf32, #tpu.memory_space<vmem>>, vector<16xf32>,
        %add3A_390 = arith.constant 128 : i32
        %add3A_391 = arith.addi %add3A_386, %add3A_390 : i32
        %get3A_392 = arith.constant 0 : i32
        %get3A_393 = arith.index_cast %get3A_392 : i32 to index
        %get3A_394 = arith.index_cast %add3A_391 : i32 to index
        %get3A_395 = tpu.vector_load %arg5[%get3A_393, %get3A_394] {strides = array<i32>} : memref<2x4096xf32, #tpu.memory_space<vmem>>, vector<16xf32>,
        %div3A = arith.constant 1.000000e-03 : f32
        %div3A_396 = vector.broadcast %div3A : f32 to vector<16xf32>
        %div3A_397 = arith.divf %get3A_389, %div3A_396 : vector<16xf32>
        %convert_element_type3A_398 = arith.fptosi %div3A_397 : vector<16xf32> to vector<16xi32>
        %div3A_399 = arith.constant 1.000000e-03 : f32
        %div3A_400 = vector.broadcast %div3A_399 : f32 to vector<16xf32>
        %div3A_401 = arith.divf %get3A_395, %div3A_400 : vector<16xf32>
        %convert_element_type3A_402 = arith.fptosi %div3A_401 : vector<16xf32> to vector<16xi32>
        %mul3A_403 = arith.constant 51819 : i32
        %mul3A_404 = vector.broadcast %mul3A_403 : i32 to vector<16xi32>
        %mul3A_405 = arith.muli %convert_element_type3A_398, %mul3A_404 : vector<16xi32>
        %mul3A_406 = arith.constant 34283 : i32
        %mul3A_407 = vector.broadcast %mul3A_406 : i32 to vector<16xi32>
        %mul3A_408 = arith.muli %convert_element_type3A_398, %mul3A_407 : vector<16xi32>
        %and3A_409 = arith.constant 65535 : i32
        %and3A_410 = vector.broadcast %and3A_409 : i32 to vector<16xi32>
        %and3A_411 = arith.andi %mul3A_405, %and3A_410 : vector<16xi32>
        %shift_right_arithmetic3A_412 = arith.constant 16 : i32
        %shift_right_arithmetic3A_413 = vector.broadcast %shift_right_arithmetic3A_412 : i32 to vector<16xi32>
        %shift_right_arithmetic3A_414 = arith.shrsi %mul3A_405, %shift_right_arithmetic3A_413 : vector<16xi32>
        %and3A_415 = arith.constant 65535 : i32
        %and3A_416 = vector.broadcast %and3A_415 : i32 to vector<16xi32>
        %and3A_417 = arith.andi %mul3A_408, %and3A_416 : vector<16xi32>
        %add3A_418 = arith.addi %shift_right_arithmetic3A_414, %and3A_417 : vector<16xi32>
        %and3A_419 = arith.constant 65535 : i32
        %and3A_420 = vector.broadcast %and3A_419 : i32 to vector<16xi32>
        %and3A_421 = arith.andi %add3A_418, %and3A_420 : vector<16xi32>
        %shift_right_arithmetic3A_422 = arith.constant 16 : i32
        %shift_right_arithmetic3A_423 = vector.broadcast %shift_right_arithmetic3A_422 : i32 to vector<16xi32>
        %shift_right_arithmetic3A_424 = arith.shrsi %mul3A_408, %shift_right_arithmetic3A_423 : vector<16xi32>
        %shift_right_arithmetic3A_425 = arith.constant 16 : i32
        %shift_right_arithmetic3A_426 = vector.broadcast %shift_right_arithmetic3A_425 : i32 to vector<16xi32>
        %shift_right_arithmetic3A_427 = arith.shrsi %add3A_418, %shift_right_arithmetic3A_426 : vector<16xi32>
        %add3A_428 = arith.addi %shift_right_arithmetic3A_424, %shift_right_arithmetic3A_427 : vector<16xi32>
        %shift_right_arithmetic3A_429 = arith.constant 13 : i32
        %shift_right_arithmetic3A_430 = vector.broadcast %shift_right_arithmetic3A_429 : i32 to vector<16xi32>
        %shift_right_arithmetic3A_431 = arith.shrsi %and3A_411, %shift_right_arithmetic3A_430 : vector<16xi32>
        %shift_left3A = arith.constant 3 : i32
        %shift_left3A_432 = vector.broadcast %shift_left3A : i32 to vector<16xi32>
        %shift_left3A_433 = arith.shli %and3A_421, %shift_left3A_432 : vector<16xi32>
        %or3A = arith.ori %shift_right_arithmetic3A_431, %shift_left3A_433 : vector<16xi32>
        %and3A_434 = arith.constant 65535 : i32
        %and3A_435 = vector.broadcast %and3A_434 : i32 to vector<16xi32>
        %and3A_436 = arith.andi %or3A, %and3A_435 : vector<16xi32>
        %xor3A = arith.xori %and3A_411, %and3A_436 : vector<16xi32>
        %shift_right_arithmetic3A_437 = arith.constant 13 : i32
        %shift_right_arithmetic3A_438 = vector.broadcast %shift_right_arithmetic3A_437 : i32 to vector<16xi32>
        %shift_right_arithmetic3A_439 = arith.shrsi %and3A_421, %shift_right_arithmetic3A_438 : vector<16xi32>
        %shift_left3A_440 = arith.constant 3 : i32
        %shift_left3A_441 = vector.broadcast %shift_left3A_440 : i32 to vector<16xi32>
        %shift_left3A_442 = arith.shli %add3A_428, %shift_left3A_441 : vector<16xi32>
        %or3A_443 = arith.ori %shift_right_arithmetic3A_439, %shift_left3A_442 : vector<16xi32>
        %and3A_444 = arith.constant 65535 : i32
        %and3A_445 = vector.broadcast %and3A_444 : i32 to vector<16xi32>
        %and3A_446 = arith.andi %or3A_443, %and3A_445 : vector<16xi32>
        %xor3A_447 = arith.xori %and3A_421, %and3A_446 : vector<16xi32>
        %mul3A_448 = arith.constant 44597 : i32
        %mul3A_449 = vector.broadcast %mul3A_448 : i32 to vector<16xi32>
        %mul3A_450 = arith.muli %convert_element_type3A_402, %mul3A_449 : vector<16xi32>
        %mul3A_451 = arith.constant 49842 : i32
        %mul3A_452 = vector.broadcast %mul3A_451 : i32 to vector<16xi32>
        %mul3A_453 = arith.muli %convert_element_type3A_402, %mul3A_452 : vector<16xi32>
        %and3A_454 = arith.constant 65535 : i32
        %and3A_455 = vector.broadcast %and3A_454 : i32 to vector<16xi32>
        %and3A_456 = arith.andi %mul3A_450, %and3A_455 : vector<16xi32>
        %shift_right_arithmetic3A_457 = arith.constant 16 : i32
        %shift_right_arithmetic3A_458 = vector.broadcast %shift_right_arithmetic3A_457 : i32 to vector<16xi32>
        %shift_right_arithmetic3A_459 = arith.shrsi %mul3A_450, %shift_right_arithmetic3A_458 : vector<16xi32>
        %and3A_460 = arith.constant 65535 : i32
        %and3A_461 = vector.broadcast %and3A_460 : i32 to vector<16xi32>
        %and3A_462 = arith.andi %mul3A_453, %and3A_461 : vector<16xi32>
        %add3A_463 = arith.addi %shift_right_arithmetic3A_459, %and3A_462 : vector<16xi32>
        %and3A_464 = arith.constant 65535 : i32
        %and3A_465 = vector.broadcast %and3A_464 : i32 to vector<16xi32>
        %and3A_466 = arith.andi %add3A_463, %and3A_465 : vector<16xi32>
        %shift_right_arithmetic3A_467 = arith.constant 16 : i32
        %shift_right_arithmetic3A_468 = vector.broadcast %shift_right_arithmetic3A_467 : i32 to vector<16xi32>
        %shift_right_arithmetic3A_469 = arith.shrsi %mul3A_453, %shift_right_arithmetic3A_468 : vector<16xi32>
        %shift_right_arithmetic3A_470 = arith.constant 16 : i32
        %shift_right_arithmetic3A_471 = vector.broadcast %shift_right_arithmetic3A_470 : i32 to vector<16xi32>
        %shift_right_arithmetic3A_472 = arith.shrsi %add3A_463, %shift_right_arithmetic3A_471 : vector<16xi32>
        %add3A_473 = arith.addi %shift_right_arithmetic3A_469, %shift_right_arithmetic3A_472 : vector<16xi32>
        %add3A_474 = arith.addi %xor3A, %and3A_456 : vector<16xi32>
        %and3A_475 = arith.constant 65535 : i32
        %and3A_476 = vector.broadcast %and3A_475 : i32 to vector<16xi32>
        %and3A_477 = arith.andi %add3A_474, %and3A_476 : vector<16xi32>
        %add3A_478 = arith.addi %xor3A_447, %and3A_466 : vector<16xi32>
        %shift_right_arithmetic3A_479 = arith.constant 16 : i32
        %shift_right_arithmetic3A_480 = vector.broadcast %shift_right_arithmetic3A_479 : i32 to vector<16xi32>
        %shift_right_arithmetic3A_481 = arith.shrsi %add3A_474, %shift_right_arithmetic3A_480 : vector<16xi32>
        %add3A_482 = arith.addi %add3A_478, %shift_right_arithmetic3A_481 : vector<16xi32>
        %and3A_483 = arith.constant 65535 : i32
        %and3A_484 = vector.broadcast %and3A_483 : i32 to vector<16xi32>
        %and3A_485 = arith.andi %add3A_482, %and3A_484 : vector<16xi32>
        %add3A_486 = arith.addi %add3A_428, %add3A_473 : vector<16xi32>
        %shift_right_arithmetic3A_487 = arith.constant 16 : i32
        %shift_right_arithmetic3A_488 = vector.broadcast %shift_right_arithmetic3A_487 : i32 to vector<16xi32>
        %shift_right_arithmetic3A_489 = arith.shrsi %add3A_482, %shift_right_arithmetic3A_488 : vector<16xi32>
        %add3A_490 = arith.addi %add3A_486, %shift_right_arithmetic3A_489 : vector<16xi32>
        %xor3A_491 = arith.xori %and3A_477, %and3A_485 : vector<16xi32>
        %xor3A_492 = arith.xori %and3A_485, %add3A_490 : vector<16xi32>
        %and3A_493 = arith.constant 63 : i32
        %and3A_494 = vector.broadcast %and3A_493 : i32 to vector<16xi32>
        %and3A_495 = arith.andi %xor3A_492, %and3A_494 : vector<16xi32>
        %shift_left3A_496 = arith.constant 16 : i32
        %shift_left3A_497 = vector.broadcast %shift_left3A_496 : i32 to vector<16xi32>
        %shift_left3A_498 = arith.shli %and3A_495, %shift_left3A_497 : vector<16xi32>
        %or3A_499 = arith.ori %xor3A_491, %shift_left3A_498 : vector<16xi32>
        %shift_right_arithmetic3A_500 = arith.constant 7 : i32
        %shift_right_arithmetic3A_501 = vector.broadcast %shift_right_arithmetic3A_500 : i32 to vector<16xi32>
        %shift_right_arithmetic3A_502 = arith.shrsi %or3A_499, %shift_right_arithmetic3A_501 : vector<16xi32>
        %shift_left3A_503 = arith.constant 9 : i32
        %shift_left3A_504 = vector.broadcast %shift_left3A_503 : i32 to vector<16xi32>
        %shift_left3A_505 = arith.shli %shift_right_arithmetic3A_502, %shift_left3A_504 : vector<16xi32>
        %and3A_506 = arith.constant 127 : i32
        %and3A_507 = vector.broadcast %and3A_506 : i32 to vector<16xi32>
        %and3A_508 = arith.andi %or3A_499, %and3A_507 : vector<16xi32>
        %add3A_509 = arith.addi %shift_left3A_505, %and3A_508 : vector<16xi32>
        %mul3A_510 = arith.constant 512 : i32
        %mul3A_511 = arith.muli %shift_right_arithmetic3A_380, %mul3A_510 : i32
        %add3A_512 = arith.addi %mul3A_511, %mul3A_383 : i32
        %add3A_513 = arith.constant 0 : i32
        %add3A_514 = arith.addi %add3A_512, %add3A_513 : i32
        %add3A_515 = arith.constant 0 : i32
        %add3A_516 = vector.broadcast %add3A_515 : i32 to vector<16xi32>
        %add3A_517 = arith.addi %add3A_509, %add3A_516 : vector<16xi32>
        %shift_right_arithmetic3A_518 = arith.constant 10 : i32
        %shift_right_arithmetic3A_519 = arith.shrsi %add3A_514, %shift_right_arithmetic3A_518 : i32
        %and3A_520 = arith.constant 1023 : i32
        %and3A_521 = arith.andi %add3A_514, %and3A_520 : i32
        %swap3A = arith.constant 0 : i32
        %swap3A_522 = arith.index_cast %swap3A : i32 to index
        %swap3A_523 = arith.index_cast %shift_right_arithmetic3A_519 : i32 to index
        %swap3A_524 = arith.index_cast %and3A_521 : i32 to index
        %swap3A_525 = tpu.vector_load %arg6[%swap3A_522, %swap3A_523, %swap3A_524] {strides = array<i32>} : memref<2x8x1024xi32, #tpu.memory_space<vmem>>, vector<16xi32>,
        tpu.vector_store %arg6[%swap3A_522, %swap3A_523, %swap3A_524], %add3A_517 {strides = array<i32>} : memref<2x8x1024xi32, #tpu.memory_space<vmem>>, vector<16xi32>,
        %add3A_526 = arith.constant 128 : i32
        %add3A_527 = arith.addi %add3A_512, %add3A_526 : i32
        %add3A_528 = arith.constant 128 : i32
        %add3A_529 = vector.broadcast %add3A_528 : i32 to vector<16xi32>
        %add3A_530 = arith.addi %add3A_509, %add3A_529 : vector<16xi32>
        %shift_right_arithmetic3A_531 = arith.constant 10 : i32
        %shift_right_arithmetic3A_532 = arith.shrsi %add3A_527, %shift_right_arithmetic3A_531 : i32
        %and3A_533 = arith.constant 1023 : i32
        %and3A_534 = arith.andi %add3A_527, %and3A_533 : i32
        %swap3A_535 = arith.constant 0 : i32
        %swap3A_536 = arith.index_cast %swap3A_535 : i32 to index
        %swap3A_537 = arith.index_cast %shift_right_arithmetic3A_532 : i32 to index
        %swap3A_538 = arith.index_cast %and3A_534 : i32 to index
        %swap3A_539 = tpu.vector_load %arg6[%swap3A_536, %swap3A_537, %swap3A_538] {strides = array<i32>} : memref<2x8x1024xi32, #tpu.memory_space<vmem>>, vector<16xi32>,
        tpu.vector_store %arg6[%swap3A_536, %swap3A_537, %swap3A_538], %add3A_530 {strides = array<i32>} : memref<2x8x1024xi32, #tpu.memory_space<vmem>>, vector<16xi32>,
        %add3A_540 = arith.constant 256 : i32
        %add3A_541 = arith.addi %add3A_512, %add3A_540 : i32
        %add3A_542 = arith.constant 256 : i32
        %add3A_543 = vector.broadcast %add3A_542 : i32 to vector<16xi32>
        %add3A_544 = arith.addi %add3A_509, %add3A_543 : vector<16xi32>
        %shift_right_arithmetic3A_545 = arith.constant 10 : i32
        %shift_right_arithmetic3A_546 = arith.shrsi %add3A_541, %shift_right_arithmetic3A_545 : i32
        %and3A_547 = arith.constant 1023 : i32
        %and3A_548 = arith.andi %add3A_541, %and3A_547 : i32
        %swap3A_549 = arith.constant 0 : i32
        %swap3A_550 = arith.index_cast %swap3A_549 : i32 to index
        %swap3A_551 = arith.index_cast %shift_right_arithmetic3A_546 : i32 to index
        %swap3A_552 = arith.index_cast %and3A_548 : i32 to index
        %swap3A_553 = tpu.vector_load %arg6[%swap3A_550, %swap3A_551, %swap3A_552] {strides = array<i32>} : memref<2x8x1024xi32, #tpu.memory_space<vmem>>, vector<16xi32>,
        tpu.vector_store %arg6[%swap3A_550, %swap3A_551, %swap3A_552], %add3A_544 {strides = array<i32>} : memref<2x8x1024xi32, #tpu.memory_space<vmem>>, vector<16xi32>,
        %add3A_554 = arith.constant 384 : i32
        %add3A_555 = arith.addi %add3A_512, %add3A_554 : i32
        %add3A_556 = arith.constant 384 : i32
        %add3A_557 = vector.broadcast %add3A_556 : i32 to vector<16xi32>
        %add3A_558 = arith.addi %add3A_509, %add3A_557 : vector<16xi32>
        %shift_right_arithmetic3A_559 = arith.constant 10 : i32
        %shift_right_arithmetic3A_560 = arith.shrsi %add3A_555, %shift_right_arithmetic3A_559 : i32
        %and3A_561 = arith.constant 1023 : i32
        %and3A_562 = arith.andi %add3A_555, %and3A_561 : i32
        %swap3A_563 = arith.constant 0 : i32
        %swap3A_564 = arith.index_cast %swap3A_563 : i32 to index
        %swap3A_565 = arith.index_cast %shift_right_arithmetic3A_560 : i32 to index
        %swap3A_566 = arith.index_cast %and3A_562 : i32 to index
        %swap3A_567 = tpu.vector_load %arg6[%swap3A_564, %swap3A_565, %swap3A_566] {strides = array<i32>} : memref<2x8x1024xi32, #tpu.memory_space<vmem>>, vector<16xi32>,
        tpu.vector_store %arg6[%swap3A_564, %swap3A_565, %swap3A_566], %add3A_558 {strides = array<i32>} : memref<2x8x1024xi32, #tpu.memory_space<vmem>>, vector<16xi32>,
        %scan3A_568 = arith.constant 1 : i32
        %scan3A_569 = arith.addi %scan3A_379, %scan3A_568 : i32
        %shift_right_arithmetic3A_570 = arith.constant 3 : i32
        %shift_right_arithmetic3A_571 = arith.shrsi %scan3A_569, %shift_right_arithmetic3A_570 : i32
        %and3A_572 = arith.constant 7 : i32
        %and3A_573 = arith.andi %scan3A_569, %and3A_572 : i32
        %mul3A_574 = arith.constant 16 : i32
        %mul3A_575 = arith.muli %and3A_573, %mul3A_574 : i32
        %mul3A_576 = arith.constant 256 : i32
        %mul3A_577 = arith.muli %shift_right_arithmetic3A_571, %mul3A_576 : i32
        %add3A_578 = arith.addi %mul3A_577, %mul3A_575 : i32
        %get3A_579 = arith.constant 0 : i32
        %get3A_580 = arith.index_cast %get3A_579 : i32 to index
        %get3A_581 = arith.index_cast %add3A_578 : i32 to index
        %get3A_582 = tpu.vector_load %arg5[%get3A_580, %get3A_581] {strides = array<i32>} : memref<2x4096xf32, #tpu.memory_space<vmem>>, vector<16xf32>,
        %add3A_583 = arith.constant 128 : i32
        %add3A_584 = arith.addi %add3A_578, %add3A_583 : i32
        %get3A_585 = arith.constant 0 : i32
        %get3A_586 = arith.index_cast %get3A_585 : i32 to index
        %get3A_587 = arith.index_cast %add3A_584 : i32 to index
        %get3A_588 = tpu.vector_load %arg5[%get3A_586, %get3A_587] {strides = array<i32>} : memref<2x4096xf32, #tpu.memory_space<vmem>>, vector<16xf32>,
        %div3A_589 = arith.constant 1.000000e-03 : f32
        %div3A_590 = vector.broadcast %div3A_589 : f32 to vector<16xf32>
        %div3A_591 = arith.divf %get3A_582, %div3A_590 : vector<16xf32>
        %convert_element_type3A_592 = arith.fptosi %div3A_591 : vector<16xf32> to vector<16xi32>
        %div3A_593 = arith.constant 1.000000e-03 : f32
        %div3A_594 = vector.broadcast %div3A_593 : f32 to vector<16xf32>
        %div3A_595 = arith.divf %get3A_588, %div3A_594 : vector<16xf32>
        %convert_element_type3A_596 = arith.fptosi %div3A_595 : vector<16xf32> to vector<16xi32>
        %mul3A_597 = arith.constant 51819 : i32
        %mul3A_598 = vector.broadcast %mul3A_597 : i32 to vector<16xi32>
        %mul3A_599 = arith.muli %convert_element_type3A_592, %mul3A_598 : vector<16xi32>
        %mul3A_600 = arith.constant 34283 : i32
        %mul3A_601 = vector.broadcast %mul3A_600 : i32 to vector<16xi32>
        %mul3A_602 = arith.muli %convert_element_type3A_592, %mul3A_601 : vector<16xi32>
        %and3A_603 = arith.constant 65535 : i32
        %and3A_604 = vector.broadcast %and3A_603 : i32 to vector<16xi32>
        %and3A_605 = arith.andi %mul3A_599, %and3A_604 : vector<16xi32>
        %shift_right_arithmetic3A_606 = arith.constant 16 : i32
        %shift_right_arithmetic3A_607 = vector.broadcast %shift_right_arithmetic3A_606 : i32 to vector<16xi32>
        %shift_right_arithmetic3A_608 = arith.shrsi %mul3A_599, %shift_right_arithmetic3A_607 : vector<16xi32>
        %and3A_609 = arith.constant 65535 : i32
        %and3A_610 = vector.broadcast %and3A_609 : i32 to vector<16xi32>
        %and3A_611 = arith.andi %mul3A_602, %and3A_610 : vector<16xi32>
        %add3A_612 = arith.addi %shift_right_arithmetic3A_608, %and3A_611 : vector<16xi32>
        %and3A_613 = arith.constant 65535 : i32
        %and3A_614 = vector.broadcast %and3A_613 : i32 to vector<16xi32>
        %and3A_615 = arith.andi %add3A_612, %and3A_614 : vector<16xi32>
        %shift_right_arithmetic3A_616 = arith.constant 16 : i32
        %shift_right_arithmetic3A_617 = vector.broadcast %shift_right_arithmetic3A_616 : i32 to vector<16xi32>
        %shift_right_arithmetic3A_618 = arith.shrsi %mul3A_602, %shift_right_arithmetic3A_617 : vector<16xi32>
        %shift_right_arithmetic3A_619 = arith.constant 16 : i32
        %shift_right_arithmetic3A_620 = vector.broadcast %shift_right_arithmetic3A_619 : i32 to vector<16xi32>
        %shift_right_arithmetic3A_621 = arith.shrsi %add3A_612, %shift_right_arithmetic3A_620 : vector<16xi32>
        %add3A_622 = arith.addi %shift_right_arithmetic3A_618, %shift_right_arithmetic3A_621 : vector<16xi32>
        %shift_right_arithmetic3A_623 = arith.constant 13 : i32
        %shift_right_arithmetic3A_624 = vector.broadcast %shift_right_arithmetic3A_623 : i32 to vector<16xi32>
        %shift_right_arithmetic3A_625 = arith.shrsi %and3A_605, %shift_right_arithmetic3A_624 : vector<16xi32>
        %shift_left3A_626 = arith.constant 3 : i32
        %shift_left3A_627 = vector.broadcast %shift_left3A_626 : i32 to vector<16xi32>
        %shift_left3A_628 = arith.shli %and3A_615, %shift_left3A_627 : vector<16xi32>
        %or3A_629 = arith.ori %shift_right_arithmetic3A_625, %shift_left3A_628 : vector<16xi32>
        %and3A_630 = arith.constant 65535 : i32
        %and3A_631 = vector.broadcast %and3A_630 : i32 to vector<16xi32>
        %and3A_632 = arith.andi %or3A_629, %and3A_631 : vector<16xi32>
        %xor3A_633 = arith.xori %and3A_605, %and3A_632 : vector<16xi32>
        %shift_right_arithmetic3A_634 = arith.constant 13 : i32
        %shift_right_arithmetic3A_635 = vector.broadcast %shift_right_arithmetic3A_634 : i32 to vector<16xi32>
        %shift_right_arithmetic3A_636 = arith.shrsi %and3A_615, %shift_right_arithmetic3A_635 : vector<16xi32>
        %shift_left3A_637 = arith.constant 3 : i32
        %shift_left3A_638 = vector.broadcast %shift_left3A_637 : i32 to vector<16xi32>
        %shift_left3A_639 = arith.shli %add3A_622, %shift_left3A_638 : vector<16xi32>
        %or3A_640 = arith.ori %shift_right_arithmetic3A_636, %shift_left3A_639 : vector<16xi32>
        %and3A_641 = arith.constant 65535 : i32
        %and3A_642 = vector.broadcast %and3A_641 : i32 to vector<16xi32>
        %and3A_643 = arith.andi %or3A_640, %and3A_642 : vector<16xi32>
        %xor3A_644 = arith.xori %and3A_615, %and3A_643 : vector<16xi32>
        %mul3A_645 = arith.constant 44597 : i32
        %mul3A_646 = vector.broadcast %mul3A_645 : i32 to vector<16xi32>
        %mul3A_647 = arith.muli %convert_element_type3A_596, %mul3A_646 : vector<16xi32>
        %mul3A_648 = arith.constant 49842 : i32
        %mul3A_649 = vector.broadcast %mul3A_648 : i32 to vector<16xi32>
        %mul3A_650 = arith.muli %convert_element_type3A_596, %mul3A_649 : vector<16xi32>
        %and3A_651 = arith.constant 65535 : i32
        %and3A_652 = vector.broadcast %and3A_651 : i32 to vector<16xi32>
        %and3A_653 = arith.andi %mul3A_647, %and3A_652 : vector<16xi32>
        %shift_right_arithmetic3A_654 = arith.constant 16 : i32
        %shift_right_arithmetic3A_655 = vector.broadcast %shift_right_arithmetic3A_654 : i32 to vector<16xi32>
        %shift_right_arithmetic3A_656 = arith.shrsi %mul3A_647, %shift_right_arithmetic3A_655 : vector<16xi32>
        %and3A_657 = arith.constant 65535 : i32
        %and3A_658 = vector.broadcast %and3A_657 : i32 to vector<16xi32>
        %and3A_659 = arith.andi %mul3A_650, %and3A_658 : vector<16xi32>
        %add3A_660 = arith.addi %shift_right_arithmetic3A_656, %and3A_659 : vector<16xi32>
        %and3A_661 = arith.constant 65535 : i32
        %and3A_662 = vector.broadcast %and3A_661 : i32 to vector<16xi32>
        %and3A_663 = arith.andi %add3A_660, %and3A_662 : vector<16xi32>
        %shift_right_arithmetic3A_664 = arith.constant 16 : i32
        %shift_right_arithmetic3A_665 = vector.broadcast %shift_right_arithmetic3A_664 : i32 to vector<16xi32>
        %shift_right_arithmetic3A_666 = arith.shrsi %mul3A_650, %shift_right_arithmetic3A_665 : vector<16xi32>
        %shift_right_arithmetic3A_667 = arith.constant 16 : i32
        %shift_right_arithmetic3A_668 = vector.broadcast %shift_right_arithmetic3A_667 : i32 to vector<16xi32>
        %shift_right_arithmetic3A_669 = arith.shrsi %add3A_660, %shift_right_arithmetic3A_668 : vector<16xi32>
        %add3A_670 = arith.addi %shift_right_arithmetic3A_666, %shift_right_arithmetic3A_669 : vector<16xi32>
        %add3A_671 = arith.addi %xor3A_633, %and3A_653 : vector<16xi32>
        %and3A_672 = arith.constant 65535 : i32
        %and3A_673 = vector.broadcast %and3A_672 : i32 to vector<16xi32>
        %and3A_674 = arith.andi %add3A_671, %and3A_673 : vector<16xi32>
        %add3A_675 = arith.addi %xor3A_644, %and3A_663 : vector<16xi32>
        %shift_right_arithmetic3A_676 = arith.constant 16 : i32
        %shift_right_arithmetic3A_677 = vector.broadcast %shift_right_arithmetic3A_676 : i32 to vector<16xi32>
        %shift_right_arithmetic3A_678 = arith.shrsi %add3A_671, %shift_right_arithmetic3A_677 : vector<16xi32>
        %add3A_679 = arith.addi %add3A_675, %shift_right_arithmetic3A_678 : vector<16xi32>
        %and3A_680 = arith.constant 65535 : i32
        %and3A_681 = vector.broadcast %and3A_680 : i32 to vector<16xi32>
        %and3A_682 = arith.andi %add3A_679, %and3A_681 : vector<16xi32>
        %add3A_683 = arith.addi %add3A_622, %add3A_670 : vector<16xi32>
        %shift_right_arithmetic3A_684 = arith.constant 16 : i32
        %shift_right_arithmetic3A_685 = vector.broadcast %shift_right_arithmetic3A_684 : i32 to vector<16xi32>
        %shift_right_arithmetic3A_686 = arith.shrsi %add3A_679, %shift_right_arithmetic3A_685 : vector<16xi32>
        %add3A_687 = arith.addi %add3A_683, %shift_right_arithmetic3A_686 : vector<16xi32>
        %xor3A_688 = arith.xori %and3A_674, %and3A_682 : vector<16xi32>
        %xor3A_689 = arith.xori %and3A_682, %add3A_687 : vector<16xi32>
        %and3A_690 = arith.constant 63 : i32
        %and3A_691 = vector.broadcast %and3A_690 : i32 to vector<16xi32>
        %and3A_692 = arith.andi %xor3A_689, %and3A_691 : vector<16xi32>
        %shift_left3A_693 = arith.constant 16 : i32
        %shift_left3A_694 = vector.broadcast %shift_left3A_693 : i32 to vector<16xi32>
        %shift_left3A_695 = arith.shli %and3A_692, %shift_left3A_694 : vector<16xi32>
        %or3A_696 = arith.ori %xor3A_688, %shift_left3A_695 : vector<16xi32>
        %shift_right_arithmetic3A_697 = arith.constant 7 : i32
        %shift_right_arithmetic3A_698 = vector.broadcast %shift_right_arithmetic3A_697 : i32 to vector<16xi32>
        %shift_right_arithmetic3A_699 = arith.shrsi %or3A_696, %shift_right_arithmetic3A_698 : vector<16xi32>
        %shift_left3A_700 = arith.constant 9 : i32
        %shift_left3A_701 = vector.broadcast %shift_left3A_700 : i32 to vector<16xi32>
        %shift_left3A_702 = arith.shli %shift_right_arithmetic3A_699, %shift_left3A_701 : vector<16xi32>
        %and3A_703 = arith.constant 127 : i32
        %and3A_704 = vector.broadcast %and3A_703 : i32 to vector<16xi32>
        %and3A_705 = arith.andi %or3A_696, %and3A_704 : vector<16xi32>
        %add3A_706 = arith.addi %shift_left3A_702, %and3A_705 : vector<16xi32>
        %mul3A_707 = arith.constant 512 : i32
        %mul3A_708 = arith.muli %shift_right_arithmetic3A_571, %mul3A_707 : i32
        %add3A_709 = arith.addi %mul3A_708, %mul3A_575 : i32
        %add3A_710 = arith.constant 0 : i32
        %add3A_711 = arith.addi %add3A_709, %add3A_710 : i32
        %add3A_712 = arith.constant 0 : i32
        %add3A_713 = vector.broadcast %add3A_712 : i32 to vector<16xi32>
        %add3A_714 = arith.addi %add3A_706, %add3A_713 : vector<16xi32>
        %shift_right_arithmetic3A_715 = arith.constant 10 : i32
        %shift_right_arithmetic3A_716 = arith.shrsi %add3A_711, %shift_right_arithmetic3A_715 : i32
        %and3A_717 = arith.constant 1023 : i32
        %and3A_718 = arith.andi %add3A_711, %and3A_717 : i32
        %swap3A_719 = arith.constant 0 : i32
        %swap3A_720 = arith.index_cast %swap3A_719 : i32 to index
        %swap3A_721 = arith.index_cast %shift_right_arithmetic3A_716 : i32 to index
        %swap3A_722 = arith.index_cast %and3A_718 : i32 to index
        %swap3A_723 = tpu.vector_load %arg6[%swap3A_720, %swap3A_721, %swap3A_722] {strides = array<i32>} : memref<2x8x1024xi32, #tpu.memory_space<vmem>>, vector<16xi32>,
        tpu.vector_store %arg6[%swap3A_720, %swap3A_721, %swap3A_722], %add3A_714 {strides = array<i32>} : memref<2x8x1024xi32, #tpu.memory_space<vmem>>, vector<16xi32>,
        %add3A_724 = arith.constant 128 : i32
        %add3A_725 = arith.addi %add3A_709, %add3A_724 : i32
        %add3A_726 = arith.constant 128 : i32
        %add3A_727 = vector.broadcast %add3A_726 : i32 to vector<16xi32>
        %add3A_728 = arith.addi %add3A_706, %add3A_727 : vector<16xi32>
        %shift_right_arithmetic3A_729 = arith.constant 10 : i32
        %shift_right_arithmetic3A_730 = arith.shrsi %add3A_725, %shift_right_arithmetic3A_729 : i32
        %and3A_731 = arith.constant 1023 : i32
        %and3A_732 = arith.andi %add3A_725, %and3A_731 : i32
        %swap3A_733 = arith.constant 0 : i32
        %swap3A_734 = arith.index_cast %swap3A_733 : i32 to index
        %swap3A_735 = arith.index_cast %shift_right_arithmetic3A_730 : i32 to index
        %swap3A_736 = arith.index_cast %and3A_732 : i32 to index
        %swap3A_737 = tpu.vector_load %arg6[%swap3A_734, %swap3A_735, %swap3A_736] {strides = array<i32>} : memref<2x8x1024xi32, #tpu.memory_space<vmem>>, vector<16xi32>,
        tpu.vector_store %arg6[%swap3A_734, %swap3A_735, %swap3A_736], %add3A_728 {strides = array<i32>} : memref<2x8x1024xi32, #tpu.memory_space<vmem>>, vector<16xi32>,
        %add3A_738 = arith.constant 256 : i32
        %add3A_739 = arith.addi %add3A_709, %add3A_738 : i32
        %add3A_740 = arith.constant 256 : i32
        %add3A_741 = vector.broadcast %add3A_740 : i32 to vector<16xi32>
        %add3A_742 = arith.addi %add3A_706, %add3A_741 : vector<16xi32>
        %shift_right_arithmetic3A_743 = arith.constant 10 : i32
        %shift_right_arithmetic3A_744 = arith.shrsi %add3A_739, %shift_right_arithmetic3A_743 : i32
        %and3A_745 = arith.constant 1023 : i32
        %and3A_746 = arith.andi %add3A_739, %and3A_745 : i32
        %swap3A_747 = arith.constant 0 : i32
        %swap3A_748 = arith.index_cast %swap3A_747 : i32 to index
        %swap3A_749 = arith.index_cast %shift_right_arithmetic3A_744 : i32 to index
        %swap3A_750 = arith.index_cast %and3A_746 : i32 to index
        %swap3A_751 = tpu.vector_load %arg6[%swap3A_748, %swap3A_749, %swap3A_750] {strides = array<i32>} : memref<2x8x1024xi32, #tpu.memory_space<vmem>>, vector<16xi32>,
        tpu.vector_store %arg6[%swap3A_748, %swap3A_749, %swap3A_750], %add3A_742 {strides = array<i32>} : memref<2x8x1024xi32, #tpu.memory_space<vmem>>, vector<16xi32>,
        %add3A_752 = arith.constant 384 : i32
        %add3A_753 = arith.addi %add3A_709, %add3A_752 : i32
        %add3A_754 = arith.constant 384 : i32
        %add3A_755 = vector.broadcast %add3A_754 : i32 to vector<16xi32>
        %add3A_756 = arith.addi %add3A_706, %add3A_755 : vector<16xi32>
        %shift_right_arithmetic3A_757 = arith.constant 10 : i32
        %shift_right_arithmetic3A_758 = arith.shrsi %add3A_753, %shift_right_arithmetic3A_757 : i32
        %and3A_759 = arith.constant 1023 : i32
        %and3A_760 = arith.andi %add3A_753, %and3A_759 : i32
        %swap3A_761 = arith.constant 0 : i32
        %swap3A_762 = arith.index_cast %swap3A_761 : i32 to index
        %swap3A_763 = arith.index_cast %shift_right_arithmetic3A_758 : i32 to index
        %swap3A_764 = arith.index_cast %and3A_760 : i32 to index
        %swap3A_765 = tpu.vector_load %arg6[%swap3A_762, %swap3A_763, %swap3A_764] {strides = array<i32>} : memref<2x8x1024xi32, #tpu.memory_space<vmem>>, vector<16xi32>,
        tpu.vector_store %arg6[%swap3A_762, %swap3A_763, %swap3A_764], %add3A_756 {strides = array<i32>} : memref<2x8x1024xi32, #tpu.memory_space<vmem>>, vector<16xi32>,
        %scan3A_766 = arith.constant 2 : i32
        %scan3A_767 = arith.addi %scan3A_379, %scan3A_766 : i32
        %shift_right_arithmetic3A_768 = arith.constant 3 : i32
        %shift_right_arithmetic3A_769 = arith.shrsi %scan3A_767, %shift_right_arithmetic3A_768 : i32
        %and3A_770 = arith.constant 7 : i32
        %and3A_771 = arith.andi %scan3A_767, %and3A_770 : i32
        %mul3A_772 = arith.constant 16 : i32
        %mul3A_773 = arith.muli %and3A_771, %mul3A_772 : i32
        %mul3A_774 = arith.constant 256 : i32
        %mul3A_775 = arith.muli %shift_right_arithmetic3A_769, %mul3A_774 : i32
        %add3A_776 = arith.addi %mul3A_775, %mul3A_773 : i32
        %get3A_777 = arith.constant 0 : i32
        %get3A_778 = arith.index_cast %get3A_777 : i32 to index
        %get3A_779 = arith.index_cast %add3A_776 : i32 to index
        %get3A_780 = tpu.vector_load %arg5[%get3A_778, %get3A_779] {strides = array<i32>} : memref<2x4096xf32, #tpu.memory_space<vmem>>, vector<16xf32>,
        %add3A_781 = arith.constant 128 : i32
        %add3A_782 = arith.addi %add3A_776, %add3A_781 : i32
        %get3A_783 = arith.constant 0 : i32
        %get3A_784 = arith.index_cast %get3A_783 : i32 to index
        %get3A_785 = arith.index_cast %add3A_782 : i32 to index
        %get3A_786 = tpu.vector_load %arg5[%get3A_784, %get3A_785] {strides = array<i32>} : memref<2x4096xf32, #tpu.memory_space<vmem>>, vector<16xf32>,
        %div3A_787 = arith.constant 1.000000e-03 : f32
        %div3A_788 = vector.broadcast %div3A_787 : f32 to vector<16xf32>
        %div3A_789 = arith.divf %get3A_780, %div3A_788 : vector<16xf32>
        %convert_element_type3A_790 = arith.fptosi %div3A_789 : vector<16xf32> to vector<16xi32>
        %div3A_791 = arith.constant 1.000000e-03 : f32
        %div3A_792 = vector.broadcast %div3A_791 : f32 to vector<16xf32>
        %div3A_793 = arith.divf %get3A_786, %div3A_792 : vector<16xf32>
        %convert_element_type3A_794 = arith.fptosi %div3A_793 : vector<16xf32> to vector<16xi32>
        %mul3A_795 = arith.constant 51819 : i32
        %mul3A_796 = vector.broadcast %mul3A_795 : i32 to vector<16xi32>
        %mul3A_797 = arith.muli %convert_element_type3A_790, %mul3A_796 : vector<16xi32>
        %mul3A_798 = arith.constant 34283 : i32
        %mul3A_799 = vector.broadcast %mul3A_798 : i32 to vector<16xi32>
        %mul3A_800 = arith.muli %convert_element_type3A_790, %mul3A_799 : vector<16xi32>
        %and3A_801 = arith.constant 65535 : i32
        %and3A_802 = vector.broadcast %and3A_801 : i32 to vector<16xi32>
        %and3A_803 = arith.andi %mul3A_797, %and3A_802 : vector<16xi32>
        %shift_right_arithmetic3A_804 = arith.constant 16 : i32
        %shift_right_arithmetic3A_805 = vector.broadcast %shift_right_arithmetic3A_804 : i32 to vector<16xi32>
        %shift_right_arithmetic3A_806 = arith.shrsi %mul3A_797, %shift_right_arithmetic3A_805 : vector<16xi32>
        %and3A_807 = arith.constant 65535 : i32
        %and3A_808 = vector.broadcast %and3A_807 : i32 to vector<16xi32>
        %and3A_809 = arith.andi %mul3A_800, %and3A_808 : vector<16xi32>
        %add3A_810 = arith.addi %shift_right_arithmetic3A_806, %and3A_809 : vector<16xi32>
        %and3A_811 = arith.constant 65535 : i32
        %and3A_812 = vector.broadcast %and3A_811 : i32 to vector<16xi32>
        %and3A_813 = arith.andi %add3A_810, %and3A_812 : vector<16xi32>
        %shift_right_arithmetic3A_814 = arith.constant 16 : i32
        %shift_right_arithmetic3A_815 = vector.broadcast %shift_right_arithmetic3A_814 : i32 to vector<16xi32>
        %shift_right_arithmetic3A_816 = arith.shrsi %mul3A_800, %shift_right_arithmetic3A_815 : vector<16xi32>
        %shift_right_arithmetic3A_817 = arith.constant 16 : i32
        %shift_right_arithmetic3A_818 = vector.broadcast %shift_right_arithmetic3A_817 : i32 to vector<16xi32>
        %shift_right_arithmetic3A_819 = arith.shrsi %add3A_810, %shift_right_arithmetic3A_818 : vector<16xi32>
        %add3A_820 = arith.addi %shift_right_arithmetic3A_816, %shift_right_arithmetic3A_819 : vector<16xi32>
        %shift_right_arithmetic3A_821 = arith.constant 13 : i32
        %shift_right_arithmetic3A_822 = vector.broadcast %shift_right_arithmetic3A_821 : i32 to vector<16xi32>
        %shift_right_arithmetic3A_823 = arith.shrsi %and3A_803, %shift_right_arithmetic3A_822 : vector<16xi32>
        %shift_left3A_824 = arith.constant 3 : i32
        %shift_left3A_825 = vector.broadcast %shift_left3A_824 : i32 to vector<16xi32>
        %shift_left3A_826 = arith.shli %and3A_813, %shift_left3A_825 : vector<16xi32>
        %or3A_827 = arith.ori %shift_right_arithmetic3A_823, %shift_left3A_826 : vector<16xi32>
        %and3A_828 = arith.constant 65535 : i32
        %and3A_829 = vector.broadcast %and3A_828 : i32 to vector<16xi32>
        %and3A_830 = arith.andi %or3A_827, %and3A_829 : vector<16xi32>
        %xor3A_831 = arith.xori %and3A_803, %and3A_830 : vector<16xi32>
        %shift_right_arithmetic3A_832 = arith.constant 13 : i32
        %shift_right_arithmetic3A_833 = vector.broadcast %shift_right_arithmetic3A_832 : i32 to vector<16xi32>
        %shift_right_arithmetic3A_834 = arith.shrsi %and3A_813, %shift_right_arithmetic3A_833 : vector<16xi32>
        %shift_left3A_835 = arith.constant 3 : i32
        %shift_left3A_836 = vector.broadcast %shift_left3A_835 : i32 to vector<16xi32>
        %shift_left3A_837 = arith.shli %add3A_820, %shift_left3A_836 : vector<16xi32>
        %or3A_838 = arith.ori %shift_right_arithmetic3A_834, %shift_left3A_837 : vector<16xi32>
        %and3A_839 = arith.constant 65535 : i32
        %and3A_840 = vector.broadcast %and3A_839 : i32 to vector<16xi32>
        %and3A_841 = arith.andi %or3A_838, %and3A_840 : vector<16xi32>
        %xor3A_842 = arith.xori %and3A_813, %and3A_841 : vector<16xi32>
        %mul3A_843 = arith.constant 44597 : i32
        %mul3A_844 = vector.broadcast %mul3A_843 : i32 to vector<16xi32>
        %mul3A_845 = arith.muli %convert_element_type3A_794, %mul3A_844 : vector<16xi32>
        %mul3A_846 = arith.constant 49842 : i32
        %mul3A_847 = vector.broadcast %mul3A_846 : i32 to vector<16xi32>
        %mul3A_848 = arith.muli %convert_element_type3A_794, %mul3A_847 : vector<16xi32>
        %and3A_849 = arith.constant 65535 : i32
        %and3A_850 = vector.broadcast %and3A_849 : i32 to vector<16xi32>
        %and3A_851 = arith.andi %mul3A_845, %and3A_850 : vector<16xi32>
        %shift_right_arithmetic3A_852 = arith.constant 16 : i32
        %shift_right_arithmetic3A_853 = vector.broadcast %shift_right_arithmetic3A_852 : i32 to vector<16xi32>
        %shift_right_arithmetic3A_854 = arith.shrsi %mul3A_845, %shift_right_arithmetic3A_853 : vector<16xi32>
        %and3A_855 = arith.constant 65535 : i32
        %and3A_856 = vector.broadcast %and3A_855 : i32 to vector<16xi32>
        %and3A_857 = arith.andi %mul3A_848, %and3A_856 : vector<16xi32>
        %add3A_858 = arith.addi %shift_right_arithmetic3A_854, %and3A_857 : vector<16xi32>
        %and3A_859 = arith.constant 65535 : i32
        %and3A_860 = vector.broadcast %and3A_859 : i32 to vector<16xi32>
        %and3A_861 = arith.andi %add3A_858, %and3A_860 : vector<16xi32>
        %shift_right_arithmetic3A_862 = arith.constant 16 : i32
        %shift_right_arithmetic3A_863 = vector.broadcast %shift_right_arithmetic3A_862 : i32 to vector<16xi32>
        %shift_right_arithmetic3A_864 = arith.shrsi %mul3A_848, %shift_right_arithmetic3A_863 : vector<16xi32>
        %shift_right_arithmetic3A_865 = arith.constant 16 : i32
        %shift_right_arithmetic3A_866 = vector.broadcast %shift_right_arithmetic3A_865 : i32 to vector<16xi32>
        %shift_right_arithmetic3A_867 = arith.shrsi %add3A_858, %shift_right_arithmetic3A_866 : vector<16xi32>
        %add3A_868 = arith.addi %shift_right_arithmetic3A_864, %shift_right_arithmetic3A_867 : vector<16xi32>
        %add3A_869 = arith.addi %xor3A_831, %and3A_851 : vector<16xi32>
        %and3A_870 = arith.constant 65535 : i32
        %and3A_871 = vector.broadcast %and3A_870 : i32 to vector<16xi32>
        %and3A_872 = arith.andi %add3A_869, %and3A_871 : vector<16xi32>
        %add3A_873 = arith.addi %xor3A_842, %and3A_861 : vector<16xi32>
        %shift_right_arithmetic3A_874 = arith.constant 16 : i32
        %shift_right_arithmetic3A_875 = vector.broadcast %shift_right_arithmetic3A_874 : i32 to vector<16xi32>
        %shift_right_arithmetic3A_876 = arith.shrsi %add3A_869, %shift_right_arithmetic3A_875 : vector<16xi32>
        %add3A_877 = arith.addi %add3A_873, %shift_right_arithmetic3A_876 : vector<16xi32>
        %and3A_878 = arith.constant 65535 : i32
        %and3A_879 = vector.broadcast %and3A_878 : i32 to vector<16xi32>
        %and3A_880 = arith.andi %add3A_877, %and3A_879 : vector<16xi32>
        %add3A_881 = arith.addi %add3A_820, %add3A_868 : vector<16xi32>
        %shift_right_arithmetic3A_882 = arith.constant 16 : i32
        %shift_right_arithmetic3A_883 = vector.broadcast %shift_right_arithmetic3A_882 : i32 to vector<16xi32>
        %shift_right_arithmetic3A_884 = arith.shrsi %add3A_877, %shift_right_arithmetic3A_883 : vector<16xi32>
        %add3A_885 = arith.addi %add3A_881, %shift_right_arithmetic3A_884 : vector<16xi32>
        %xor3A_886 = arith.xori %and3A_872, %and3A_880 : vector<16xi32>
        %xor3A_887 = arith.xori %and3A_880, %add3A_885 : vector<16xi32>
        %and3A_888 = arith.constant 63 : i32
        %and3A_889 = vector.broadcast %and3A_888 : i32 to vector<16xi32>
        %and3A_890 = arith.andi %xor3A_887, %and3A_889 : vector<16xi32>
        %shift_left3A_891 = arith.constant 16 : i32
        %shift_left3A_892 = vector.broadcast %shift_left3A_891 : i32 to vector<16xi32>
        %shift_left3A_893 = arith.shli %and3A_890, %shift_left3A_892 : vector<16xi32>
        %or3A_894 = arith.ori %xor3A_886, %shift_left3A_893 : vector<16xi32>
        %shift_right_arithmetic3A_895 = arith.constant 7 : i32
        %shift_right_arithmetic3A_896 = vector.broadcast %shift_right_arithmetic3A_895 : i32 to vector<16xi32>
        %shift_right_arithmetic3A_897 = arith.shrsi %or3A_894, %shift_right_arithmetic3A_896 : vector<16xi32>
        %shift_left3A_898 = arith.constant 9 : i32
        %shift_left3A_899 = vector.broadcast %shift_left3A_898 : i32 to vector<16xi32>
        %shift_left3A_900 = arith.shli %shift_right_arithmetic3A_897, %shift_left3A_899 : vector<16xi32>
        %and3A_901 = arith.constant 127 : i32
        %and3A_902 = vector.broadcast %and3A_901 : i32 to vector<16xi32>
        %and3A_903 = arith.andi %or3A_894, %and3A_902 : vector<16xi32>
        %add3A_904 = arith.addi %shift_left3A_900, %and3A_903 : vector<16xi32>
        %mul3A_905 = arith.constant 512 : i32
        %mul3A_906 = arith.muli %shift_right_arithmetic3A_769, %mul3A_905 : i32
        %add3A_907 = arith.addi %mul3A_906, %mul3A_773 : i32
        %add3A_908 = arith.constant 0 : i32
        %add3A_909 = arith.addi %add3A_907, %add3A_908 : i32
        %add3A_910 = arith.constant 0 : i32
        %add3A_911 = vector.broadcast %add3A_910 : i32 to vector<16xi32>
        %add3A_912 = arith.addi %add3A_904, %add3A_911 : vector<16xi32>
        %shift_right_arithmetic3A_913 = arith.constant 10 : i32
        %shift_right_arithmetic3A_914 = arith.shrsi %add3A_909, %shift_right_arithmetic3A_913 : i32
        %and3A_915 = arith.constant 1023 : i32
        %and3A_916 = arith.andi %add3A_909, %and3A_915 : i32
        %swap3A_917 = arith.constant 0 : i32
        %swap3A_918 = arith.index_cast %swap3A_917 : i32 to index
        %swap3A_919 = arith.index_cast %shift_right_arithmetic3A_914 : i32 to index
        %swap3A_920 = arith.index_cast %and3A_916 : i32 to index
        %swap3A_921 = tpu.vector_load %arg6[%swap3A_918, %swap3A_919, %swap3A_920] {strides = array<i32>} : memref<2x8x1024xi32, #tpu.memory_space<vmem>>, vector<16xi32>,
        tpu.vector_store %arg6[%swap3A_918, %swap3A_919, %swap3A_920], %add3A_912 {strides = array<i32>} : memref<2x8x1024xi32, #tpu.memory_space<vmem>>, vector<16xi32>,
        %add3A_922 = arith.constant 128 : i32
        %add3A_923 = arith.addi %add3A_907, %add3A_922 : i32
        %add3A_924 = arith.constant 128 : i32
        %add3A_925 = vector.broadcast %add3A_924 : i32 to vector<16xi32>
        %add3A_926 = arith.addi %add3A_904, %add3A_925 : vector<16xi32>
        %shift_right_arithmetic3A_927 = arith.constant 10 : i32
        %shift_right_arithmetic3A_928 = arith.shrsi %add3A_923, %shift_right_arithmetic3A_927 : i32
        %and3A_929 = arith.constant 1023 : i32
        %and3A_930 = arith.andi %add3A_923, %and3A_929 : i32
        %swap3A_931 = arith.constant 0 : i32
        %swap3A_932 = arith.index_cast %swap3A_931 : i32 to index
        %swap3A_933 = arith.index_cast %shift_right_arithmetic3A_928 : i32 to index
        %swap3A_934 = arith.index_cast %and3A_930 : i32 to index
        %swap3A_935 = tpu.vector_load %arg6[%swap3A_932, %swap3A_933, %swap3A_934] {strides = array<i32>} : memref<2x8x1024xi32, #tpu.memory_space<vmem>>, vector<16xi32>,
        tpu.vector_store %arg6[%swap3A_932, %swap3A_933, %swap3A_934], %add3A_926 {strides = array<i32>} : memref<2x8x1024xi32, #tpu.memory_space<vmem>>, vector<16xi32>,
        %add3A_936 = arith.constant 256 : i32
        %add3A_937 = arith.addi %add3A_907, %add3A_936 : i32
        %add3A_938 = arith.constant 256 : i32
        %add3A_939 = vector.broadcast %add3A_938 : i32 to vector<16xi32>
        %add3A_940 = arith.addi %add3A_904, %add3A_939 : vector<16xi32>
        %shift_right_arithmetic3A_941 = arith.constant 10 : i32
        %shift_right_arithmetic3A_942 = arith.shrsi %add3A_937, %shift_right_arithmetic3A_941 : i32
        %and3A_943 = arith.constant 1023 : i32
        %and3A_944 = arith.andi %add3A_937, %and3A_943 : i32
        %swap3A_945 = arith.constant 0 : i32
        %swap3A_946 = arith.index_cast %swap3A_945 : i32 to index
        %swap3A_947 = arith.index_cast %shift_right_arithmetic3A_942 : i32 to index
        %swap3A_948 = arith.index_cast %and3A_944 : i32 to index
        %swap3A_949 = tpu.vector_load %arg6[%swap3A_946, %swap3A_947, %swap3A_948] {strides = array<i32>} : memref<2x8x1024xi32, #tpu.memory_space<vmem>>, vector<16xi32>,
        tpu.vector_store %arg6[%swap3A_946, %swap3A_947, %swap3A_948], %add3A_940 {strides = array<i32>} : memref<2x8x1024xi32, #tpu.memory_space<vmem>>, vector<16xi32>,
        %add3A_950 = arith.constant 384 : i32
        %add3A_951 = arith.addi %add3A_907, %add3A_950 : i32
        %add3A_952 = arith.constant 384 : i32
        %add3A_953 = vector.broadcast %add3A_952 : i32 to vector<16xi32>
        %add3A_954 = arith.addi %add3A_904, %add3A_953 : vector<16xi32>
        %shift_right_arithmetic3A_955 = arith.constant 10 : i32
        %shift_right_arithmetic3A_956 = arith.shrsi %add3A_951, %shift_right_arithmetic3A_955 : i32
        %and3A_957 = arith.constant 1023 : i32
        %and3A_958 = arith.andi %add3A_951, %and3A_957 : i32
        %swap3A_959 = arith.constant 0 : i32
        %swap3A_960 = arith.index_cast %swap3A_959 : i32 to index
        %swap3A_961 = arith.index_cast %shift_right_arithmetic3A_956 : i32 to index
        %swap3A_962 = arith.index_cast %and3A_958 : i32 to index
        %swap3A_963 = tpu.vector_load %arg6[%swap3A_960, %swap3A_961, %swap3A_962] {strides = array<i32>} : memref<2x8x1024xi32, #tpu.memory_space<vmem>>, vector<16xi32>,
        tpu.vector_store %arg6[%swap3A_960, %swap3A_961, %swap3A_962], %add3A_954 {strides = array<i32>} : memref<2x8x1024xi32, #tpu.memory_space<vmem>>, vector<16xi32>,
        %scan3A_964 = arith.constant 3 : i32
        %scan3A_965 = arith.addi %scan3A_379, %scan3A_964 : i32
        %shift_right_arithmetic3A_966 = arith.constant 3 : i32
        %shift_right_arithmetic3A_967 = arith.shrsi %scan3A_965, %shift_right_arithmetic3A_966 : i32
        %and3A_968 = arith.constant 7 : i32
        %and3A_969 = arith.andi %scan3A_965, %and3A_968 : i32
        %mul3A_970 = arith.constant 16 : i32
        %mul3A_971 = arith.muli %and3A_969, %mul3A_970 : i32
        %mul3A_972 = arith.constant 256 : i32
        %mul3A_973 = arith.muli %shift_right_arithmetic3A_967, %mul3A_972 : i32
        %add3A_974 = arith.addi %mul3A_973, %mul3A_971 : i32
        %get3A_975 = arith.constant 0 : i32
        %get3A_976 = arith.index_cast %get3A_975 : i32 to index
        %get3A_977 = arith.index_cast %add3A_974 : i32 to index
        %get3A_978 = tpu.vector_load %arg5[%get3A_976, %get3A_977] {strides = array<i32>} : memref<2x4096xf32, #tpu.memory_space<vmem>>, vector<16xf32>,
        %add3A_979 = arith.constant 128 : i32
        %add3A_980 = arith.addi %add3A_974, %add3A_979 : i32
        %get3A_981 = arith.constant 0 : i32
        %get3A_982 = arith.index_cast %get3A_981 : i32 to index
        %get3A_983 = arith.index_cast %add3A_980 : i32 to index
        %get3A_984 = tpu.vector_load %arg5[%get3A_982, %get3A_983] {strides = array<i32>} : memref<2x4096xf32, #tpu.memory_space<vmem>>, vector<16xf32>,
        %div3A_985 = arith.constant 1.000000e-03 : f32
        %div3A_986 = vector.broadcast %div3A_985 : f32 to vector<16xf32>
        %div3A_987 = arith.divf %get3A_978, %div3A_986 : vector<16xf32>
        %convert_element_type3A_988 = arith.fptosi %div3A_987 : vector<16xf32> to vector<16xi32>
        %div3A_989 = arith.constant 1.000000e-03 : f32
        %div3A_990 = vector.broadcast %div3A_989 : f32 to vector<16xf32>
        %div3A_991 = arith.divf %get3A_984, %div3A_990 : vector<16xf32>
        %convert_element_type3A_992 = arith.fptosi %div3A_991 : vector<16xf32> to vector<16xi32>
        %mul3A_993 = arith.constant 51819 : i32
        %mul3A_994 = vector.broadcast %mul3A_993 : i32 to vector<16xi32>
        %mul3A_995 = arith.muli %convert_element_type3A_988, %mul3A_994 : vector<16xi32>
        %mul3A_996 = arith.constant 34283 : i32
        %mul3A_997 = vector.broadcast %mul3A_996 : i32 to vector<16xi32>
        %mul3A_998 = arith.muli %convert_element_type3A_988, %mul3A_997 : vector<16xi32>
        %and3A_999 = arith.constant 65535 : i32
        %and3A_1000 = vector.broadcast %and3A_999 : i32 to vector<16xi32>
        %and3A_1001 = arith.andi %mul3A_995, %and3A_1000 : vector<16xi32>
        %shift_right_arithmetic3A_1002 = arith.constant 16 : i32
        %shift_right_arithmetic3A_1003 = vector.broadcast %shift_right_arithmetic3A_1002 : i32 to vector<16xi32>
        %shift_right_arithmetic3A_1004 = arith.shrsi %mul3A_995, %shift_right_arithmetic3A_1003 : vector<16xi32>
        %and3A_1005 = arith.constant 65535 : i32
        %and3A_1006 = vector.broadcast %and3A_1005 : i32 to vector<16xi32>
        %and3A_1007 = arith.andi %mul3A_998, %and3A_1006 : vector<16xi32>
        %add3A_1008 = arith.addi %shift_right_arithmetic3A_1004, %and3A_1007 : vector<16xi32>
        %and3A_1009 = arith.constant 65535 : i32
        %and3A_1010 = vector.broadcast %and3A_1009 : i32 to vector<16xi32>
        %and3A_1011 = arith.andi %add3A_1008, %and3A_1010 : vector<16xi32>
        %shift_right_arithmetic3A_1012 = arith.constant 16 : i32
        %shift_right_arithmetic3A_1013 = vector.broadcast %shift_right_arithmetic3A_1012 : i32 to vector<16xi32>
        %shift_right_arithmetic3A_1014 = arith.shrsi %mul3A_998, %shift_right_arithmetic3A_1013 : vector<16xi32>
        %shift_right_arithmetic3A_1015 = arith.constant 16 : i32
        %shift_right_arithmetic3A_1016 = vector.broadcast %shift_right_arithmetic3A_1015 : i32 to vector<16xi32>
        %shift_right_arithmetic3A_1017 = arith.shrsi %add3A_1008, %shift_right_arithmetic3A_1016 : vector<16xi32>
        %add3A_1018 = arith.addi %shift_right_arithmetic3A_1014, %shift_right_arithmetic3A_1017 : vector<16xi32>
        %shift_right_arithmetic3A_1019 = arith.constant 13 : i32
        %shift_right_arithmetic3A_1020 = vector.broadcast %shift_right_arithmetic3A_1019 : i32 to vector<16xi32>
        %shift_right_arithmetic3A_1021 = arith.shrsi %and3A_1001, %shift_right_arithmetic3A_1020 : vector<16xi32>
        %shift_left3A_1022 = arith.constant 3 : i32
        %shift_left3A_1023 = vector.broadcast %shift_left3A_1022 : i32 to vector<16xi32>
        %shift_left3A_1024 = arith.shli %and3A_1011, %shift_left3A_1023 : vector<16xi32>
        %or3A_1025 = arith.ori %shift_right_arithmetic3A_1021, %shift_left3A_1024 : vector<16xi32>
        %and3A_1026 = arith.constant 65535 : i32
        %and3A_1027 = vector.broadcast %and3A_1026 : i32 to vector<16xi32>
        %and3A_1028 = arith.andi %or3A_1025, %and3A_1027 : vector<16xi32>
        %xor3A_1029 = arith.xori %and3A_1001, %and3A_1028 : vector<16xi32>
        %shift_right_arithmetic3A_1030 = arith.constant 13 : i32
        %shift_right_arithmetic3A_1031 = vector.broadcast %shift_right_arithmetic3A_1030 : i32 to vector<16xi32>
        %shift_right_arithmetic3A_1032 = arith.shrsi %and3A_1011, %shift_right_arithmetic3A_1031 : vector<16xi32>
        %shift_left3A_1033 = arith.constant 3 : i32
        %shift_left3A_1034 = vector.broadcast %shift_left3A_1033 : i32 to vector<16xi32>
        %shift_left3A_1035 = arith.shli %add3A_1018, %shift_left3A_1034 : vector<16xi32>
        %or3A_1036 = arith.ori %shift_right_arithmetic3A_1032, %shift_left3A_1035 : vector<16xi32>
        %and3A_1037 = arith.constant 65535 : i32
        %and3A_1038 = vector.broadcast %and3A_1037 : i32 to vector<16xi32>
        %and3A_1039 = arith.andi %or3A_1036, %and3A_1038 : vector<16xi32>
        %xor3A_1040 = arith.xori %and3A_1011, %and3A_1039 : vector<16xi32>
        %mul3A_1041 = arith.constant 44597 : i32
        %mul3A_1042 = vector.broadcast %mul3A_1041 : i32 to vector<16xi32>
        %mul3A_1043 = arith.muli %convert_element_type3A_992, %mul3A_1042 : vector<16xi32>
        %mul3A_1044 = arith.constant 49842 : i32
        %mul3A_1045 = vector.broadcast %mul3A_1044 : i32 to vector<16xi32>
        %mul3A_1046 = arith.muli %convert_element_type3A_992, %mul3A_1045 : vector<16xi32>
        %and3A_1047 = arith.constant 65535 : i32
        %and3A_1048 = vector.broadcast %and3A_1047 : i32 to vector<16xi32>
        %and3A_1049 = arith.andi %mul3A_1043, %and3A_1048 : vector<16xi32>
        %shift_right_arithmetic3A_1050 = arith.constant 16 : i32
        %shift_right_arithmetic3A_1051 = vector.broadcast %shift_right_arithmetic3A_1050 : i32 to vector<16xi32>
        %shift_right_arithmetic3A_1052 = arith.shrsi %mul3A_1043, %shift_right_arithmetic3A_1051 : vector<16xi32>
        %and3A_1053 = arith.constant 65535 : i32
        %and3A_1054 = vector.broadcast %and3A_1053 : i32 to vector<16xi32>
        %and3A_1055 = arith.andi %mul3A_1046, %and3A_1054 : vector<16xi32>
        %add3A_1056 = arith.addi %shift_right_arithmetic3A_1052, %and3A_1055 : vector<16xi32>
        %and3A_1057 = arith.constant 65535 : i32
        %and3A_1058 = vector.broadcast %and3A_1057 : i32 to vector<16xi32>
        %and3A_1059 = arith.andi %add3A_1056, %and3A_1058 : vector<16xi32>
        %shift_right_arithmetic3A_1060 = arith.constant 16 : i32
        %shift_right_arithmetic3A_1061 = vector.broadcast %shift_right_arithmetic3A_1060 : i32 to vector<16xi32>
        %shift_right_arithmetic3A_1062 = arith.shrsi %mul3A_1046, %shift_right_arithmetic3A_1061 : vector<16xi32>
        %shift_right_arithmetic3A_1063 = arith.constant 16 : i32
        %shift_right_arithmetic3A_1064 = vector.broadcast %shift_right_arithmetic3A_1063 : i32 to vector<16xi32>
        %shift_right_arithmetic3A_1065 = arith.shrsi %add3A_1056, %shift_right_arithmetic3A_1064 : vector<16xi32>
        %add3A_1066 = arith.addi %shift_right_arithmetic3A_1062, %shift_right_arithmetic3A_1065 : vector<16xi32>
        %add3A_1067 = arith.addi %xor3A_1029, %and3A_1049 : vector<16xi32>
        %and3A_1068 = arith.constant 65535 : i32
        %and3A_1069 = vector.broadcast %and3A_1068 : i32 to vector<16xi32>
        %and3A_1070 = arith.andi %add3A_1067, %and3A_1069 : vector<16xi32>
        %add3A_1071 = arith.addi %xor3A_1040, %and3A_1059 : vector<16xi32>
        %shift_right_arithmetic3A_1072 = arith.constant 16 : i32
        %shift_right_arithmetic3A_1073 = vector.broadcast %shift_right_arithmetic3A_1072 : i32 to vector<16xi32>
        %shift_right_arithmetic3A_1074 = arith.shrsi %add3A_1067, %shift_right_arithmetic3A_1073 : vector<16xi32>
        %add3A_1075 = arith.addi %add3A_1071, %shift_right_arithmetic3A_1074 : vector<16xi32>
        %and3A_1076 = arith.constant 65535 : i32
        %and3A_1077 = vector.broadcast %and3A_1076 : i32 to vector<16xi32>
        %and3A_1078 = arith.andi %add3A_1075, %and3A_1077 : vector<16xi32>
        %add3A_1079 = arith.addi %add3A_1018, %add3A_1066 : vector<16xi32>
        %shift_right_arithmetic3A_1080 = arith.constant 16 : i32
        %shift_right_arithmetic3A_1081 = vector.broadcast %shift_right_arithmetic3A_1080 : i32 to vector<16xi32>
        %shift_right_arithmetic3A_1082 = arith.shrsi %add3A_1075, %shift_right_arithmetic3A_1081 : vector<16xi32>
        %add3A_1083 = arith.addi %add3A_1079, %shift_right_arithmetic3A_1082 : vector<16xi32>
        %xor3A_1084 = arith.xori %and3A_1070, %and3A_1078 : vector<16xi32>
        %xor3A_1085 = arith.xori %and3A_1078, %add3A_1083 : vector<16xi32>
        %and3A_1086 = arith.constant 63 : i32
        %and3A_1087 = vector.broadcast %and3A_1086 : i32 to vector<16xi32>
        %and3A_1088 = arith.andi %xor3A_1085, %and3A_1087 : vector<16xi32>
        %shift_left3A_1089 = arith.constant 16 : i32
        %shift_left3A_1090 = vector.broadcast %shift_left3A_1089 : i32 to vector<16xi32>
        %shift_left3A_1091 = arith.shli %and3A_1088, %shift_left3A_1090 : vector<16xi32>
        %or3A_1092 = arith.ori %xor3A_1084, %shift_left3A_1091 : vector<16xi32>
        %shift_right_arithmetic3A_1093 = arith.constant 7 : i32
        %shift_right_arithmetic3A_1094 = vector.broadcast %shift_right_arithmetic3A_1093 : i32 to vector<16xi32>
        %shift_right_arithmetic3A_1095 = arith.shrsi %or3A_1092, %shift_right_arithmetic3A_1094 : vector<16xi32>
        %shift_left3A_1096 = arith.constant 9 : i32
        %shift_left3A_1097 = vector.broadcast %shift_left3A_1096 : i32 to vector<16xi32>
        %shift_left3A_1098 = arith.shli %shift_right_arithmetic3A_1095, %shift_left3A_1097 : vector<16xi32>
        %and3A_1099 = arith.constant 127 : i32
        %and3A_1100 = vector.broadcast %and3A_1099 : i32 to vector<16xi32>
        %and3A_1101 = arith.andi %or3A_1092, %and3A_1100 : vector<16xi32>
        %add3A_1102 = arith.addi %shift_left3A_1098, %and3A_1101 : vector<16xi32>
        %mul3A_1103 = arith.constant 512 : i32
        %mul3A_1104 = arith.muli %shift_right_arithmetic3A_967, %mul3A_1103 : i32
        %add3A_1105 = arith.addi %mul3A_1104, %mul3A_971 : i32
        %add3A_1106 = arith.constant 0 : i32
        %add3A_1107 = arith.addi %add3A_1105, %add3A_1106 : i32
        %add3A_1108 = arith.constant 0 : i32
        %add3A_1109 = vector.broadcast %add3A_1108 : i32 to vector<16xi32>
        %add3A_1110 = arith.addi %add3A_1102, %add3A_1109 : vector<16xi32>
        %shift_right_arithmetic3A_1111 = arith.constant 10 : i32
        %shift_right_arithmetic3A_1112 = arith.shrsi %add3A_1107, %shift_right_arithmetic3A_1111 : i32
        %and3A_1113 = arith.constant 1023 : i32
        %and3A_1114 = arith.andi %add3A_1107, %and3A_1113 : i32
        %swap3A_1115 = arith.constant 0 : i32
        %swap3A_1116 = arith.index_cast %swap3A_1115 : i32 to index
        %swap3A_1117 = arith.index_cast %shift_right_arithmetic3A_1112 : i32 to index
        %swap3A_1118 = arith.index_cast %and3A_1114 : i32 to index
        %swap3A_1119 = tpu.vector_load %arg6[%swap3A_1116, %swap3A_1117, %swap3A_1118] {strides = array<i32>} : memref<2x8x1024xi32, #tpu.memory_space<vmem>>, vector<16xi32>,
        tpu.vector_store %arg6[%swap3A_1116, %swap3A_1117, %swap3A_1118], %add3A_1110 {strides = array<i32>} : memref<2x8x1024xi32, #tpu.memory_space<vmem>>, vector<16xi32>,
        %add3A_1120 = arith.constant 128 : i32
        %add3A_1121 = arith.addi %add3A_1105, %add3A_1120 : i32
        %add3A_1122 = arith.constant 128 : i32
        %add3A_1123 = vector.broadcast %add3A_1122 : i32 to vector<16xi32>
        %add3A_1124 = arith.addi %add3A_1102, %add3A_1123 : vector<16xi32>
        %shift_right_arithmetic3A_1125 = arith.constant 10 : i32
        %shift_right_arithmetic3A_1126 = arith.shrsi %add3A_1121, %shift_right_arithmetic3A_1125 : i32
        %and3A_1127 = arith.constant 1023 : i32
        %and3A_1128 = arith.andi %add3A_1121, %and3A_1127 : i32
        %swap3A_1129 = arith.constant 0 : i32
        %swap3A_1130 = arith.index_cast %swap3A_1129 : i32 to index
        %swap3A_1131 = arith.index_cast %shift_right_arithmetic3A_1126 : i32 to index
        %swap3A_1132 = arith.index_cast %and3A_1128 : i32 to index
        %swap3A_1133 = tpu.vector_load %arg6[%swap3A_1130, %swap3A_1131, %swap3A_1132] {strides = array<i32>} : memref<2x8x1024xi32, #tpu.memory_space<vmem>>, vector<16xi32>,
        tpu.vector_store %arg6[%swap3A_1130, %swap3A_1131, %swap3A_1132], %add3A_1124 {strides = array<i32>} : memref<2x8x1024xi32, #tpu.memory_space<vmem>>, vector<16xi32>,
        %add3A_1134 = arith.constant 256 : i32
        %add3A_1135 = arith.addi %add3A_1105, %add3A_1134 : i32
        %add3A_1136 = arith.constant 256 : i32
        %add3A_1137 = vector.broadcast %add3A_1136 : i32 to vector<16xi32>
        %add3A_1138 = arith.addi %add3A_1102, %add3A_1137 : vector<16xi32>
        %shift_right_arithmetic3A_1139 = arith.constant 10 : i32
        %shift_right_arithmetic3A_1140 = arith.shrsi %add3A_1135, %shift_right_arithmetic3A_1139 : i32
        %and3A_1141 = arith.constant 1023 : i32
        %and3A_1142 = arith.andi %add3A_1135, %and3A_1141 : i32
        %swap3A_1143 = arith.constant 0 : i32
        %swap3A_1144 = arith.index_cast %swap3A_1143 : i32 to index
        %swap3A_1145 = arith.index_cast %shift_right_arithmetic3A_1140 : i32 to index
        %swap3A_1146 = arith.index_cast %and3A_1142 : i32 to index
        %swap3A_1147 = tpu.vector_load %arg6[%swap3A_1144, %swap3A_1145, %swap3A_1146] {strides = array<i32>} : memref<2x8x1024xi32, #tpu.memory_space<vmem>>, vector<16xi32>,
        tpu.vector_store %arg6[%swap3A_1144, %swap3A_1145, %swap3A_1146], %add3A_1138 {strides = array<i32>} : memref<2x8x1024xi32, #tpu.memory_space<vmem>>, vector<16xi32>,
        %add3A_1148 = arith.constant 384 : i32
        %add3A_1149 = arith.addi %add3A_1105, %add3A_1148 : i32
        %add3A_1150 = arith.constant 384 : i32
        %add3A_1151 = vector.broadcast %add3A_1150 : i32 to vector<16xi32>
        %add3A_1152 = arith.addi %add3A_1102, %add3A_1151 : vector<16xi32>
        %shift_right_arithmetic3A_1153 = arith.constant 10 : i32
        %shift_right_arithmetic3A_1154 = arith.shrsi %add3A_1149, %shift_right_arithmetic3A_1153 : i32
        %and3A_1155 = arith.constant 1023 : i32
        %and3A_1156 = arith.andi %add3A_1149, %and3A_1155 : i32
        %swap3A_1157 = arith.constant 0 : i32
        %swap3A_1158 = arith.index_cast %swap3A_1157 : i32 to index
        %swap3A_1159 = arith.index_cast %shift_right_arithmetic3A_1154 : i32 to index
        %swap3A_1160 = arith.index_cast %and3A_1156 : i32 to index
        %swap3A_1161 = tpu.vector_load %arg6[%swap3A_1158, %swap3A_1159, %swap3A_1160] {strides = array<i32>} : memref<2x8x1024xi32, #tpu.memory_space<vmem>>, vector<16xi32>,
        tpu.vector_store %arg6[%swap3A_1158, %swap3A_1159, %swap3A_1160], %add3A_1152 {strides = array<i32>} : memref<2x8x1024xi32, #tpu.memory_space<vmem>>, vector<16xi32>,
      }
      %scan3A_159 = arith.constant 128 : i32
      %gt3A = arith.constant 1 : i32
      %gt3A_160 = arith.cmpi sgt, %mul3A_140, %gt3A : i32
      %convert_element_type3A_161 = arith.extui %gt3A_160 : i1 to i32
      %cond3A_162 = arith.constant 0 : i32
      %cond3A_163 = arith.cmpi ne, %convert_element_type3A_161, %cond3A_162 : i32
      scf.if %cond3A_163 {
        %mul3A_379 = arith.constant 4 : i32
        %mul3A_380 = arith.muli %mul3A_2, %mul3A_379 : i32
        %dma_wait3A_381 = arith.constant 0 : i32
        %dma_wait3A_382 = arith.constant 0 : i32
        %dma_wait3A_383 = tpu.memref_slice %arg7[%dma_wait3A_381, %dma_wait3A_382] : memref<2x8192xf32, #tpu.memory_space<vmem>> -> memref<1x8192xf32, #tpu.memory_space<vmem>>
        %dma_wait3A_384 = tpu.memref_squeeze %dma_wait3A_383 : memref<1x8192xf32, #tpu.memory_space<vmem>> -> memref<8192xf32, #tpu.memory_space<vmem>>
        %dma_wait3A_385 = tpu.memref_slice %arg4[%mul3A_380] : memref<4194304xf32, #tpu.memory_space<hbm>> -> memref<8192xf32, #tpu.memory_space<hbm>>
        %dma_wait3A_386 = tpu.memref_slice %arg4[%mul3A_380] : memref<4194304xf32, #tpu.memory_space<hbm>> -> memref<8192xf32, #tpu.memory_space<hbm>>
        %dma_wait3A_387 = arith.constant 0 : i32
        %dma_wait3A_388 = tpu.memref_slice %arg7[%dma_wait3A_381, %dma_wait3A_387] : memref<2x8192xf32, #tpu.memory_space<vmem>> -> memref<1x8192xf32, #tpu.memory_space<vmem>>
        %dma_wait3A_389 = tpu.memref_squeeze %dma_wait3A_388 : memref<1x8192xf32, #tpu.memory_space<vmem>> -> memref<8192xf32, #tpu.memory_space<vmem>>
        tpu.wait_dma2 semaphore(%arg10 : memref<!tpu.dma_semaphore, #tpu.memory_space<semaphore_mem>>) src(%dma_wait3A_389 : memref<8192xf32, #tpu.memory_space<vmem>>) dst(%dma_wait3A_386 : memref<8192xf32, #tpu.memory_space<hbm>>)
      } else {
      }
      %dma_start3A_164 = arith.constant 0 : i32
      %dma_start3A_165 = arith.constant 0 : i32
      %dma_start3A_166 = arith.constant 0 : i32
      %dma_start3A_167 = arith.constant 0 : i32
      %dma_start3A_168 = tpu.memref_slice %arg7[%dma_start3A_166, %dma_start3A_167] : memref<2x8192xf32, #tpu.memory_space<vmem>> -> memref<1x1024xf32, #tpu.memory_space<vmem>>
      %dma_start3A_169 = tpu.memref_squeeze %dma_start3A_168 : memref<1x1024xf32, #tpu.memory_space<vmem>> -> memref<1024xf32, #tpu.memory_space<vmem>>
      %dma_start3A_170 = arith.constant 0 : i32
      %dma_start3A_171 = tpu.memref_slice %arg6[%dma_start3A_164, %dma_start3A_165, %dma_start3A_170] : memref<2x8x1024xi32, #tpu.memory_space<vmem>> -> memref<1x1x1024xi32, #tpu.memory_space<vmem>>
      %dma_start3A_172 = tpu.memref_squeeze %dma_start3A_171 : memref<1x1x1024xi32, #tpu.memory_space<vmem>> -> memref<1024xi32, #tpu.memory_space<vmem>>
      %dma_start3A_173 = arith.constant 0 : i32
      %dma_start3A_174 = tpu.memref_slice %arg3[%dma_start3A_173] : memref<16777216xf32, #tpu.memory_space<hbm>> -> memref<16777216xf32, #tpu.memory_space<hbm>>
      tpu.enqueue_indirect_dma source(%dma_start3A_174 : memref<16777216xf32, #tpu.memory_space<hbm>>) target(%dma_start3A_169 : memref<1024xf32, #tpu.memory_space<vmem>>) offsets(%dma_start3A_172 : memref<1024xi32, #tpu.memory_space<vmem>>) semaphore(%arg8 : memref<!tpu.dma_semaphore, #tpu.memory_space<semaphore_mem>>)
      %dma_start3A_175 = arith.constant 0 : i32
      %dma_start3A_176 = arith.constant 1 : i32
      %dma_start3A_177 = arith.constant 0 : i32
      %dma_start3A_178 = arith.constant 1024 : i32
      %dma_start3A_179 = tpu.memref_slice %arg7[%dma_start3A_177, %dma_start3A_178] : memref<2x8192xf32, #tpu.memory_space<vmem>> -> memref<1x1024xf32, #tpu.memory_space<vmem>>
      %dma_start3A_180 = tpu.memref_squeeze %dma_start3A_179 : memref<1x1024xf32, #tpu.memory_space<vmem>> -> memref<1024xf32, #tpu.memory_space<vmem>>
      %dma_start3A_181 = arith.constant 0 : i32
      %dma_start3A_182 = tpu.memref_slice %arg6[%dma_start3A_175, %dma_start3A_176, %dma_start3A_181] : memref<2x8x1024xi32, #tpu.memory_space<vmem>> -> memref<1x1x1024xi32, #tpu.memory_space<vmem>>
      %dma_start3A_183 = tpu.memref_squeeze %dma_start3A_182 : memref<1x1x1024xi32, #tpu.memory_space<vmem>> -> memref<1024xi32, #tpu.memory_space<vmem>>
      %dma_start3A_184 = arith.constant 0 : i32
      %dma_start3A_185 = tpu.memref_slice %arg3[%dma_start3A_184] : memref<16777216xf32, #tpu.memory_space<hbm>> -> memref<16777216xf32, #tpu.memory_space<hbm>>
      tpu.enqueue_indirect_dma source(%dma_start3A_185 : memref<16777216xf32, #tpu.memory_space<hbm>>) target(%dma_start3A_180 : memref<1024xf32, #tpu.memory_space<vmem>>) offsets(%dma_start3A_183 : memref<1024xi32, #tpu.memory_space<vmem>>) semaphore(%arg8 : memref<!tpu.dma_semaphore, #tpu.memory_space<semaphore_mem>>)
      %dma_start3A_186 = arith.constant 0 : i32
      %dma_start3A_187 = arith.constant 2 : i32
      %dma_start3A_188 = arith.constant 0 : i32
      %dma_start3A_189 = arith.constant 2048 : i32
      %dma_start3A_190 = tpu.memref_slice %arg7[%dma_start3A_188, %dma_start3A_189] : memref<2x8192xf32, #tpu.memory_space<vmem>> -> memref<1x1024xf32, #tpu.memory_space<vmem>>
      %dma_start3A_191 = tpu.memref_squeeze %dma_start3A_190 : memref<1x1024xf32, #tpu.memory_space<vmem>> -> memref<1024xf32, #tpu.memory_space<vmem>>
      %dma_start3A_192 = arith.constant 0 : i32
      %dma_start3A_193 = tpu.memref_slice %arg6[%dma_start3A_186, %dma_start3A_187, %dma_start3A_192] : memref<2x8x1024xi32, #tpu.memory_space<vmem>> -> memref<1x1x1024xi32, #tpu.memory_space<vmem>>
      %dma_start3A_194 = tpu.memref_squeeze %dma_start3A_193 : memref<1x1x1024xi32, #tpu.memory_space<vmem>> -> memref<1024xi32, #tpu.memory_space<vmem>>
      %dma_start3A_195 = arith.constant 0 : i32
      %dma_start3A_196 = tpu.memref_slice %arg3[%dma_start3A_195] : memref<16777216xf32, #tpu.memory_space<hbm>> -> memref<16777216xf32, #tpu.memory_space<hbm>>
      tpu.enqueue_indirect_dma source(%dma_start3A_196 : memref<16777216xf32, #tpu.memory_space<hbm>>) target(%dma_start3A_191 : memref<1024xf32, #tpu.memory_space<vmem>>) offsets(%dma_start3A_194 : memref<1024xi32, #tpu.memory_space<vmem>>) semaphore(%arg8 : memref<!tpu.dma_semaphore, #tpu.memory_space<semaphore_mem>>)
      %dma_start3A_197 = arith.constant 0 : i32
      %dma_start3A_198 = arith.constant 3 : i32
      %dma_start3A_199 = arith.constant 0 : i32
      %dma_start3A_200 = arith.constant 3072 : i32
      %dma_start3A_201 = tpu.memref_slice %arg7[%dma_start3A_199, %dma_start3A_200] : memref<2x8192xf32, #tpu.memory_space<vmem>> -> memref<1x1024xf32, #tpu.memory_space<vmem>>
      %dma_start3A_202 = tpu.memref_squeeze %dma_start3A_201 : memref<1x1024xf32, #tpu.memory_space<vmem>> -> memref<1024xf32, #tpu.memory_space<vmem>>
      %dma_start3A_203 = arith.constant 0 : i32
      %dma_start3A_204 = tpu.memref_slice %arg6[%dma_start3A_197, %dma_start3A_198, %dma_start3A_203] : memref<2x8x1024xi32, #tpu.memory_space<vmem>> -> memref<1x1x1024xi32, #tpu.memory_space<vmem>>
      %dma_start3A_205 = tpu.memref_squeeze %dma_start3A_204 : memref<1x1x1024xi32, #tpu.memory_space<vmem>> -> memref<1024xi32, #tpu.memory_space<vmem>>
      %dma_start3A_206 = arith.constant 0 : i32
      %dma_start3A_207 = tpu.memref_slice %arg3[%dma_start3A_206] : memref<16777216xf32, #tpu.memory_space<hbm>> -> memref<16777216xf32, #tpu.memory_space<hbm>>
      tpu.enqueue_indirect_dma source(%dma_start3A_207 : memref<16777216xf32, #tpu.memory_space<hbm>>) target(%dma_start3A_202 : memref<1024xf32, #tpu.memory_space<vmem>>) offsets(%dma_start3A_205 : memref<1024xi32, #tpu.memory_space<vmem>>) semaphore(%arg8 : memref<!tpu.dma_semaphore, #tpu.memory_space<semaphore_mem>>)
      %dma_start3A_208 = arith.constant 0 : i32
      %dma_start3A_209 = arith.constant 4 : i32
      %dma_start3A_210 = arith.constant 0 : i32
      %dma_start3A_211 = arith.constant 4096 : i32
      %dma_start3A_212 = tpu.memref_slice %arg7[%dma_start3A_210, %dma_start3A_211] : memref<2x8192xf32, #tpu.memory_space<vmem>> -> memref<1x1024xf32, #tpu.memory_space<vmem>>
      %dma_start3A_213 = tpu.memref_squeeze %dma_start3A_212 : memref<1x1024xf32, #tpu.memory_space<vmem>> -> memref<1024xf32, #tpu.memory_space<vmem>>
      %dma_start3A_214 = arith.constant 0 : i32
      %dma_start3A_215 = tpu.memref_slice %arg6[%dma_start3A_208, %dma_start3A_209, %dma_start3A_214] : memref<2x8x1024xi32, #tpu.memory_space<vmem>> -> memref<1x1x1024xi32, #tpu.memory_space<vmem>>
      %dma_start3A_216 = tpu.memref_squeeze %dma_start3A_215 : memref<1x1x1024xi32, #tpu.memory_space<vmem>> -> memref<1024xi32, #tpu.memory_space<vmem>>
      %dma_start3A_217 = arith.constant 0 : i32
      %dma_start3A_218 = tpu.memref_slice %arg3[%dma_start3A_217] : memref<16777216xf32, #tpu.memory_space<hbm>> -> memref<16777216xf32, #tpu.memory_space<hbm>>
      tpu.enqueue_indirect_dma source(%dma_start3A_218 : memref<16777216xf32, #tpu.memory_space<hbm>>) target(%dma_start3A_213 : memref<1024xf32, #tpu.memory_space<vmem>>) offsets(%dma_start3A_216 : memref<1024xi32, #tpu.memory_space<vmem>>) semaphore(%arg8 : memref<!tpu.dma_semaphore, #tpu.memory_space<semaphore_mem>>)
      %dma_start3A_219 = arith.constant 0 : i32
      %dma_start3A_220 = arith.constant 5 : i32
      %dma_start3A_221 = arith.constant 0 : i32
      %dma_start3A_222 = arith.constant 5120 : i32
      %dma_start3A_223 = tpu.memref_slice %arg7[%dma_start3A_221, %dma_start3A_222] : memref<2x8192xf32, #tpu.memory_space<vmem>> -> memref<1x1024xf32, #tpu.memory_space<vmem>>
      %dma_start3A_224 = tpu.memref_squeeze %dma_start3A_223 : memref<1x1024xf32, #tpu.memory_space<vmem>> -> memref<1024xf32, #tpu.memory_space<vmem>>
      %dma_start3A_225 = arith.constant 0 : i32
      %dma_start3A_226 = tpu.memref_slice %arg6[%dma_start3A_219, %dma_start3A_220, %dma_start3A_225] : memref<2x8x1024xi32, #tpu.memory_space<vmem>> -> memref<1x1x1024xi32, #tpu.memory_space<vmem>>
      %dma_start3A_227 = tpu.memref_squeeze %dma_start3A_226 : memref<1x1x1024xi32, #tpu.memory_space<vmem>> -> memref<1024xi32, #tpu.memory_space<vmem>>
      %dma_start3A_228 = arith.constant 0 : i32
      %dma_start3A_229 = tpu.memref_slice %arg3[%dma_start3A_228] : memref<16777216xf32, #tpu.memory_space<hbm>> -> memref<16777216xf32, #tpu.memory_space<hbm>>
      tpu.enqueue_indirect_dma source(%dma_start3A_229 : memref<16777216xf32, #tpu.memory_space<hbm>>) target(%dma_start3A_224 : memref<1024xf32, #tpu.memory_space<vmem>>) offsets(%dma_start3A_227 : memref<1024xi32, #tpu.memory_space<vmem>>) semaphore(%arg8 : memref<!tpu.dma_semaphore, #tpu.memory_space<semaphore_mem>>)
      %dma_start3A_230 = arith.constant 0 : i32
      %dma_start3A_231 = arith.constant 6 : i32
      %dma_start3A_232 = arith.constant 0 : i32
      %dma_start3A_233 = arith.constant 6144 : i32
      %dma_start3A_234 = tpu.memref_slice %arg7[%dma_start3A_232, %dma_start3A_233] : memref<2x8192xf32, #tpu.memory_space<vmem>> -> memref<1x1024xf32, #tpu.memory_space<vmem>>
      %dma_start3A_235 = tpu.memref_squeeze %dma_start3A_234 : memref<1x1024xf32, #tpu.memory_space<vmem>> -> memref<1024xf32, #tpu.memory_space<vmem>>
      %dma_start3A_236 = arith.constant 0 : i32
      %dma_start3A_237 = tpu.memref_slice %arg6[%dma_start3A_230, %dma_start3A_231, %dma_start3A_236] : memref<2x8x1024xi32, #tpu.memory_space<vmem>> -> memref<1x1x1024xi32, #tpu.memory_space<vmem>>
      %dma_start3A_238 = tpu.memref_squeeze %dma_start3A_237 : memref<1x1x1024xi32, #tpu.memory_space<vmem>> -> memref<1024xi32, #tpu.memory_space<vmem>>
      %dma_start3A_239 = arith.constant 0 : i32
      %dma_start3A_240 = tpu.memref_slice %arg3[%dma_start3A_239] : memref<16777216xf32, #tpu.memory_space<hbm>> -> memref<16777216xf32, #tpu.memory_space<hbm>>
      tpu.enqueue_indirect_dma source(%dma_start3A_240 : memref<16777216xf32, #tpu.memory_space<hbm>>) target(%dma_start3A_235 : memref<1024xf32, #tpu.memory_space<vmem>>) offsets(%dma_start3A_238 : memref<1024xi32, #tpu.memory_space<vmem>>) semaphore(%arg8 : memref<!tpu.dma_semaphore, #tpu.memory_space<semaphore_mem>>)
      %dma_start3A_241 = arith.constant 0 : i32
      %dma_start3A_242 = arith.constant 7 : i32
      %dma_start3A_243 = arith.constant 0 : i32
      %dma_start3A_244 = arith.constant 7168 : i32
      %dma_start3A_245 = tpu.memref_slice %arg7[%dma_start3A_243, %dma_start3A_244] : memref<2x8192xf32, #tpu.memory_space<vmem>> -> memref<1x1024xf32, #tpu.memory_space<vmem>>
      %dma_start3A_246 = tpu.memref_squeeze %dma_start3A_245 : memref<1x1024xf32, #tpu.memory_space<vmem>> -> memref<1024xf32, #tpu.memory_space<vmem>>
      %dma_start3A_247 = arith.constant 0 : i32
      %dma_start3A_248 = tpu.memref_slice %arg6[%dma_start3A_241, %dma_start3A_242, %dma_start3A_247] : memref<2x8x1024xi32, #tpu.memory_space<vmem>> -> memref<1x1x1024xi32, #tpu.memory_space<vmem>>
      %dma_start3A_249 = tpu.memref_squeeze %dma_start3A_248 : memref<1x1x1024xi32, #tpu.memory_space<vmem>> -> memref<1024xi32, #tpu.memory_space<vmem>>
      %dma_start3A_250 = arith.constant 0 : i32
      %dma_start3A_251 = tpu.memref_slice %arg3[%dma_start3A_250] : memref<16777216xf32, #tpu.memory_space<hbm>> -> memref<16777216xf32, #tpu.memory_space<hbm>>
      tpu.enqueue_indirect_dma source(%dma_start3A_251 : memref<16777216xf32, #tpu.memory_space<hbm>>) target(%dma_start3A_246 : memref<1024xf32, #tpu.memory_space<vmem>>) offsets(%dma_start3A_249 : memref<1024xi32, #tpu.memory_space<vmem>>) semaphore(%arg8 : memref<!tpu.dma_semaphore, #tpu.memory_space<semaphore_mem>>)
      %gt3A_252 = arith.constant 0 : i32
      %gt3A_253 = arith.cmpi sgt, %mul3A_140, %gt3A_252 : i32
      %convert_element_type3A_254 = arith.extui %gt3A_253 : i1 to i32
      %cond3A_255 = arith.constant 0 : i32
      %cond3A_256 = arith.cmpi ne, %convert_element_type3A_254, %cond3A_255 : i32
      scf.if %cond3A_256 {
        %dma_wait3A_379 = arith.constant 0 : i32
        %dma_wait3A_380 = arith.constant 1 : i32
        %dma_wait3A_381 = arith.constant 0 : i32
        %dma_wait3A_382 = tpu.memref_slice %arg7[%dma_wait3A_380, %dma_wait3A_381] : memref<2x8192xf32, #tpu.memory_space<vmem>> -> memref<1x1024xf32, #tpu.memory_space<vmem>>
        %dma_wait3A_383 = tpu.memref_squeeze %dma_wait3A_382 : memref<1x1024xf32, #tpu.memory_space<vmem>> -> memref<1024xf32, #tpu.memory_space<vmem>>
        %dma_wait3A_384 = tpu.memref_slice %arg3[%dma_wait3A_379] : memref<16777216xf32, #tpu.memory_space<hbm>> -> memref<1024xf32, #tpu.memory_space<hbm>>
        %dma_wait3A_385 = arith.constant 0 : i32
        %dma_wait3A_386 = tpu.memref_slice %arg7[%dma_wait3A_380, %dma_wait3A_385] : memref<2x8192xf32, #tpu.memory_space<vmem>> -> memref<1x1024xf32, #tpu.memory_space<vmem>>
        %dma_wait3A_387 = tpu.memref_squeeze %dma_wait3A_386 : memref<1x1024xf32, #tpu.memory_space<vmem>> -> memref<1024xf32, #tpu.memory_space<vmem>>
        %dma_wait3A_388 = tpu.memref_slice %arg3[%dma_wait3A_379] : memref<16777216xf32, #tpu.memory_space<hbm>> -> memref<1024xf32, #tpu.memory_space<hbm>>
        tpu.wait_dma2 semaphore(%arg9 : memref<!tpu.dma_semaphore, #tpu.memory_space<semaphore_mem>>) src(%dma_wait3A_388 : memref<1024xf32, #tpu.memory_space<hbm>>) dst(%dma_wait3A_387 : memref<1024xf32, #tpu.memory_space<vmem>>)
        %dma_wait3A_389 = arith.constant 0 : i32
        %dma_wait3A_390 = arith.constant 1 : i32
        %dma_wait3A_391 = arith.constant 1024 : i32
        %dma_wait3A_392 = tpu.memref_slice %arg7[%dma_wait3A_390, %dma_wait3A_391] : memref<2x8192xf32, #tpu.memory_space<vmem>> -> memref<1x1024xf32, #tpu.memory_space<vmem>>
        %dma_wait3A_393 = tpu.memref_squeeze %dma_wait3A_392 : memref<1x1024xf32, #tpu.memory_space<vmem>> -> memref<1024xf32, #tpu.memory_space<vmem>>
        %dma_wait3A_394 = tpu.memref_slice %arg3[%dma_wait3A_389] : memref<16777216xf32, #tpu.memory_space<hbm>> -> memref<1024xf32, #tpu.memory_space<hbm>>
        %dma_wait3A_395 = arith.constant 1024 : i32
        %dma_wait3A_396 = tpu.memref_slice %arg7[%dma_wait3A_390, %dma_wait3A_395] : memref<2x8192xf32, #tpu.memory_space<vmem>> -> memref<1x1024xf32, #tpu.memory_space<vmem>>
        %dma_wait3A_397 = tpu.memref_squeeze %dma_wait3A_396 : memref<1x1024xf32, #tpu.memory_space<vmem>> -> memref<1024xf32, #tpu.memory_space<vmem>>
        %dma_wait3A_398 = tpu.memref_slice %arg3[%dma_wait3A_389] : memref<16777216xf32, #tpu.memory_space<hbm>> -> memref<1024xf32, #tpu.memory_space<hbm>>
        tpu.wait_dma2 semaphore(%arg9 : memref<!tpu.dma_semaphore, #tpu.memory_space<semaphore_mem>>) src(%dma_wait3A_398 : memref<1024xf32, #tpu.memory_space<hbm>>) dst(%dma_wait3A_397 : memref<1024xf32, #tpu.memory_space<vmem>>)
        %dma_wait3A_399 = arith.constant 0 : i32
        %dma_wait3A_400 = arith.constant 1 : i32
        %dma_wait3A_401 = arith.constant 2048 : i32
        %dma_wait3A_402 = tpu.memref_slice %arg7[%dma_wait3A_400, %dma_wait3A_401] : memref<2x8192xf32, #tpu.memory_space<vmem>> -> memref<1x1024xf32, #tpu.memory_space<vmem>>
        %dma_wait3A_403 = tpu.memref_squeeze %dma_wait3A_402 : memref<1x1024xf32, #tpu.memory_space<vmem>> -> memref<1024xf32, #tpu.memory_space<vmem>>
        %dma_wait3A_404 = tpu.memref_slice %arg3[%dma_wait3A_399] : memref<16777216xf32, #tpu.memory_space<hbm>> -> memref<1024xf32, #tpu.memory_space<hbm>>
        %dma_wait3A_405 = arith.constant 2048 : i32
        %dma_wait3A_406 = tpu.memref_slice %arg7[%dma_wait3A_400, %dma_wait3A_405] : memref<2x8192xf32, #tpu.memory_space<vmem>> -> memref<1x1024xf32, #tpu.memory_space<vmem>>
        %dma_wait3A_407 = tpu.memref_squeeze %dma_wait3A_406 : memref<1x1024xf32, #tpu.memory_space<vmem>> -> memref<1024xf32, #tpu.memory_space<vmem>>
        %dma_wait3A_408 = tpu.memref_slice %arg3[%dma_wait3A_399] : memref<16777216xf32, #tpu.memory_space<hbm>> -> memref<1024xf32, #tpu.memory_space<hbm>>
        tpu.wait_dma2 semaphore(%arg9 : memref<!tpu.dma_semaphore, #tpu.memory_space<semaphore_mem>>) src(%dma_wait3A_408 : memref<1024xf32, #tpu.memory_space<hbm>>) dst(%dma_wait3A_407 : memref<1024xf32, #tpu.memory_space<vmem>>)
        %dma_wait3A_409 = arith.constant 0 : i32
        %dma_wait3A_410 = arith.constant 1 : i32
        %dma_wait3A_411 = arith.constant 3072 : i32
        %dma_wait3A_412 = tpu.memref_slice %arg7[%dma_wait3A_410, %dma_wait3A_411] : memref<2x8192xf32, #tpu.memory_space<vmem>> -> memref<1x1024xf32, #tpu.memory_space<vmem>>
        %dma_wait3A_413 = tpu.memref_squeeze %dma_wait3A_412 : memref<1x1024xf32, #tpu.memory_space<vmem>> -> memref<1024xf32, #tpu.memory_space<vmem>>
        %dma_wait3A_414 = tpu.memref_slice %arg3[%dma_wait3A_409] : memref<16777216xf32, #tpu.memory_space<hbm>> -> memref<1024xf32, #tpu.memory_space<hbm>>
        %dma_wait3A_415 = arith.constant 3072 : i32
        %dma_wait3A_416 = tpu.memref_slice %arg7[%dma_wait3A_410, %dma_wait3A_415] : memref<2x8192xf32, #tpu.memory_space<vmem>> -> memref<1x1024xf32, #tpu.memory_space<vmem>>
        %dma_wait3A_417 = tpu.memref_squeeze %dma_wait3A_416 : memref<1x1024xf32, #tpu.memory_space<vmem>> -> memref<1024xf32, #tpu.memory_space<vmem>>
        %dma_wait3A_418 = tpu.memref_slice %arg3[%dma_wait3A_409] : memref<16777216xf32, #tpu.memory_space<hbm>> -> memref<1024xf32, #tpu.memory_space<hbm>>
        tpu.wait_dma2 semaphore(%arg9 : memref<!tpu.dma_semaphore, #tpu.memory_space<semaphore_mem>>) src(%dma_wait3A_418 : memref<1024xf32, #tpu.memory_space<hbm>>) dst(%dma_wait3A_417 : memref<1024xf32, #tpu.memory_space<vmem>>)
        %dma_wait3A_419 = arith.constant 0 : i32
        %dma_wait3A_420 = arith.constant 1 : i32
        %dma_wait3A_421 = arith.constant 4096 : i32
        %dma_wait3A_422 = tpu.memref_slice %arg7[%dma_wait3A_420, %dma_wait3A_421] : memref<2x8192xf32, #tpu.memory_space<vmem>> -> memref<1x1024xf32, #tpu.memory_space<vmem>>
        %dma_wait3A_423 = tpu.memref_squeeze %dma_wait3A_422 : memref<1x1024xf32, #tpu.memory_space<vmem>> -> memref<1024xf32, #tpu.memory_space<vmem>>
        %dma_wait3A_424 = tpu.memref_slice %arg3[%dma_wait3A_419] : memref<16777216xf32, #tpu.memory_space<hbm>> -> memref<1024xf32, #tpu.memory_space<hbm>>
        %dma_wait3A_425 = arith.constant 4096 : i32
        %dma_wait3A_426 = tpu.memref_slice %arg7[%dma_wait3A_420, %dma_wait3A_425] : memref<2x8192xf32, #tpu.memory_space<vmem>> -> memref<1x1024xf32, #tpu.memory_space<vmem>>
        %dma_wait3A_427 = tpu.memref_squeeze %dma_wait3A_426 : memref<1x1024xf32, #tpu.memory_space<vmem>> -> memref<1024xf32, #tpu.memory_space<vmem>>
        %dma_wait3A_428 = tpu.memref_slice %arg3[%dma_wait3A_419] : memref<16777216xf32, #tpu.memory_space<hbm>> -> memref<1024xf32, #tpu.memory_space<hbm>>
        tpu.wait_dma2 semaphore(%arg9 : memref<!tpu.dma_semaphore, #tpu.memory_space<semaphore_mem>>) src(%dma_wait3A_428 : memref<1024xf32, #tpu.memory_space<hbm>>) dst(%dma_wait3A_427 : memref<1024xf32, #tpu.memory_space<vmem>>)
        %dma_wait3A_429 = arith.constant 0 : i32
        %dma_wait3A_430 = arith.constant 1 : i32
        %dma_wait3A_431 = arith.constant 5120 : i32
        %dma_wait3A_432 = tpu.memref_slice %arg7[%dma_wait3A_430, %dma_wait3A_431] : memref<2x8192xf32, #tpu.memory_space<vmem>> -> memref<1x1024xf32, #tpu.memory_space<vmem>>
        %dma_wait3A_433 = tpu.memref_squeeze %dma_wait3A_432 : memref<1x1024xf32, #tpu.memory_space<vmem>> -> memref<1024xf32, #tpu.memory_space<vmem>>
        %dma_wait3A_434 = tpu.memref_slice %arg3[%dma_wait3A_429] : memref<16777216xf32, #tpu.memory_space<hbm>> -> memref<1024xf32, #tpu.memory_space<hbm>>
        %dma_wait3A_435 = arith.constant 5120 : i32
        %dma_wait3A_436 = tpu.memref_slice %arg7[%dma_wait3A_430, %dma_wait3A_435] : memref<2x8192xf32, #tpu.memory_space<vmem>> -> memref<1x1024xf32, #tpu.memory_space<vmem>>
        %dma_wait3A_437 = tpu.memref_squeeze %dma_wait3A_436 : memref<1x1024xf32, #tpu.memory_space<vmem>> -> memref<1024xf32, #tpu.memory_space<vmem>>
        %dma_wait3A_438 = tpu.memref_slice %arg3[%dma_wait3A_429] : memref<16777216xf32, #tpu.memory_space<hbm>> -> memref<1024xf32, #tpu.memory_space<hbm>>
        tpu.wait_dma2 semaphore(%arg9 : memref<!tpu.dma_semaphore, #tpu.memory_space<semaphore_mem>>) src(%dma_wait3A_438 : memref<1024xf32, #tpu.memory_space<hbm>>) dst(%dma_wait3A_437 : memref<1024xf32, #tpu.memory_space<vmem>>)
        %dma_wait3A_439 = arith.constant 0 : i32
        %dma_wait3A_440 = arith.constant 1 : i32
        %dma_wait3A_441 = arith.constant 6144 : i32
        %dma_wait3A_442 = tpu.memref_slice %arg7[%dma_wait3A_440, %dma_wait3A_441] : memref<2x8192xf32, #tpu.memory_space<vmem>> -> memref<1x1024xf32, #tpu.memory_space<vmem>>
        %dma_wait3A_443 = tpu.memref_squeeze %dma_wait3A_442 : memref<1x1024xf32, #tpu.memory_space<vmem>> -> memref<1024xf32, #tpu.memory_space<vmem>>
        %dma_wait3A_444 = tpu.memref_slice %arg3[%dma_wait3A_439] : memref<16777216xf32, #tpu.memory_space<hbm>> -> memref<1024xf32, #tpu.memory_space<hbm>>
        %dma_wait3A_445 = arith.constant 6144 : i32
        %dma_wait3A_446 = tpu.memref_slice %arg7[%dma_wait3A_440, %dma_wait3A_445] : memref<2x8192xf32, #tpu.memory_space<vmem>> -> memref<1x1024xf32, #tpu.memory_space<vmem>>
        %dma_wait3A_447 = tpu.memref_squeeze %dma_wait3A_446 : memref<1x1024xf32, #tpu.memory_space<vmem>> -> memref<1024xf32, #tpu.memory_space<vmem>>
        %dma_wait3A_448 = tpu.memref_slice %arg3[%dma_wait3A_439] : memref<16777216xf32, #tpu.memory_space<hbm>> -> memref<1024xf32, #tpu.memory_space<hbm>>
        tpu.wait_dma2 semaphore(%arg9 : memref<!tpu.dma_semaphore, #tpu.memory_space<semaphore_mem>>) src(%dma_wait3A_448 : memref<1024xf32, #tpu.memory_space<hbm>>) dst(%dma_wait3A_447 : memref<1024xf32, #tpu.memory_space<vmem>>)
        %dma_wait3A_449 = arith.constant 0 : i32
        %dma_wait3A_450 = arith.constant 1 : i32
        %dma_wait3A_451 = arith.constant 7168 : i32
        %dma_wait3A_452 = tpu.memref_slice %arg7[%dma_wait3A_450, %dma_wait3A_451] : memref<2x8192xf32, #tpu.memory_space<vmem>> -> memref<1x1024xf32, #tpu.memory_space<vmem>>
        %dma_wait3A_453 = tpu.memref_squeeze %dma_wait3A_452 : memref<1x1024xf32, #tpu.memory_space<vmem>> -> memref<1024xf32, #tpu.memory_space<vmem>>
        %dma_wait3A_454 = tpu.memref_slice %arg3[%dma_wait3A_449] : memref<16777216xf32, #tpu.memory_space<hbm>> -> memref<1024xf32, #tpu.memory_space<hbm>>
        %dma_wait3A_455 = arith.constant 7168 : i32
        %dma_wait3A_456 = tpu.memref_slice %arg7[%dma_wait3A_450, %dma_wait3A_455] : memref<2x8192xf32, #tpu.memory_space<vmem>> -> memref<1x1024xf32, #tpu.memory_space<vmem>>
        %dma_wait3A_457 = tpu.memref_squeeze %dma_wait3A_456 : memref<1x1024xf32, #tpu.memory_space<vmem>> -> memref<1024xf32, #tpu.memory_space<vmem>>
        %dma_wait3A_458 = tpu.memref_slice %arg3[%dma_wait3A_449] : memref<16777216xf32, #tpu.memory_space<hbm>> -> memref<1024xf32, #tpu.memory_space<hbm>>
        tpu.wait_dma2 semaphore(%arg9 : memref<!tpu.dma_semaphore, #tpu.memory_space<semaphore_mem>>) src(%dma_wait3A_458 : memref<1024xf32, #tpu.memory_space<hbm>>) dst(%dma_wait3A_457 : memref<1024xf32, #tpu.memory_space<vmem>>)
        %sub3A = arith.constant 1 : i32
        %sub3A_459 = arith.subi %mul3A_140, %sub3A : i32
        %mul3A_460 = arith.constant 2048 : i32
        %mul3A_461 = arith.muli %sub3A_459, %mul3A_460 : i32
        %add3A_462 = arith.addi %mul3A_2, %mul3A_461 : i32
        %mul3A_463 = arith.constant 4 : i32
        %mul3A_464 = arith.muli %add3A_462, %mul3A_463 : i32
        %dma_start3A_465 = arith.constant 1 : i32
        %dma_start3A_466 = arith.constant 0 : i32
        %dma_start3A_467 = tpu.memref_slice %arg7[%dma_start3A_465, %dma_start3A_466] : memref<2x8192xf32, #tpu.memory_space<vmem>> -> memref<1x8192xf32, #tpu.memory_space<vmem>>
        %dma_start3A_468 = tpu.memref_squeeze %dma_start3A_467 : memref<1x8192xf32, #tpu.memory_space<vmem>> -> memref<8192xf32, #tpu.memory_space<vmem>>
        %dma_start3A_469 = tpu.memref_slice %arg4[%mul3A_464] : memref<4194304xf32, #tpu.memory_space<hbm>> -> memref<8192xf32, #tpu.memory_space<hbm>>
        %dma_start3A_470 = tpu.memref_slice %arg4[%mul3A_464] : memref<4194304xf32, #tpu.memory_space<hbm>> -> memref<8192xf32, #tpu.memory_space<hbm>>
        %dma_start3A_471 = arith.constant 0 : i32
        %dma_start3A_472 = tpu.memref_slice %arg7[%dma_start3A_465, %dma_start3A_471] : memref<2x8192xf32, #tpu.memory_space<vmem>> -> memref<1x8192xf32, #tpu.memory_space<vmem>>
        %dma_start3A_473 = tpu.memref_squeeze %dma_start3A_472 : memref<1x8192xf32, #tpu.memory_space<vmem>> -> memref<8192xf32, #tpu.memory_space<vmem>>
        tpu.enqueue_dma source(%dma_start3A_473 : memref<8192xf32, #tpu.memory_space<vmem>>) target(%dma_start3A_470 : memref<8192xf32, #tpu.memory_space<hbm>>) target_semaphore(%arg10 : memref<!tpu.dma_semaphore, #tpu.memory_space<semaphore_mem>>)
      } else {
      }
      %add3A_257 = arith.constant 1 : i32
      %add3A_258 = arith.addi %mul3A_140, %add3A_257 : i32
      %mul3A_259 = arith.constant 2 : i32
      %mul3A_260 = arith.muli %mul3A_2, %mul3A_259 : i32
      %dma_wait3A_261 = arith.constant 1 : i32
      %dma_wait3A_262 = arith.constant 0 : i32
      %dma_wait3A_263 = tpu.memref_slice %arg5[%dma_wait3A_261, %dma_wait3A_262] : memref<2x4096xf32, #tpu.memory_space<vmem>> -> memref<1x4096xf32, #tpu.memory_space<vmem>>
      %dma_wait3A_264 = tpu.memref_squeeze %dma_wait3A_263 : memref<1x4096xf32, #tpu.memory_space<vmem>> -> memref<4096xf32, #tpu.memory_space<vmem>>
      %dma_wait3A_265 = tpu.memref_slice %arg2[%mul3A_260] : memref<2097152xf32, #tpu.memory_space<hbm>> -> memref<4096xf32, #tpu.memory_space<hbm>>
      %dma_wait3A_266 = arith.constant 0 : i32
      %dma_wait3A_267 = tpu.memref_slice %arg5[%dma_wait3A_261, %dma_wait3A_266] : memref<2x4096xf32, #tpu.memory_space<vmem>> -> memref<1x4096xf32, #tpu.memory_space<vmem>>
      %dma_wait3A_268 = tpu.memref_squeeze %dma_wait3A_267 : memref<1x4096xf32, #tpu.memory_space<vmem>> -> memref<4096xf32, #tpu.memory_space<vmem>>
      %dma_wait3A_269 = tpu.memref_slice %arg2[%mul3A_260] : memref<2097152xf32, #tpu.memory_space<hbm>> -> memref<4096xf32, #tpu.memory_space<hbm>>
      tpu.wait_dma2 semaphore(%arg11 : memref<!tpu.dma_semaphore, #tpu.memory_space<semaphore_mem>>) src(%dma_wait3A_269 : memref<4096xf32, #tpu.memory_space<hbm>>) dst(%dma_wait3A_268 : memref<4096xf32, #tpu.memory_space<vmem>>)
      %lt3A_270 = arith.constant 15 : i32
      %lt3A_271 = arith.cmpi slt, %add3A_258, %lt3A_270 : i32
      %convert_element_type3A_272 = arith.extui %lt3A_271 : i1 to i32
      %cond3A_273 = arith.constant 0 : i32
      %cond3A_274 = arith.cmpi ne, %convert_element_type3A_272, %cond3A_273 : i32
      scf.if %cond3A_274 {
        %add3A_379 = arith.constant 1 : i32
        %add3A_380 = arith.addi %add3A_258, %add3A_379 : i32
        %mul3A_381 = arith.constant 2048 : i32
        %mul3A_382 = arith.muli %add3A_380, %mul3A_381 : i32
        %add3A_383 = arith.addi %mul3A_2, %mul3A_382 : i32
        %mul3A_384 = arith.constant 2 : i32
        %mul3A_385 = arith.muli %add3A_383, %mul3A_384 : i32
        %dma_start3A_386 = arith.constant 0 : i32
        %dma_start3A_387 = arith.constant 0 : i32
        %dma_start3A_388 = tpu.memref_slice %arg5[%dma_start3A_386, %dma_start3A_387] : memref<2x4096xf32, #tpu.memory_space<vmem>> -> memref<1x4096xf32, #tpu.memory_space<vmem>>
        %dma_start3A_389 = tpu.memref_squeeze %dma_start3A_388 : memref<1x4096xf32, #tpu.memory_space<vmem>> -> memref<4096xf32, #tpu.memory_space<vmem>>
        %dma_start3A_390 = tpu.memref_slice %arg2[%mul3A_385] : memref<2097152xf32, #tpu.memory_space<hbm>> -> memref<4096xf32, #tpu.memory_space<hbm>>
        %dma_start3A_391 = arith.constant 0 : i32
        %dma_start3A_392 = tpu.memref_slice %arg5[%dma_start3A_386, %dma_start3A_391] : memref<2x4096xf32, #tpu.memory_space<vmem>> -> memref<1x4096xf32, #tpu.memory_space<vmem>>
        %dma_start3A_393 = tpu.memref_squeeze %dma_start3A_392 : memref<1x4096xf32, #tpu.memory_space<vmem>> -> memref<4096xf32, #tpu.memory_space<vmem>>
        %dma_start3A_394 = tpu.memref_slice %arg2[%mul3A_385] : memref<2097152xf32, #tpu.memory_space<hbm>> -> memref<4096xf32, #tpu.memory_space<hbm>>
        tpu.enqueue_dma source(%dma_start3A_394 : memref<4096xf32, #tpu.memory_space<hbm>>) target(%dma_start3A_393 : memref<4096xf32, #tpu.memory_space<vmem>>) target_semaphore(%arg11 : memref<!tpu.dma_semaphore, #tpu.memory_space<semaphore_mem>>)
      } else {
      }
      %scan3A_275 = arith.constant 0 : i32
      %scan3A_276 = arith.constant 0 : i32
      %scan3A_277 = arith.constant 128 : i32
      %scan3A_278 = arith.addi %scan3A_276, %scan3A_277 : i32
      %scan3A_279 = arith.constant 4 : i32
      scf.for %scan3A_379 = %scan3A_276 to %scan3A_278 step %scan3A_279  : i32 {
        %shift_right_arithmetic3A = arith.constant 3 : i32
        %shift_right_arithmetic3A_380 = arith.shrsi %scan3A_379, %shift_right_arithmetic3A : i32
        %and3A = arith.constant 7 : i32
        %and3A_381 = arith.andi %scan3A_379, %and3A : i32
        %mul3A_382 = arith.constant 16 : i32
        %mul3A_383 = arith.muli %and3A_381, %mul3A_382 : i32
        %mul3A_384 = arith.constant 256 : i32
        %mul3A_385 = arith.muli %shift_right_arithmetic3A_380, %mul3A_384 : i32
        %add3A_386 = arith.addi %mul3A_385, %mul3A_383 : i32
        %get3A = arith.constant 1 : i32
        %get3A_387 = arith.index_cast %get3A : i32 to index
        %get3A_388 = arith.index_cast %add3A_386 : i32 to index
        %get3A_389 = tpu.vector_load %arg5[%get3A_387, %get3A_388] {strides = array<i32>} : memref<2x4096xf32, #tpu.memory_space<vmem>>, vector<16xf32>,
        %add3A_390 = arith.constant 128 : i32
        %add3A_391 = arith.addi %add3A_386, %add3A_390 : i32
        %get3A_392 = arith.constant 1 : i32
        %get3A_393 = arith.index_cast %get3A_392 : i32 to index
        %get3A_394 = arith.index_cast %add3A_391 : i32 to index
        %get3A_395 = tpu.vector_load %arg5[%get3A_393, %get3A_394] {strides = array<i32>} : memref<2x4096xf32, #tpu.memory_space<vmem>>, vector<16xf32>,
        %div3A = arith.constant 1.000000e-03 : f32
        %div3A_396 = vector.broadcast %div3A : f32 to vector<16xf32>
        %div3A_397 = arith.divf %get3A_389, %div3A_396 : vector<16xf32>
        %convert_element_type3A_398 = arith.fptosi %div3A_397 : vector<16xf32> to vector<16xi32>
        %div3A_399 = arith.constant 1.000000e-03 : f32
        %div3A_400 = vector.broadcast %div3A_399 : f32 to vector<16xf32>
        %div3A_401 = arith.divf %get3A_395, %div3A_400 : vector<16xf32>
        %convert_element_type3A_402 = arith.fptosi %div3A_401 : vector<16xf32> to vector<16xi32>
        %mul3A_403 = arith.constant 51819 : i32
        %mul3A_404 = vector.broadcast %mul3A_403 : i32 to vector<16xi32>
        %mul3A_405 = arith.muli %convert_element_type3A_398, %mul3A_404 : vector<16xi32>
        %mul3A_406 = arith.constant 34283 : i32
        %mul3A_407 = vector.broadcast %mul3A_406 : i32 to vector<16xi32>
        %mul3A_408 = arith.muli %convert_element_type3A_398, %mul3A_407 : vector<16xi32>
        %and3A_409 = arith.constant 65535 : i32
        %and3A_410 = vector.broadcast %and3A_409 : i32 to vector<16xi32>
        %and3A_411 = arith.andi %mul3A_405, %and3A_410 : vector<16xi32>
        %shift_right_arithmetic3A_412 = arith.constant 16 : i32
        %shift_right_arithmetic3A_413 = vector.broadcast %shift_right_arithmetic3A_412 : i32 to vector<16xi32>
        %shift_right_arithmetic3A_414 = arith.shrsi %mul3A_405, %shift_right_arithmetic3A_413 : vector<16xi32>
        %and3A_415 = arith.constant 65535 : i32
        %and3A_416 = vector.broadcast %and3A_415 : i32 to vector<16xi32>
        %and3A_417 = arith.andi %mul3A_408, %and3A_416 : vector<16xi32>
        %add3A_418 = arith.addi %shift_right_arithmetic3A_414, %and3A_417 : vector<16xi32>
        %and3A_419 = arith.constant 65535 : i32
        %and3A_420 = vector.broadcast %and3A_419 : i32 to vector<16xi32>
        %and3A_421 = arith.andi %add3A_418, %and3A_420 : vector<16xi32>
        %shift_right_arithmetic3A_422 = arith.constant 16 : i32
        %shift_right_arithmetic3A_423 = vector.broadcast %shift_right_arithmetic3A_422 : i32 to vector<16xi32>
        %shift_right_arithmetic3A_424 = arith.shrsi %mul3A_408, %shift_right_arithmetic3A_423 : vector<16xi32>
        %shift_right_arithmetic3A_425 = arith.constant 16 : i32
        %shift_right_arithmetic3A_426 = vector.broadcast %shift_right_arithmetic3A_425 : i32 to vector<16xi32>
        %shift_right_arithmetic3A_427 = arith.shrsi %add3A_418, %shift_right_arithmetic3A_426 : vector<16xi32>
        %add3A_428 = arith.addi %shift_right_arithmetic3A_424, %shift_right_arithmetic3A_427 : vector<16xi32>
        %shift_right_arithmetic3A_429 = arith.constant 13 : i32
        %shift_right_arithmetic3A_430 = vector.broadcast %shift_right_arithmetic3A_429 : i32 to vector<16xi32>
        %shift_right_arithmetic3A_431 = arith.shrsi %and3A_411, %shift_right_arithmetic3A_430 : vector<16xi32>
        %shift_left3A = arith.constant 3 : i32
        %shift_left3A_432 = vector.broadcast %shift_left3A : i32 to vector<16xi32>
        %shift_left3A_433 = arith.shli %and3A_421, %shift_left3A_432 : vector<16xi32>
        %or3A = arith.ori %shift_right_arithmetic3A_431, %shift_left3A_433 : vector<16xi32>
        %and3A_434 = arith.constant 65535 : i32
        %and3A_435 = vector.broadcast %and3A_434 : i32 to vector<16xi32>
        %and3A_436 = arith.andi %or3A, %and3A_435 : vector<16xi32>
        %xor3A = arith.xori %and3A_411, %and3A_436 : vector<16xi32>
        %shift_right_arithmetic3A_437 = arith.constant 13 : i32
        %shift_right_arithmetic3A_438 = vector.broadcast %shift_right_arithmetic3A_437 : i32 to vector<16xi32>
        %shift_right_arithmetic3A_439 = arith.shrsi %and3A_421, %shift_right_arithmetic3A_438 : vector<16xi32>
        %shift_left3A_440 = arith.constant 3 : i32
        %shift_left3A_441 = vector.broadcast %shift_left3A_440 : i32 to vector<16xi32>
        %shift_left3A_442 = arith.shli %add3A_428, %shift_left3A_441 : vector<16xi32>
        %or3A_443 = arith.ori %shift_right_arithmetic3A_439, %shift_left3A_442 : vector<16xi32>
        %and3A_444 = arith.constant 65535 : i32
        %and3A_445 = vector.broadcast %and3A_444 : i32 to vector<16xi32>
        %and3A_446 = arith.andi %or3A_443, %and3A_445 : vector<16xi32>
        %xor3A_447 = arith.xori %and3A_421, %and3A_446 : vector<16xi32>
        %mul3A_448 = arith.constant 44597 : i32
        %mul3A_449 = vector.broadcast %mul3A_448 : i32 to vector<16xi32>
        %mul3A_450 = arith.muli %convert_element_type3A_402, %mul3A_449 : vector<16xi32>
        %mul3A_451 = arith.constant 49842 : i32
        %mul3A_452 = vector.broadcast %mul3A_451 : i32 to vector<16xi32>
        %mul3A_453 = arith.muli %convert_element_type3A_402, %mul3A_452 : vector<16xi32>
        %and3A_454 = arith.constant 65535 : i32
        %and3A_455 = vector.broadcast %and3A_454 : i32 to vector<16xi32>
        %and3A_456 = arith.andi %mul3A_450, %and3A_455 : vector<16xi32>
        %shift_right_arithmetic3A_457 = arith.constant 16 : i32
        %shift_right_arithmetic3A_458 = vector.broadcast %shift_right_arithmetic3A_457 : i32 to vector<16xi32>
        %shift_right_arithmetic3A_459 = arith.shrsi %mul3A_450, %shift_right_arithmetic3A_458 : vector<16xi32>
        %and3A_460 = arith.constant 65535 : i32
        %and3A_461 = vector.broadcast %and3A_460 : i32 to vector<16xi32>
        %and3A_462 = arith.andi %mul3A_453, %and3A_461 : vector<16xi32>
        %add3A_463 = arith.addi %shift_right_arithmetic3A_459, %and3A_462 : vector<16xi32>
        %and3A_464 = arith.constant 65535 : i32
        %and3A_465 = vector.broadcast %and3A_464 : i32 to vector<16xi32>
        %and3A_466 = arith.andi %add3A_463, %and3A_465 : vector<16xi32>
        %shift_right_arithmetic3A_467 = arith.constant 16 : i32
        %shift_right_arithmetic3A_468 = vector.broadcast %shift_right_arithmetic3A_467 : i32 to vector<16xi32>
        %shift_right_arithmetic3A_469 = arith.shrsi %mul3A_453, %shift_right_arithmetic3A_468 : vector<16xi32>
        %shift_right_arithmetic3A_470 = arith.constant 16 : i32
        %shift_right_arithmetic3A_471 = vector.broadcast %shift_right_arithmetic3A_470 : i32 to vector<16xi32>
        %shift_right_arithmetic3A_472 = arith.shrsi %add3A_463, %shift_right_arithmetic3A_471 : vector<16xi32>
        %add3A_473 = arith.addi %shift_right_arithmetic3A_469, %shift_right_arithmetic3A_472 : vector<16xi32>
        %add3A_474 = arith.addi %xor3A, %and3A_456 : vector<16xi32>
        %and3A_475 = arith.constant 65535 : i32
        %and3A_476 = vector.broadcast %and3A_475 : i32 to vector<16xi32>
        %and3A_477 = arith.andi %add3A_474, %and3A_476 : vector<16xi32>
        %add3A_478 = arith.addi %xor3A_447, %and3A_466 : vector<16xi32>
        %shift_right_arithmetic3A_479 = arith.constant 16 : i32
        %shift_right_arithmetic3A_480 = vector.broadcast %shift_right_arithmetic3A_479 : i32 to vector<16xi32>
        %shift_right_arithmetic3A_481 = arith.shrsi %add3A_474, %shift_right_arithmetic3A_480 : vector<16xi32>
        %add3A_482 = arith.addi %add3A_478, %shift_right_arithmetic3A_481 : vector<16xi32>
        %and3A_483 = arith.constant 65535 : i32
        %and3A_484 = vector.broadcast %and3A_483 : i32 to vector<16xi32>
        %and3A_485 = arith.andi %add3A_482, %and3A_484 : vector<16xi32>
        %add3A_486 = arith.addi %add3A_428, %add3A_473 : vector<16xi32>
        %shift_right_arithmetic3A_487 = arith.constant 16 : i32
        %shift_right_arithmetic3A_488 = vector.broadcast %shift_right_arithmetic3A_487 : i32 to vector<16xi32>
        %shift_right_arithmetic3A_489 = arith.shrsi %add3A_482, %shift_right_arithmetic3A_488 : vector<16xi32>
        %add3A_490 = arith.addi %add3A_486, %shift_right_arithmetic3A_489 : vector<16xi32>
        %xor3A_491 = arith.xori %and3A_477, %and3A_485 : vector<16xi32>
        %xor3A_492 = arith.xori %and3A_485, %add3A_490 : vector<16xi32>
        %and3A_493 = arith.constant 63 : i32
        %and3A_494 = vector.broadcast %and3A_493 : i32 to vector<16xi32>
        %and3A_495 = arith.andi %xor3A_492, %and3A_494 : vector<16xi32>
        %shift_left3A_496 = arith.constant 16 : i32
        %shift_left3A_497 = vector.broadcast %shift_left3A_496 : i32 to vector<16xi32>
        %shift_left3A_498 = arith.shli %and3A_495, %shift_left3A_497 : vector<16xi32>
        %or3A_499 = arith.ori %xor3A_491, %shift_left3A_498 : vector<16xi32>
        %shift_right_arithmetic3A_500 = arith.constant 7 : i32
        %shift_right_arithmetic3A_501 = vector.broadcast %shift_right_arithmetic3A_500 : i32 to vector<16xi32>
        %shift_right_arithmetic3A_502 = arith.shrsi %or3A_499, %shift_right_arithmetic3A_501 : vector<16xi32>
        %shift_left3A_503 = arith.constant 9 : i32
        %shift_left3A_504 = vector.broadcast %shift_left3A_503 : i32 to vector<16xi32>
        %shift_left3A_505 = arith.shli %shift_right_arithmetic3A_502, %shift_left3A_504 : vector<16xi32>
        %and3A_506 = arith.constant 127 : i32
        %and3A_507 = vector.broadcast %and3A_506 : i32 to vector<16xi32>
        %and3A_508 = arith.andi %or3A_499, %and3A_507 : vector<16xi32>
        %add3A_509 = arith.addi %shift_left3A_505, %and3A_508 : vector<16xi32>
        %mul3A_510 = arith.constant 512 : i32
        %mul3A_511 = arith.muli %shift_right_arithmetic3A_380, %mul3A_510 : i32
        %add3A_512 = arith.addi %mul3A_511, %mul3A_383 : i32
        %add3A_513 = arith.constant 0 : i32
        %add3A_514 = arith.addi %add3A_512, %add3A_513 : i32
        %add3A_515 = arith.constant 0 : i32
        %add3A_516 = vector.broadcast %add3A_515 : i32 to vector<16xi32>
        %add3A_517 = arith.addi %add3A_509, %add3A_516 : vector<16xi32>
        %shift_right_arithmetic3A_518 = arith.constant 10 : i32
        %shift_right_arithmetic3A_519 = arith.shrsi %add3A_514, %shift_right_arithmetic3A_518 : i32
        %and3A_520 = arith.constant 1023 : i32
        %and3A_521 = arith.andi %add3A_514, %and3A_520 : i32
        %swap3A = arith.constant 1 : i32
        %swap3A_522 = arith.index_cast %swap3A : i32 to index
        %swap3A_523 = arith.index_cast %shift_right_arithmetic3A_519 : i32 to index
        %swap3A_524 = arith.index_cast %and3A_521 : i32 to index
        %swap3A_525 = tpu.vector_load %arg6[%swap3A_522, %swap3A_523, %swap3A_524] {strides = array<i32>} : memref<2x8x1024xi32, #tpu.memory_space<vmem>>, vector<16xi32>,
        tpu.vector_store %arg6[%swap3A_522, %swap3A_523, %swap3A_524], %add3A_517 {strides = array<i32>} : memref<2x8x1024xi32, #tpu.memory_space<vmem>>, vector<16xi32>,
        %add3A_526 = arith.constant 128 : i32
        %add3A_527 = arith.addi %add3A_512, %add3A_526 : i32
        %add3A_528 = arith.constant 128 : i32
        %add3A_529 = vector.broadcast %add3A_528 : i32 to vector<16xi32>
        %add3A_530 = arith.addi %add3A_509, %add3A_529 : vector<16xi32>
        %shift_right_arithmetic3A_531 = arith.constant 10 : i32
        %shift_right_arithmetic3A_532 = arith.shrsi %add3A_527, %shift_right_arithmetic3A_531 : i32
        %and3A_533 = arith.constant 1023 : i32
        %and3A_534 = arith.andi %add3A_527, %and3A_533 : i32
        %swap3A_535 = arith.constant 1 : i32
        %swap3A_536 = arith.index_cast %swap3A_535 : i32 to index
        %swap3A_537 = arith.index_cast %shift_right_arithmetic3A_532 : i32 to index
        %swap3A_538 = arith.index_cast %and3A_534 : i32 to index
        %swap3A_539 = tpu.vector_load %arg6[%swap3A_536, %swap3A_537, %swap3A_538] {strides = array<i32>} : memref<2x8x1024xi32, #tpu.memory_space<vmem>>, vector<16xi32>,
        tpu.vector_store %arg6[%swap3A_536, %swap3A_537, %swap3A_538], %add3A_530 {strides = array<i32>} : memref<2x8x1024xi32, #tpu.memory_space<vmem>>, vector<16xi32>,
        %add3A_540 = arith.constant 256 : i32
        %add3A_541 = arith.addi %add3A_512, %add3A_540 : i32
        %add3A_542 = arith.constant 256 : i32
        %add3A_543 = vector.broadcast %add3A_542 : i32 to vector<16xi32>
        %add3A_544 = arith.addi %add3A_509, %add3A_543 : vector<16xi32>
        %shift_right_arithmetic3A_545 = arith.constant 10 : i32
        %shift_right_arithmetic3A_546 = arith.shrsi %add3A_541, %shift_right_arithmetic3A_545 : i32
        %and3A_547 = arith.constant 1023 : i32
        %and3A_548 = arith.andi %add3A_541, %and3A_547 : i32
        %swap3A_549 = arith.constant 1 : i32
        %swap3A_550 = arith.index_cast %swap3A_549 : i32 to index
        %swap3A_551 = arith.index_cast %shift_right_arithmetic3A_546 : i32 to index
        %swap3A_552 = arith.index_cast %and3A_548 : i32 to index
        %swap3A_553 = tpu.vector_load %arg6[%swap3A_550, %swap3A_551, %swap3A_552] {strides = array<i32>} : memref<2x8x1024xi32, #tpu.memory_space<vmem>>, vector<16xi32>,
        tpu.vector_store %arg6[%swap3A_550, %swap3A_551, %swap3A_552], %add3A_544 {strides = array<i32>} : memref<2x8x1024xi32, #tpu.memory_space<vmem>>, vector<16xi32>,
        %add3A_554 = arith.constant 384 : i32
        %add3A_555 = arith.addi %add3A_512, %add3A_554 : i32
        %add3A_556 = arith.constant 384 : i32
        %add3A_557 = vector.broadcast %add3A_556 : i32 to vector<16xi32>
        %add3A_558 = arith.addi %add3A_509, %add3A_557 : vector<16xi32>
        %shift_right_arithmetic3A_559 = arith.constant 10 : i32
        %shift_right_arithmetic3A_560 = arith.shrsi %add3A_555, %shift_right_arithmetic3A_559 : i32
        %and3A_561 = arith.constant 1023 : i32
        %and3A_562 = arith.andi %add3A_555, %and3A_561 : i32
        %swap3A_563 = arith.constant 1 : i32
        %swap3A_564 = arith.index_cast %swap3A_563 : i32 to index
        %swap3A_565 = arith.index_cast %shift_right_arithmetic3A_560 : i32 to index
        %swap3A_566 = arith.index_cast %and3A_562 : i32 to index
        %swap3A_567 = tpu.vector_load %arg6[%swap3A_564, %swap3A_565, %swap3A_566] {strides = array<i32>} : memref<2x8x1024xi32, #tpu.memory_space<vmem>>, vector<16xi32>,
        tpu.vector_store %arg6[%swap3A_564, %swap3A_565, %swap3A_566], %add3A_558 {strides = array<i32>} : memref<2x8x1024xi32, #tpu.memory_space<vmem>>, vector<16xi32>,
        %scan3A_568 = arith.constant 1 : i32
        %scan3A_569 = arith.addi %scan3A_379, %scan3A_568 : i32
        %shift_right_arithmetic3A_570 = arith.constant 3 : i32
        %shift_right_arithmetic3A_571 = arith.shrsi %scan3A_569, %shift_right_arithmetic3A_570 : i32
        %and3A_572 = arith.constant 7 : i32
        %and3A_573 = arith.andi %scan3A_569, %and3A_572 : i32
        %mul3A_574 = arith.constant 16 : i32
        %mul3A_575 = arith.muli %and3A_573, %mul3A_574 : i32
        %mul3A_576 = arith.constant 256 : i32
        %mul3A_577 = arith.muli %shift_right_arithmetic3A_571, %mul3A_576 : i32
        %add3A_578 = arith.addi %mul3A_577, %mul3A_575 : i32
        %get3A_579 = arith.constant 1 : i32
        %get3A_580 = arith.index_cast %get3A_579 : i32 to index
        %get3A_581 = arith.index_cast %add3A_578 : i32 to index
        %get3A_582 = tpu.vector_load %arg5[%get3A_580, %get3A_581] {strides = array<i32>} : memref<2x4096xf32, #tpu.memory_space<vmem>>, vector<16xf32>,
        %add3A_583 = arith.constant 128 : i32
        %add3A_584 = arith.addi %add3A_578, %add3A_583 : i32
        %get3A_585 = arith.constant 1 : i32
        %get3A_586 = arith.index_cast %get3A_585 : i32 to index
        %get3A_587 = arith.index_cast %add3A_584 : i32 to index
        %get3A_588 = tpu.vector_load %arg5[%get3A_586, %get3A_587] {strides = array<i32>} : memref<2x4096xf32, #tpu.memory_space<vmem>>, vector<16xf32>,
        %div3A_589 = arith.constant 1.000000e-03 : f32
        %div3A_590 = vector.broadcast %div3A_589 : f32 to vector<16xf32>
        %div3A_591 = arith.divf %get3A_582, %div3A_590 : vector<16xf32>
        %convert_element_type3A_592 = arith.fptosi %div3A_591 : vector<16xf32> to vector<16xi32>
        %div3A_593 = arith.constant 1.000000e-03 : f32
        %div3A_594 = vector.broadcast %div3A_593 : f32 to vector<16xf32>
        %div3A_595 = arith.divf %get3A_588, %div3A_594 : vector<16xf32>
        %convert_element_type3A_596 = arith.fptosi %div3A_595 : vector<16xf32> to vector<16xi32>
        %mul3A_597 = arith.constant 51819 : i32
        %mul3A_598 = vector.broadcast %mul3A_597 : i32 to vector<16xi32>
        %mul3A_599 = arith.muli %convert_element_type3A_592, %mul3A_598 : vector<16xi32>
        %mul3A_600 = arith.constant 34283 : i32
        %mul3A_601 = vector.broadcast %mul3A_600 : i32 to vector<16xi32>
        %mul3A_602 = arith.muli %convert_element_type3A_592, %mul3A_601 : vector<16xi32>
        %and3A_603 = arith.constant 65535 : i32
        %and3A_604 = vector.broadcast %and3A_603 : i32 to vector<16xi32>
        %and3A_605 = arith.andi %mul3A_599, %and3A_604 : vector<16xi32>
        %shift_right_arithmetic3A_606 = arith.constant 16 : i32
        %shift_right_arithmetic3A_607 = vector.broadcast %shift_right_arithmetic3A_606 : i32 to vector<16xi32>
        %shift_right_arithmetic3A_608 = arith.shrsi %mul3A_599, %shift_right_arithmetic3A_607 : vector<16xi32>
        %and3A_609 = arith.constant 65535 : i32
        %and3A_610 = vector.broadcast %and3A_609 : i32 to vector<16xi32>
        %and3A_611 = arith.andi %mul3A_602, %and3A_610 : vector<16xi32>
        %add3A_612 = arith.addi %shift_right_arithmetic3A_608, %and3A_611 : vector<16xi32>
        %and3A_613 = arith.constant 65535 : i32
        %and3A_614 = vector.broadcast %and3A_613 : i32 to vector<16xi32>
        %and3A_615 = arith.andi %add3A_612, %and3A_614 : vector<16xi32>
        %shift_right_arithmetic3A_616 = arith.constant 16 : i32
        %shift_right_arithmetic3A_617 = vector.broadcast %shift_right_arithmetic3A_616 : i32 to vector<16xi32>
        %shift_right_arithmetic3A_618 = arith.shrsi %mul3A_602, %shift_right_arithmetic3A_617 : vector<16xi32>
        %shift_right_arithmetic3A_619 = arith.constant 16 : i32
        %shift_right_arithmetic3A_620 = vector.broadcast %shift_right_arithmetic3A_619 : i32 to vector<16xi32>
        %shift_right_arithmetic3A_621 = arith.shrsi %add3A_612, %shift_right_arithmetic3A_620 : vector<16xi32>
        %add3A_622 = arith.addi %shift_right_arithmetic3A_618, %shift_right_arithmetic3A_621 : vector<16xi32>
        %shift_right_arithmetic3A_623 = arith.constant 13 : i32
        %shift_right_arithmetic3A_624 = vector.broadcast %shift_right_arithmetic3A_623 : i32 to vector<16xi32>
        %shift_right_arithmetic3A_625 = arith.shrsi %and3A_605, %shift_right_arithmetic3A_624 : vector<16xi32>
        %shift_left3A_626 = arith.constant 3 : i32
        %shift_left3A_627 = vector.broadcast %shift_left3A_626 : i32 to vector<16xi32>
        %shift_left3A_628 = arith.shli %and3A_615, %shift_left3A_627 : vector<16xi32>
        %or3A_629 = arith.ori %shift_right_arithmetic3A_625, %shift_left3A_628 : vector<16xi32>
        %and3A_630 = arith.constant 65535 : i32
        %and3A_631 = vector.broadcast %and3A_630 : i32 to vector<16xi32>
        %and3A_632 = arith.andi %or3A_629, %and3A_631 : vector<16xi32>
        %xor3A_633 = arith.xori %and3A_605, %and3A_632 : vector<16xi32>
        %shift_right_arithmetic3A_634 = arith.constant 13 : i32
        %shift_right_arithmetic3A_635 = vector.broadcast %shift_right_arithmetic3A_634 : i32 to vector<16xi32>
        %shift_right_arithmetic3A_636 = arith.shrsi %and3A_615, %shift_right_arithmetic3A_635 : vector<16xi32>
        %shift_left3A_637 = arith.constant 3 : i32
        %shift_left3A_638 = vector.broadcast %shift_left3A_637 : i32 to vector<16xi32>
        %shift_left3A_639 = arith.shli %add3A_622, %shift_left3A_638 : vector<16xi32>
        %or3A_640 = arith.ori %shift_right_arithmetic3A_636, %shift_left3A_639 : vector<16xi32>
        %and3A_641 = arith.constant 65535 : i32
        %and3A_642 = vector.broadcast %and3A_641 : i32 to vector<16xi32>
        %and3A_643 = arith.andi %or3A_640, %and3A_642 : vector<16xi32>
        %xor3A_644 = arith.xori %and3A_615, %and3A_643 : vector<16xi32>
        %mul3A_645 = arith.constant 44597 : i32
        %mul3A_646 = vector.broadcast %mul3A_645 : i32 to vector<16xi32>
        %mul3A_647 = arith.muli %convert_element_type3A_596, %mul3A_646 : vector<16xi32>
        %mul3A_648 = arith.constant 49842 : i32
        %mul3A_649 = vector.broadcast %mul3A_648 : i32 to vector<16xi32>
        %mul3A_650 = arith.muli %convert_element_type3A_596, %mul3A_649 : vector<16xi32>
        %and3A_651 = arith.constant 65535 : i32
        %and3A_652 = vector.broadcast %and3A_651 : i32 to vector<16xi32>
        %and3A_653 = arith.andi %mul3A_647, %and3A_652 : vector<16xi32>
        %shift_right_arithmetic3A_654 = arith.constant 16 : i32
        %shift_right_arithmetic3A_655 = vector.broadcast %shift_right_arithmetic3A_654 : i32 to vector<16xi32>
        %shift_right_arithmetic3A_656 = arith.shrsi %mul3A_647, %shift_right_arithmetic3A_655 : vector<16xi32>
        %and3A_657 = arith.constant 65535 : i32
        %and3A_658 = vector.broadcast %and3A_657 : i32 to vector<16xi32>
        %and3A_659 = arith.andi %mul3A_650, %and3A_658 : vector<16xi32>
        %add3A_660 = arith.addi %shift_right_arithmetic3A_656, %and3A_659 : vector<16xi32>
        %and3A_661 = arith.constant 65535 : i32
        %and3A_662 = vector.broadcast %and3A_661 : i32 to vector<16xi32>
        %and3A_663 = arith.andi %add3A_660, %and3A_662 : vector<16xi32>
        %shift_right_arithmetic3A_664 = arith.constant 16 : i32
        %shift_right_arithmetic3A_665 = vector.broadcast %shift_right_arithmetic3A_664 : i32 to vector<16xi32>
        %shift_right_arithmetic3A_666 = arith.shrsi %mul3A_650, %shift_right_arithmetic3A_665 : vector<16xi32>
        %shift_right_arithmetic3A_667 = arith.constant 16 : i32
        %shift_right_arithmetic3A_668 = vector.broadcast %shift_right_arithmetic3A_667 : i32 to vector<16xi32>
        %shift_right_arithmetic3A_669 = arith.shrsi %add3A_660, %shift_right_arithmetic3A_668 : vector<16xi32>
        %add3A_670 = arith.addi %shift_right_arithmetic3A_666, %shift_right_arithmetic3A_669 : vector<16xi32>
        %add3A_671 = arith.addi %xor3A_633, %and3A_653 : vector<16xi32>
        %and3A_672 = arith.constant 65535 : i32
        %and3A_673 = vector.broadcast %and3A_672 : i32 to vector<16xi32>
        %and3A_674 = arith.andi %add3A_671, %and3A_673 : vector<16xi32>
        %add3A_675 = arith.addi %xor3A_644, %and3A_663 : vector<16xi32>
        %shift_right_arithmetic3A_676 = arith.constant 16 : i32
        %shift_right_arithmetic3A_677 = vector.broadcast %shift_right_arithmetic3A_676 : i32 to vector<16xi32>
        %shift_right_arithmetic3A_678 = arith.shrsi %add3A_671, %shift_right_arithmetic3A_677 : vector<16xi32>
        %add3A_679 = arith.addi %add3A_675, %shift_right_arithmetic3A_678 : vector<16xi32>
        %and3A_680 = arith.constant 65535 : i32
        %and3A_681 = vector.broadcast %and3A_680 : i32 to vector<16xi32>
        %and3A_682 = arith.andi %add3A_679, %and3A_681 : vector<16xi32>
        %add3A_683 = arith.addi %add3A_622, %add3A_670 : vector<16xi32>
        %shift_right_arithmetic3A_684 = arith.constant 16 : i32
        %shift_right_arithmetic3A_685 = vector.broadcast %shift_right_arithmetic3A_684 : i32 to vector<16xi32>
        %shift_right_arithmetic3A_686 = arith.shrsi %add3A_679, %shift_right_arithmetic3A_685 : vector<16xi32>
        %add3A_687 = arith.addi %add3A_683, %shift_right_arithmetic3A_686 : vector<16xi32>
        %xor3A_688 = arith.xori %and3A_674, %and3A_682 : vector<16xi32>
        %xor3A_689 = arith.xori %and3A_682, %add3A_687 : vector<16xi32>
        %and3A_690 = arith.constant 63 : i32
        %and3A_691 = vector.broadcast %and3A_690 : i32 to vector<16xi32>
        %and3A_692 = arith.andi %xor3A_689, %and3A_691 : vector<16xi32>
        %shift_left3A_693 = arith.constant 16 : i32
        %shift_left3A_694 = vector.broadcast %shift_left3A_693 : i32 to vector<16xi32>
        %shift_left3A_695 = arith.shli %and3A_692, %shift_left3A_694 : vector<16xi32>
        %or3A_696 = arith.ori %xor3A_688, %shift_left3A_695 : vector<16xi32>
        %shift_right_arithmetic3A_697 = arith.constant 7 : i32
        %shift_right_arithmetic3A_698 = vector.broadcast %shift_right_arithmetic3A_697 : i32 to vector<16xi32>
        %shift_right_arithmetic3A_699 = arith.shrsi %or3A_696, %shift_right_arithmetic3A_698 : vector<16xi32>
        %shift_left3A_700 = arith.constant 9 : i32
        %shift_left3A_701 = vector.broadcast %shift_left3A_700 : i32 to vector<16xi32>
        %shift_left3A_702 = arith.shli %shift_right_arithmetic3A_699, %shift_left3A_701 : vector<16xi32>
        %and3A_703 = arith.constant 127 : i32
        %and3A_704 = vector.broadcast %and3A_703 : i32 to vector<16xi32>
        %and3A_705 = arith.andi %or3A_696, %and3A_704 : vector<16xi32>
        %add3A_706 = arith.addi %shift_left3A_702, %and3A_705 : vector<16xi32>
        %mul3A_707 = arith.constant 512 : i32
        %mul3A_708 = arith.muli %shift_right_arithmetic3A_571, %mul3A_707 : i32
        %add3A_709 = arith.addi %mul3A_708, %mul3A_575 : i32
        %add3A_710 = arith.constant 0 : i32
        %add3A_711 = arith.addi %add3A_709, %add3A_710 : i32
        %add3A_712 = arith.constant 0 : i32
        %add3A_713 = vector.broadcast %add3A_712 : i32 to vector<16xi32>
        %add3A_714 = arith.addi %add3A_706, %add3A_713 : vector<16xi32>
        %shift_right_arithmetic3A_715 = arith.constant 10 : i32
        %shift_right_arithmetic3A_716 = arith.shrsi %add3A_711, %shift_right_arithmetic3A_715 : i32
        %and3A_717 = arith.constant 1023 : i32
        %and3A_718 = arith.andi %add3A_711, %and3A_717 : i32
        %swap3A_719 = arith.constant 1 : i32
        %swap3A_720 = arith.index_cast %swap3A_719 : i32 to index
        %swap3A_721 = arith.index_cast %shift_right_arithmetic3A_716 : i32 to index
        %swap3A_722 = arith.index_cast %and3A_718 : i32 to index
        %swap3A_723 = tpu.vector_load %arg6[%swap3A_720, %swap3A_721, %swap3A_722] {strides = array<i32>} : memref<2x8x1024xi32, #tpu.memory_space<vmem>>, vector<16xi32>,
        tpu.vector_store %arg6[%swap3A_720, %swap3A_721, %swap3A_722], %add3A_714 {strides = array<i32>} : memref<2x8x1024xi32, #tpu.memory_space<vmem>>, vector<16xi32>,
        %add3A_724 = arith.constant 128 : i32
        %add3A_725 = arith.addi %add3A_709, %add3A_724 : i32
        %add3A_726 = arith.constant 128 : i32
        %add3A_727 = vector.broadcast %add3A_726 : i32 to vector<16xi32>
        %add3A_728 = arith.addi %add3A_706, %add3A_727 : vector<16xi32>
        %shift_right_arithmetic3A_729 = arith.constant 10 : i32
        %shift_right_arithmetic3A_730 = arith.shrsi %add3A_725, %shift_right_arithmetic3A_729 : i32
        %and3A_731 = arith.constant 1023 : i32
        %and3A_732 = arith.andi %add3A_725, %and3A_731 : i32
        %swap3A_733 = arith.constant 1 : i32
        %swap3A_734 = arith.index_cast %swap3A_733 : i32 to index
        %swap3A_735 = arith.index_cast %shift_right_arithmetic3A_730 : i32 to index
        %swap3A_736 = arith.index_cast %and3A_732 : i32 to index
        %swap3A_737 = tpu.vector_load %arg6[%swap3A_734, %swap3A_735, %swap3A_736] {strides = array<i32>} : memref<2x8x1024xi32, #tpu.memory_space<vmem>>, vector<16xi32>,
        tpu.vector_store %arg6[%swap3A_734, %swap3A_735, %swap3A_736], %add3A_728 {strides = array<i32>} : memref<2x8x1024xi32, #tpu.memory_space<vmem>>, vector<16xi32>,
        %add3A_738 = arith.constant 256 : i32
        %add3A_739 = arith.addi %add3A_709, %add3A_738 : i32
        %add3A_740 = arith.constant 256 : i32
        %add3A_741 = vector.broadcast %add3A_740 : i32 to vector<16xi32>
        %add3A_742 = arith.addi %add3A_706, %add3A_741 : vector<16xi32>
        %shift_right_arithmetic3A_743 = arith.constant 10 : i32
        %shift_right_arithmetic3A_744 = arith.shrsi %add3A_739, %shift_right_arithmetic3A_743 : i32
        %and3A_745 = arith.constant 1023 : i32
        %and3A_746 = arith.andi %add3A_739, %and3A_745 : i32
        %swap3A_747 = arith.constant 1 : i32
        %swap3A_748 = arith.index_cast %swap3A_747 : i32 to index
        %swap3A_749 = arith.index_cast %shift_right_arithmetic3A_744 : i32 to index
        %swap3A_750 = arith.index_cast %and3A_746 : i32 to index
        %swap3A_751 = tpu.vector_load %arg6[%swap3A_748, %swap3A_749, %swap3A_750] {strides = array<i32>} : memref<2x8x1024xi32, #tpu.memory_space<vmem>>, vector<16xi32>,
        tpu.vector_store %arg6[%swap3A_748, %swap3A_749, %swap3A_750], %add3A_742 {strides = array<i32>} : memref<2x8x1024xi32, #tpu.memory_space<vmem>>, vector<16xi32>,
        %add3A_752 = arith.constant 384 : i32
        %add3A_753 = arith.addi %add3A_709, %add3A_752 : i32
        %add3A_754 = arith.constant 384 : i32
        %add3A_755 = vector.broadcast %add3A_754 : i32 to vector<16xi32>
        %add3A_756 = arith.addi %add3A_706, %add3A_755 : vector<16xi32>
        %shift_right_arithmetic3A_757 = arith.constant 10 : i32
        %shift_right_arithmetic3A_758 = arith.shrsi %add3A_753, %shift_right_arithmetic3A_757 : i32
        %and3A_759 = arith.constant 1023 : i32
        %and3A_760 = arith.andi %add3A_753, %and3A_759 : i32
        %swap3A_761 = arith.constant 1 : i32
        %swap3A_762 = arith.index_cast %swap3A_761 : i32 to index
        %swap3A_763 = arith.index_cast %shift_right_arithmetic3A_758 : i32 to index
        %swap3A_764 = arith.index_cast %and3A_760 : i32 to index
        %swap3A_765 = tpu.vector_load %arg6[%swap3A_762, %swap3A_763, %swap3A_764] {strides = array<i32>} : memref<2x8x1024xi32, #tpu.memory_space<vmem>>, vector<16xi32>,
        tpu.vector_store %arg6[%swap3A_762, %swap3A_763, %swap3A_764], %add3A_756 {strides = array<i32>} : memref<2x8x1024xi32, #tpu.memory_space<vmem>>, vector<16xi32>,
        %scan3A_766 = arith.constant 2 : i32
        %scan3A_767 = arith.addi %scan3A_379, %scan3A_766 : i32
        %shift_right_arithmetic3A_768 = arith.constant 3 : i32
        %shift_right_arithmetic3A_769 = arith.shrsi %scan3A_767, %shift_right_arithmetic3A_768 : i32
        %and3A_770 = arith.constant 7 : i32
        %and3A_771 = arith.andi %scan3A_767, %and3A_770 : i32
        %mul3A_772 = arith.constant 16 : i32
        %mul3A_773 = arith.muli %and3A_771, %mul3A_772 : i32
        %mul3A_774 = arith.constant 256 : i32
        %mul3A_775 = arith.muli %shift_right_arithmetic3A_769, %mul3A_774 : i32
        %add3A_776 = arith.addi %mul3A_775, %mul3A_773 : i32
        %get3A_777 = arith.constant 1 : i32
        %get3A_778 = arith.index_cast %get3A_777 : i32 to index
        %get3A_779 = arith.index_cast %add3A_776 : i32 to index
        %get3A_780 = tpu.vector_load %arg5[%get3A_778, %get3A_779] {strides = array<i32>} : memref<2x4096xf32, #tpu.memory_space<vmem>>, vector<16xf32>,
        %add3A_781 = arith.constant 128 : i32
        %add3A_782 = arith.addi %add3A_776, %add3A_781 : i32
        %get3A_783 = arith.constant 1 : i32
        %get3A_784 = arith.index_cast %get3A_783 : i32 to index
        %get3A_785 = arith.index_cast %add3A_782 : i32 to index
        %get3A_786 = tpu.vector_load %arg5[%get3A_784, %get3A_785] {strides = array<i32>} : memref<2x4096xf32, #tpu.memory_space<vmem>>, vector<16xf32>,
        %div3A_787 = arith.constant 1.000000e-03 : f32
        %div3A_788 = vector.broadcast %div3A_787 : f32 to vector<16xf32>
        %div3A_789 = arith.divf %get3A_780, %div3A_788 : vector<16xf32>
        %convert_element_type3A_790 = arith.fptosi %div3A_789 : vector<16xf32> to vector<16xi32>
        %div3A_791 = arith.constant 1.000000e-03 : f32
        %div3A_792 = vector.broadcast %div3A_791 : f32 to vector<16xf32>
        %div3A_793 = arith.divf %get3A_786, %div3A_792 : vector<16xf32>
        %convert_element_type3A_794 = arith.fptosi %div3A_793 : vector<16xf32> to vector<16xi32>
        %mul3A_795 = arith.constant 51819 : i32
        %mul3A_796 = vector.broadcast %mul3A_795 : i32 to vector<16xi32>
        %mul3A_797 = arith.muli %convert_element_type3A_790, %mul3A_796 : vector<16xi32>
        %mul3A_798 = arith.constant 34283 : i32
        %mul3A_799 = vector.broadcast %mul3A_798 : i32 to vector<16xi32>
        %mul3A_800 = arith.muli %convert_element_type3A_790, %mul3A_799 : vector<16xi32>
        %and3A_801 = arith.constant 65535 : i32
        %and3A_802 = vector.broadcast %and3A_801 : i32 to vector<16xi32>
        %and3A_803 = arith.andi %mul3A_797, %and3A_802 : vector<16xi32>
        %shift_right_arithmetic3A_804 = arith.constant 16 : i32
        %shift_right_arithmetic3A_805 = vector.broadcast %shift_right_arithmetic3A_804 : i32 to vector<16xi32>
        %shift_right_arithmetic3A_806 = arith.shrsi %mul3A_797, %shift_right_arithmetic3A_805 : vector<16xi32>
        %and3A_807 = arith.constant 65535 : i32
        %and3A_808 = vector.broadcast %and3A_807 : i32 to vector<16xi32>
        %and3A_809 = arith.andi %mul3A_800, %and3A_808 : vector<16xi32>
        %add3A_810 = arith.addi %shift_right_arithmetic3A_806, %and3A_809 : vector<16xi32>
        %and3A_811 = arith.constant 65535 : i32
        %and3A_812 = vector.broadcast %and3A_811 : i32 to vector<16xi32>
        %and3A_813 = arith.andi %add3A_810, %and3A_812 : vector<16xi32>
        %shift_right_arithmetic3A_814 = arith.constant 16 : i32
        %shift_right_arithmetic3A_815 = vector.broadcast %shift_right_arithmetic3A_814 : i32 to vector<16xi32>
        %shift_right_arithmetic3A_816 = arith.shrsi %mul3A_800, %shift_right_arithmetic3A_815 : vector<16xi32>
        %shift_right_arithmetic3A_817 = arith.constant 16 : i32
        %shift_right_arithmetic3A_818 = vector.broadcast %shift_right_arithmetic3A_817 : i32 to vector<16xi32>
        %shift_right_arithmetic3A_819 = arith.shrsi %add3A_810, %shift_right_arithmetic3A_818 : vector<16xi32>
        %add3A_820 = arith.addi %shift_right_arithmetic3A_816, %shift_right_arithmetic3A_819 : vector<16xi32>
        %shift_right_arithmetic3A_821 = arith.constant 13 : i32
        %shift_right_arithmetic3A_822 = vector.broadcast %shift_right_arithmetic3A_821 : i32 to vector<16xi32>
        %shift_right_arithmetic3A_823 = arith.shrsi %and3A_803, %shift_right_arithmetic3A_822 : vector<16xi32>
        %shift_left3A_824 = arith.constant 3 : i32
        %shift_left3A_825 = vector.broadcast %shift_left3A_824 : i32 to vector<16xi32>
        %shift_left3A_826 = arith.shli %and3A_813, %shift_left3A_825 : vector<16xi32>
        %or3A_827 = arith.ori %shift_right_arithmetic3A_823, %shift_left3A_826 : vector<16xi32>
        %and3A_828 = arith.constant 65535 : i32
        %and3A_829 = vector.broadcast %and3A_828 : i32 to vector<16xi32>
        %and3A_830 = arith.andi %or3A_827, %and3A_829 : vector<16xi32>
        %xor3A_831 = arith.xori %and3A_803, %and3A_830 : vector<16xi32>
        %shift_right_arithmetic3A_832 = arith.constant 13 : i32
        %shift_right_arithmetic3A_833 = vector.broadcast %shift_right_arithmetic3A_832 : i32 to vector<16xi32>
        %shift_right_arithmetic3A_834 = arith.shrsi %and3A_813, %shift_right_arithmetic3A_833 : vector<16xi32>
        %shift_left3A_835 = arith.constant 3 : i32
        %shift_left3A_836 = vector.broadcast %shift_left3A_835 : i32 to vector<16xi32>
        %shift_left3A_837 = arith.shli %add3A_820, %shift_left3A_836 : vector<16xi32>
        %or3A_838 = arith.ori %shift_right_arithmetic3A_834, %shift_left3A_837 : vector<16xi32>
        %and3A_839 = arith.constant 65535 : i32
        %and3A_840 = vector.broadcast %and3A_839 : i32 to vector<16xi32>
        %and3A_841 = arith.andi %or3A_838, %and3A_840 : vector<16xi32>
        %xor3A_842 = arith.xori %and3A_813, %and3A_841 : vector<16xi32>
        %mul3A_843 = arith.constant 44597 : i32
        %mul3A_844 = vector.broadcast %mul3A_843 : i32 to vector<16xi32>
        %mul3A_845 = arith.muli %convert_element_type3A_794, %mul3A_844 : vector<16xi32>
        %mul3A_846 = arith.constant 49842 : i32
        %mul3A_847 = vector.broadcast %mul3A_846 : i32 to vector<16xi32>
        %mul3A_848 = arith.muli %convert_element_type3A_794, %mul3A_847 : vector<16xi32>
        %and3A_849 = arith.constant 65535 : i32
        %and3A_850 = vector.broadcast %and3A_849 : i32 to vector<16xi32>
        %and3A_851 = arith.andi %mul3A_845, %and3A_850 : vector<16xi32>
        %shift_right_arithmetic3A_852 = arith.constant 16 : i32
        %shift_right_arithmetic3A_853 = vector.broadcast %shift_right_arithmetic3A_852 : i32 to vector<16xi32>
        %shift_right_arithmetic3A_854 = arith.shrsi %mul3A_845, %shift_right_arithmetic3A_853 : vector<16xi32>
        %and3A_855 = arith.constant 65535 : i32
        %and3A_856 = vector.broadcast %and3A_855 : i32 to vector<16xi32>
        %and3A_857 = arith.andi %mul3A_848, %and3A_856 : vector<16xi32>
        %add3A_858 = arith.addi %shift_right_arithmetic3A_854, %and3A_857 : vector<16xi32>
        %and3A_859 = arith.constant 65535 : i32
        %and3A_860 = vector.broadcast %and3A_859 : i32 to vector<16xi32>
        %and3A_861 = arith.andi %add3A_858, %and3A_860 : vector<16xi32>
        %shift_right_arithmetic3A_862 = arith.constant 16 : i32
        %shift_right_arithmetic3A_863 = vector.broadcast %shift_right_arithmetic3A_862 : i32 to vector<16xi32>
        %shift_right_arithmetic3A_864 = arith.shrsi %mul3A_848, %shift_right_arithmetic3A_863 : vector<16xi32>
        %shift_right_arithmetic3A_865 = arith.constant 16 : i32
        %shift_right_arithmetic3A_866 = vector.broadcast %shift_right_arithmetic3A_865 : i32 to vector<16xi32>
        %shift_right_arithmetic3A_867 = arith.shrsi %add3A_858, %shift_right_arithmetic3A_866 : vector<16xi32>
        %add3A_868 = arith.addi %shift_right_arithmetic3A_864, %shift_right_arithmetic3A_867 : vector<16xi32>
        %add3A_869 = arith.addi %xor3A_831, %and3A_851 : vector<16xi32>
        %and3A_870 = arith.constant 65535 : i32
        %and3A_871 = vector.broadcast %and3A_870 : i32 to vector<16xi32>
        %and3A_872 = arith.andi %add3A_869, %and3A_871 : vector<16xi32>
        %add3A_873 = arith.addi %xor3A_842, %and3A_861 : vector<16xi32>
        %shift_right_arithmetic3A_874 = arith.constant 16 : i32
        %shift_right_arithmetic3A_875 = vector.broadcast %shift_right_arithmetic3A_874 : i32 to vector<16xi32>
        %shift_right_arithmetic3A_876 = arith.shrsi %add3A_869, %shift_right_arithmetic3A_875 : vector<16xi32>
        %add3A_877 = arith.addi %add3A_873, %shift_right_arithmetic3A_876 : vector<16xi32>
        %and3A_878 = arith.constant 65535 : i32
        %and3A_879 = vector.broadcast %and3A_878 : i32 to vector<16xi32>
        %and3A_880 = arith.andi %add3A_877, %and3A_879 : vector<16xi32>
        %add3A_881 = arith.addi %add3A_820, %add3A_868 : vector<16xi32>
        %shift_right_arithmetic3A_882 = arith.constant 16 : i32
        %shift_right_arithmetic3A_883 = vector.broadcast %shift_right_arithmetic3A_882 : i32 to vector<16xi32>
        %shift_right_arithmetic3A_884 = arith.shrsi %add3A_877, %shift_right_arithmetic3A_883 : vector<16xi32>
        %add3A_885 = arith.addi %add3A_881, %shift_right_arithmetic3A_884 : vector<16xi32>
        %xor3A_886 = arith.xori %and3A_872, %and3A_880 : vector<16xi32>
        %xor3A_887 = arith.xori %and3A_880, %add3A_885 : vector<16xi32>
        %and3A_888 = arith.constant 63 : i32
        %and3A_889 = vector.broadcast %and3A_888 : i32 to vector<16xi32>
        %and3A_890 = arith.andi %xor3A_887, %and3A_889 : vector<16xi32>
        %shift_left3A_891 = arith.constant 16 : i32
        %shift_left3A_892 = vector.broadcast %shift_left3A_891 : i32 to vector<16xi32>
        %shift_left3A_893 = arith.shli %and3A_890, %shift_left3A_892 : vector<16xi32>
        %or3A_894 = arith.ori %xor3A_886, %shift_left3A_893 : vector<16xi32>
        %shift_right_arithmetic3A_895 = arith.constant 7 : i32
        %shift_right_arithmetic3A_896 = vector.broadcast %shift_right_arithmetic3A_895 : i32 to vector<16xi32>
        %shift_right_arithmetic3A_897 = arith.shrsi %or3A_894, %shift_right_arithmetic3A_896 : vector<16xi32>
        %shift_left3A_898 = arith.constant 9 : i32
        %shift_left3A_899 = vector.broadcast %shift_left3A_898 : i32 to vector<16xi32>
        %shift_left3A_900 = arith.shli %shift_right_arithmetic3A_897, %shift_left3A_899 : vector<16xi32>
        %and3A_901 = arith.constant 127 : i32
        %and3A_902 = vector.broadcast %and3A_901 : i32 to vector<16xi32>
        %and3A_903 = arith.andi %or3A_894, %and3A_902 : vector<16xi32>
        %add3A_904 = arith.addi %shift_left3A_900, %and3A_903 : vector<16xi32>
        %mul3A_905 = arith.constant 512 : i32
        %mul3A_906 = arith.muli %shift_right_arithmetic3A_769, %mul3A_905 : i32
        %add3A_907 = arith.addi %mul3A_906, %mul3A_773 : i32
        %add3A_908 = arith.constant 0 : i32
        %add3A_909 = arith.addi %add3A_907, %add3A_908 : i32
        %add3A_910 = arith.constant 0 : i32
        %add3A_911 = vector.broadcast %add3A_910 : i32 to vector<16xi32>
        %add3A_912 = arith.addi %add3A_904, %add3A_911 : vector<16xi32>
        %shift_right_arithmetic3A_913 = arith.constant 10 : i32
        %shift_right_arithmetic3A_914 = arith.shrsi %add3A_909, %shift_right_arithmetic3A_913 : i32
        %and3A_915 = arith.constant 1023 : i32
        %and3A_916 = arith.andi %add3A_909, %and3A_915 : i32
        %swap3A_917 = arith.constant 1 : i32
        %swap3A_918 = arith.index_cast %swap3A_917 : i32 to index
        %swap3A_919 = arith.index_cast %shift_right_arithmetic3A_914 : i32 to index
        %swap3A_920 = arith.index_cast %and3A_916 : i32 to index
        %swap3A_921 = tpu.vector_load %arg6[%swap3A_918, %swap3A_919, %swap3A_920] {strides = array<i32>} : memref<2x8x1024xi32, #tpu.memory_space<vmem>>, vector<16xi32>,
        tpu.vector_store %arg6[%swap3A_918, %swap3A_919, %swap3A_920], %add3A_912 {strides = array<i32>} : memref<2x8x1024xi32, #tpu.memory_space<vmem>>, vector<16xi32>,
        %add3A_922 = arith.constant 128 : i32
        %add3A_923 = arith.addi %add3A_907, %add3A_922 : i32
        %add3A_924 = arith.constant 128 : i32
        %add3A_925 = vector.broadcast %add3A_924 : i32 to vector<16xi32>
        %add3A_926 = arith.addi %add3A_904, %add3A_925 : vector<16xi32>
        %shift_right_arithmetic3A_927 = arith.constant 10 : i32
        %shift_right_arithmetic3A_928 = arith.shrsi %add3A_923, %shift_right_arithmetic3A_927 : i32
        %and3A_929 = arith.constant 1023 : i32
        %and3A_930 = arith.andi %add3A_923, %and3A_929 : i32
        %swap3A_931 = arith.constant 1 : i32
        %swap3A_932 = arith.index_cast %swap3A_931 : i32 to index
        %swap3A_933 = arith.index_cast %shift_right_arithmetic3A_928 : i32 to index
        %swap3A_934 = arith.index_cast %and3A_930 : i32 to index
        %swap3A_935 = tpu.vector_load %arg6[%swap3A_932, %swap3A_933, %swap3A_934] {strides = array<i32>} : memref<2x8x1024xi32, #tpu.memory_space<vmem>>, vector<16xi32>,
        tpu.vector_store %arg6[%swap3A_932, %swap3A_933, %swap3A_934], %add3A_926 {strides = array<i32>} : memref<2x8x1024xi32, #tpu.memory_space<vmem>>, vector<16xi32>,
        %add3A_936 = arith.constant 256 : i32
        %add3A_937 = arith.addi %add3A_907, %add3A_936 : i32
        %add3A_938 = arith.constant 256 : i32
        %add3A_939 = vector.broadcast %add3A_938 : i32 to vector<16xi32>
        %add3A_940 = arith.addi %add3A_904, %add3A_939 : vector<16xi32>
        %shift_right_arithmetic3A_941 = arith.constant 10 : i32
        %shift_right_arithmetic3A_942 = arith.shrsi %add3A_937, %shift_right_arithmetic3A_941 : i32
        %and3A_943 = arith.constant 1023 : i32
        %and3A_944 = arith.andi %add3A_937, %and3A_943 : i32
        %swap3A_945 = arith.constant 1 : i32
        %swap3A_946 = arith.index_cast %swap3A_945 : i32 to index
        %swap3A_947 = arith.index_cast %shift_right_arithmetic3A_942 : i32 to index
        %swap3A_948 = arith.index_cast %and3A_944 : i32 to index
        %swap3A_949 = tpu.vector_load %arg6[%swap3A_946, %swap3A_947, %swap3A_948] {strides = array<i32>} : memref<2x8x1024xi32, #tpu.memory_space<vmem>>, vector<16xi32>,
        tpu.vector_store %arg6[%swap3A_946, %swap3A_947, %swap3A_948], %add3A_940 {strides = array<i32>} : memref<2x8x1024xi32, #tpu.memory_space<vmem>>, vector<16xi32>,
        %add3A_950 = arith.constant 384 : i32
        %add3A_951 = arith.addi %add3A_907, %add3A_950 : i32
        %add3A_952 = arith.constant 384 : i32
        %add3A_953 = vector.broadcast %add3A_952 : i32 to vector<16xi32>
        %add3A_954 = arith.addi %add3A_904, %add3A_953 : vector<16xi32>
        %shift_right_arithmetic3A_955 = arith.constant 10 : i32
        %shift_right_arithmetic3A_956 = arith.shrsi %add3A_951, %shift_right_arithmetic3A_955 : i32
        %and3A_957 = arith.constant 1023 : i32
        %and3A_958 = arith.andi %add3A_951, %and3A_957 : i32
        %swap3A_959 = arith.constant 1 : i32
        %swap3A_960 = arith.index_cast %swap3A_959 : i32 to index
        %swap3A_961 = arith.index_cast %shift_right_arithmetic3A_956 : i32 to index
        %swap3A_962 = arith.index_cast %and3A_958 : i32 to index
        %swap3A_963 = tpu.vector_load %arg6[%swap3A_960, %swap3A_961, %swap3A_962] {strides = array<i32>} : memref<2x8x1024xi32, #tpu.memory_space<vmem>>, vector<16xi32>,
        tpu.vector_store %arg6[%swap3A_960, %swap3A_961, %swap3A_962], %add3A_954 {strides = array<i32>} : memref<2x8x1024xi32, #tpu.memory_space<vmem>>, vector<16xi32>,
        %scan3A_964 = arith.constant 3 : i32
        %scan3A_965 = arith.addi %scan3A_379, %scan3A_964 : i32
        %shift_right_arithmetic3A_966 = arith.constant 3 : i32
        %shift_right_arithmetic3A_967 = arith.shrsi %scan3A_965, %shift_right_arithmetic3A_966 : i32
        %and3A_968 = arith.constant 7 : i32
        %and3A_969 = arith.andi %scan3A_965, %and3A_968 : i32
        %mul3A_970 = arith.constant 16 : i32
        %mul3A_971 = arith.muli %and3A_969, %mul3A_970 : i32
        %mul3A_972 = arith.constant 256 : i32
        %mul3A_973 = arith.muli %shift_right_arithmetic3A_967, %mul3A_972 : i32
        %add3A_974 = arith.addi %mul3A_973, %mul3A_971 : i32
        %get3A_975 = arith.constant 1 : i32
        %get3A_976 = arith.index_cast %get3A_975 : i32 to index
        %get3A_977 = arith.index_cast %add3A_974 : i32 to index
        %get3A_978 = tpu.vector_load %arg5[%get3A_976, %get3A_977] {strides = array<i32>} : memref<2x4096xf32, #tpu.memory_space<vmem>>, vector<16xf32>,
        %add3A_979 = arith.constant 128 : i32
        %add3A_980 = arith.addi %add3A_974, %add3A_979 : i32
        %get3A_981 = arith.constant 1 : i32
        %get3A_982 = arith.index_cast %get3A_981 : i32 to index
        %get3A_983 = arith.index_cast %add3A_980 : i32 to index
        %get3A_984 = tpu.vector_load %arg5[%get3A_982, %get3A_983] {strides = array<i32>} : memref<2x4096xf32, #tpu.memory_space<vmem>>, vector<16xf32>,
        %div3A_985 = arith.constant 1.000000e-03 : f32
        %div3A_986 = vector.broadcast %div3A_985 : f32 to vector<16xf32>
        %div3A_987 = arith.divf %get3A_978, %div3A_986 : vector<16xf32>
        %convert_element_type3A_988 = arith.fptosi %div3A_987 : vector<16xf32> to vector<16xi32>
        %div3A_989 = arith.constant 1.000000e-03 : f32
        %div3A_990 = vector.broadcast %div3A_989 : f32 to vector<16xf32>
        %div3A_991 = arith.divf %get3A_984, %div3A_990 : vector<16xf32>
        %convert_element_type3A_992 = arith.fptosi %div3A_991 : vector<16xf32> to vector<16xi32>
        %mul3A_993 = arith.constant 51819 : i32
        %mul3A_994 = vector.broadcast %mul3A_993 : i32 to vector<16xi32>
        %mul3A_995 = arith.muli %convert_element_type3A_988, %mul3A_994 : vector<16xi32>
        %mul3A_996 = arith.constant 34283 : i32
        %mul3A_997 = vector.broadcast %mul3A_996 : i32 to vector<16xi32>
        %mul3A_998 = arith.muli %convert_element_type3A_988, %mul3A_997 : vector<16xi32>
        %and3A_999 = arith.constant 65535 : i32
        %and3A_1000 = vector.broadcast %and3A_999 : i32 to vector<16xi32>
        %and3A_1001 = arith.andi %mul3A_995, %and3A_1000 : vector<16xi32>
        %shift_right_arithmetic3A_1002 = arith.constant 16 : i32
        %shift_right_arithmetic3A_1003 = vector.broadcast %shift_right_arithmetic3A_1002 : i32 to vector<16xi32>
        %shift_right_arithmetic3A_1004 = arith.shrsi %mul3A_995, %shift_right_arithmetic3A_1003 : vector<16xi32>
        %and3A_1005 = arith.constant 65535 : i32
        %and3A_1006 = vector.broadcast %and3A_1005 : i32 to vector<16xi32>
        %and3A_1007 = arith.andi %mul3A_998, %and3A_1006 : vector<16xi32>
        %add3A_1008 = arith.addi %shift_right_arithmetic3A_1004, %and3A_1007 : vector<16xi32>
        %and3A_1009 = arith.constant 65535 : i32
        %and3A_1010 = vector.broadcast %and3A_1009 : i32 to vector<16xi32>
        %and3A_1011 = arith.andi %add3A_1008, %and3A_1010 : vector<16xi32>
        %shift_right_arithmetic3A_1012 = arith.constant 16 : i32
        %shift_right_arithmetic3A_1013 = vector.broadcast %shift_right_arithmetic3A_1012 : i32 to vector<16xi32>
        %shift_right_arithmetic3A_1014 = arith.shrsi %mul3A_998, %shift_right_arithmetic3A_1013 : vector<16xi32>
        %shift_right_arithmetic3A_1015 = arith.constant 16 : i32
        %shift_right_arithmetic3A_1016 = vector.broadcast %shift_right_arithmetic3A_1015 : i32 to vector<16xi32>
        %shift_right_arithmetic3A_1017 = arith.shrsi %add3A_1008, %shift_right_arithmetic3A_1016 : vector<16xi32>
        %add3A_1018 = arith.addi %shift_right_arithmetic3A_1014, %shift_right_arithmetic3A_1017 : vector<16xi32>
        %shift_right_arithmetic3A_1019 = arith.constant 13 : i32
        %shift_right_arithmetic3A_1020 = vector.broadcast %shift_right_arithmetic3A_1019 : i32 to vector<16xi32>
        %shift_right_arithmetic3A_1021 = arith.shrsi %and3A_1001, %shift_right_arithmetic3A_1020 : vector<16xi32>
        %shift_left3A_1022 = arith.constant 3 : i32
        %shift_left3A_1023 = vector.broadcast %shift_left3A_1022 : i32 to vector<16xi32>
        %shift_left3A_1024 = arith.shli %and3A_1011, %shift_left3A_1023 : vector<16xi32>
        %or3A_1025 = arith.ori %shift_right_arithmetic3A_1021, %shift_left3A_1024 : vector<16xi32>
        %and3A_1026 = arith.constant 65535 : i32
        %and3A_1027 = vector.broadcast %and3A_1026 : i32 to vector<16xi32>
        %and3A_1028 = arith.andi %or3A_1025, %and3A_1027 : vector<16xi32>
        %xor3A_1029 = arith.xori %and3A_1001, %and3A_1028 : vector<16xi32>
        %shift_right_arithmetic3A_1030 = arith.constant 13 : i32
        %shift_right_arithmetic3A_1031 = vector.broadcast %shift_right_arithmetic3A_1030 : i32 to vector<16xi32>
        %shift_right_arithmetic3A_1032 = arith.shrsi %and3A_1011, %shift_right_arithmetic3A_1031 : vector<16xi32>
        %shift_left3A_1033 = arith.constant 3 : i32
        %shift_left3A_1034 = vector.broadcast %shift_left3A_1033 : i32 to vector<16xi32>
        %shift_left3A_1035 = arith.shli %add3A_1018, %shift_left3A_1034 : vector<16xi32>
        %or3A_1036 = arith.ori %shift_right_arithmetic3A_1032, %shift_left3A_1035 : vector<16xi32>
        %and3A_1037 = arith.constant 65535 : i32
        %and3A_1038 = vector.broadcast %and3A_1037 : i32 to vector<16xi32>
        %and3A_1039 = arith.andi %or3A_1036, %and3A_1038 : vector<16xi32>
        %xor3A_1040 = arith.xori %and3A_1011, %and3A_1039 : vector<16xi32>
        %mul3A_1041 = arith.constant 44597 : i32
        %mul3A_1042 = vector.broadcast %mul3A_1041 : i32 to vector<16xi32>
        %mul3A_1043 = arith.muli %convert_element_type3A_992, %mul3A_1042 : vector<16xi32>
        %mul3A_1044 = arith.constant 49842 : i32
        %mul3A_1045 = vector.broadcast %mul3A_1044 : i32 to vector<16xi32>
        %mul3A_1046 = arith.muli %convert_element_type3A_992, %mul3A_1045 : vector<16xi32>
        %and3A_1047 = arith.constant 65535 : i32
        %and3A_1048 = vector.broadcast %and3A_1047 : i32 to vector<16xi32>
        %and3A_1049 = arith.andi %mul3A_1043, %and3A_1048 : vector<16xi32>
        %shift_right_arithmetic3A_1050 = arith.constant 16 : i32
        %shift_right_arithmetic3A_1051 = vector.broadcast %shift_right_arithmetic3A_1050 : i32 to vector<16xi32>
        %shift_right_arithmetic3A_1052 = arith.shrsi %mul3A_1043, %shift_right_arithmetic3A_1051 : vector<16xi32>
        %and3A_1053 = arith.constant 65535 : i32
        %and3A_1054 = vector.broadcast %and3A_1053 : i32 to vector<16xi32>
        %and3A_1055 = arith.andi %mul3A_1046, %and3A_1054 : vector<16xi32>
        %add3A_1056 = arith.addi %shift_right_arithmetic3A_1052, %and3A_1055 : vector<16xi32>
        %and3A_1057 = arith.constant 65535 : i32
        %and3A_1058 = vector.broadcast %and3A_1057 : i32 to vector<16xi32>
        %and3A_1059 = arith.andi %add3A_1056, %and3A_1058 : vector<16xi32>
        %shift_right_arithmetic3A_1060 = arith.constant 16 : i32
        %shift_right_arithmetic3A_1061 = vector.broadcast %shift_right_arithmetic3A_1060 : i32 to vector<16xi32>
        %shift_right_arithmetic3A_1062 = arith.shrsi %mul3A_1046, %shift_right_arithmetic3A_1061 : vector<16xi32>
        %shift_right_arithmetic3A_1063 = arith.constant 16 : i32
        %shift_right_arithmetic3A_1064 = vector.broadcast %shift_right_arithmetic3A_1063 : i32 to vector<16xi32>
        %shift_right_arithmetic3A_1065 = arith.shrsi %add3A_1056, %shift_right_arithmetic3A_1064 : vector<16xi32>
        %add3A_1066 = arith.addi %shift_right_arithmetic3A_1062, %shift_right_arithmetic3A_1065 : vector<16xi32>
        %add3A_1067 = arith.addi %xor3A_1029, %and3A_1049 : vector<16xi32>
        %and3A_1068 = arith.constant 65535 : i32
        %and3A_1069 = vector.broadcast %and3A_1068 : i32 to vector<16xi32>
        %and3A_1070 = arith.andi %add3A_1067, %and3A_1069 : vector<16xi32>
        %add3A_1071 = arith.addi %xor3A_1040, %and3A_1059 : vector<16xi32>
        %shift_right_arithmetic3A_1072 = arith.constant 16 : i32
        %shift_right_arithmetic3A_1073 = vector.broadcast %shift_right_arithmetic3A_1072 : i32 to vector<16xi32>
        %shift_right_arithmetic3A_1074 = arith.shrsi %add3A_1067, %shift_right_arithmetic3A_1073 : vector<16xi32>
        %add3A_1075 = arith.addi %add3A_1071, %shift_right_arithmetic3A_1074 : vector<16xi32>
        %and3A_1076 = arith.constant 65535 : i32
        %and3A_1077 = vector.broadcast %and3A_1076 : i32 to vector<16xi32>
        %and3A_1078 = arith.andi %add3A_1075, %and3A_1077 : vector<16xi32>
        %add3A_1079 = arith.addi %add3A_1018, %add3A_1066 : vector<16xi32>
        %shift_right_arithmetic3A_1080 = arith.constant 16 : i32
        %shift_right_arithmetic3A_1081 = vector.broadcast %shift_right_arithmetic3A_1080 : i32 to vector<16xi32>
        %shift_right_arithmetic3A_1082 = arith.shrsi %add3A_1075, %shift_right_arithmetic3A_1081 : vector<16xi32>
        %add3A_1083 = arith.addi %add3A_1079, %shift_right_arithmetic3A_1082 : vector<16xi32>
        %xor3A_1084 = arith.xori %and3A_1070, %and3A_1078 : vector<16xi32>
        %xor3A_1085 = arith.xori %and3A_1078, %add3A_1083 : vector<16xi32>
        %and3A_1086 = arith.constant 63 : i32
        %and3A_1087 = vector.broadcast %and3A_1086 : i32 to vector<16xi32>
        %and3A_1088 = arith.andi %xor3A_1085, %and3A_1087 : vector<16xi32>
        %shift_left3A_1089 = arith.constant 16 : i32
        %shift_left3A_1090 = vector.broadcast %shift_left3A_1089 : i32 to vector<16xi32>
        %shift_left3A_1091 = arith.shli %and3A_1088, %shift_left3A_1090 : vector<16xi32>
        %or3A_1092 = arith.ori %xor3A_1084, %shift_left3A_1091 : vector<16xi32>
        %shift_right_arithmetic3A_1093 = arith.constant 7 : i32
        %shift_right_arithmetic3A_1094 = vector.broadcast %shift_right_arithmetic3A_1093 : i32 to vector<16xi32>
        %shift_right_arithmetic3A_1095 = arith.shrsi %or3A_1092, %shift_right_arithmetic3A_1094 : vector<16xi32>
        %shift_left3A_1096 = arith.constant 9 : i32
        %shift_left3A_1097 = vector.broadcast %shift_left3A_1096 : i32 to vector<16xi32>
        %shift_left3A_1098 = arith.shli %shift_right_arithmetic3A_1095, %shift_left3A_1097 : vector<16xi32>
        %and3A_1099 = arith.constant 127 : i32
        %and3A_1100 = vector.broadcast %and3A_1099 : i32 to vector<16xi32>
        %and3A_1101 = arith.andi %or3A_1092, %and3A_1100 : vector<16xi32>
        %add3A_1102 = arith.addi %shift_left3A_1098, %and3A_1101 : vector<16xi32>
        %mul3A_1103 = arith.constant 512 : i32
        %mul3A_1104 = arith.muli %shift_right_arithmetic3A_967, %mul3A_1103 : i32
        %add3A_1105 = arith.addi %mul3A_1104, %mul3A_971 : i32
        %add3A_1106 = arith.constant 0 : i32
        %add3A_1107 = arith.addi %add3A_1105, %add3A_1106 : i32
        %add3A_1108 = arith.constant 0 : i32
        %add3A_1109 = vector.broadcast %add3A_1108 : i32 to vector<16xi32>
        %add3A_1110 = arith.addi %add3A_1102, %add3A_1109 : vector<16xi32>
        %shift_right_arithmetic3A_1111 = arith.constant 10 : i32
        %shift_right_arithmetic3A_1112 = arith.shrsi %add3A_1107, %shift_right_arithmetic3A_1111 : i32
        %and3A_1113 = arith.constant 1023 : i32
        %and3A_1114 = arith.andi %add3A_1107, %and3A_1113 : i32
        %swap3A_1115 = arith.constant 1 : i32
        %swap3A_1116 = arith.index_cast %swap3A_1115 : i32 to index
        %swap3A_1117 = arith.index_cast %shift_right_arithmetic3A_1112 : i32 to index
        %swap3A_1118 = arith.index_cast %and3A_1114 : i32 to index
        %swap3A_1119 = tpu.vector_load %arg6[%swap3A_1116, %swap3A_1117, %swap3A_1118] {strides = array<i32>} : memref<2x8x1024xi32, #tpu.memory_space<vmem>>, vector<16xi32>,
        tpu.vector_store %arg6[%swap3A_1116, %swap3A_1117, %swap3A_1118], %add3A_1110 {strides = array<i32>} : memref<2x8x1024xi32, #tpu.memory_space<vmem>>, vector<16xi32>,
        %add3A_1120 = arith.constant 128 : i32
        %add3A_1121 = arith.addi %add3A_1105, %add3A_1120 : i32
        %add3A_1122 = arith.constant 128 : i32
        %add3A_1123 = vector.broadcast %add3A_1122 : i32 to vector<16xi32>
        %add3A_1124 = arith.addi %add3A_1102, %add3A_1123 : vector<16xi32>
        %shift_right_arithmetic3A_1125 = arith.constant 10 : i32
        %shift_right_arithmetic3A_1126 = arith.shrsi %add3A_1121, %shift_right_arithmetic3A_1125 : i32
        %and3A_1127 = arith.constant 1023 : i32
        %and3A_1128 = arith.andi %add3A_1121, %and3A_1127 : i32
        %swap3A_1129 = arith.constant 1 : i32
        %swap3A_1130 = arith.index_cast %swap3A_1129 : i32 to index
        %swap3A_1131 = arith.index_cast %shift_right_arithmetic3A_1126 : i32 to index
        %swap3A_1132 = arith.index_cast %and3A_1128 : i32 to index
        %swap3A_1133 = tpu.vector_load %arg6[%swap3A_1130, %swap3A_1131, %swap3A_1132] {strides = array<i32>} : memref<2x8x1024xi32, #tpu.memory_space<vmem>>, vector<16xi32>,
        tpu.vector_store %arg6[%swap3A_1130, %swap3A_1131, %swap3A_1132], %add3A_1124 {strides = array<i32>} : memref<2x8x1024xi32, #tpu.memory_space<vmem>>, vector<16xi32>,
        %add3A_1134 = arith.constant 256 : i32
        %add3A_1135 = arith.addi %add3A_1105, %add3A_1134 : i32
        %add3A_1136 = arith.constant 256 : i32
        %add3A_1137 = vector.broadcast %add3A_1136 : i32 to vector<16xi32>
        %add3A_1138 = arith.addi %add3A_1102, %add3A_1137 : vector<16xi32>
        %shift_right_arithmetic3A_1139 = arith.constant 10 : i32
        %shift_right_arithmetic3A_1140 = arith.shrsi %add3A_1135, %shift_right_arithmetic3A_1139 : i32
        %and3A_1141 = arith.constant 1023 : i32
        %and3A_1142 = arith.andi %add3A_1135, %and3A_1141 : i32
        %swap3A_1143 = arith.constant 1 : i32
        %swap3A_1144 = arith.index_cast %swap3A_1143 : i32 to index
        %swap3A_1145 = arith.index_cast %shift_right_arithmetic3A_1140 : i32 to index
        %swap3A_1146 = arith.index_cast %and3A_1142 : i32 to index
        %swap3A_1147 = tpu.vector_load %arg6[%swap3A_1144, %swap3A_1145, %swap3A_1146] {strides = array<i32>} : memref<2x8x1024xi32, #tpu.memory_space<vmem>>, vector<16xi32>,
        tpu.vector_store %arg6[%swap3A_1144, %swap3A_1145, %swap3A_1146], %add3A_1138 {strides = array<i32>} : memref<2x8x1024xi32, #tpu.memory_space<vmem>>, vector<16xi32>,
        %add3A_1148 = arith.constant 384 : i32
        %add3A_1149 = arith.addi %add3A_1105, %add3A_1148 : i32
        %add3A_1150 = arith.constant 384 : i32
        %add3A_1151 = vector.broadcast %add3A_1150 : i32 to vector<16xi32>
        %add3A_1152 = arith.addi %add3A_1102, %add3A_1151 : vector<16xi32>
        %shift_right_arithmetic3A_1153 = arith.constant 10 : i32
        %shift_right_arithmetic3A_1154 = arith.shrsi %add3A_1149, %shift_right_arithmetic3A_1153 : i32
        %and3A_1155 = arith.constant 1023 : i32
        %and3A_1156 = arith.andi %add3A_1149, %and3A_1155 : i32
        %swap3A_1157 = arith.constant 1 : i32
        %swap3A_1158 = arith.index_cast %swap3A_1157 : i32 to index
        %swap3A_1159 = arith.index_cast %shift_right_arithmetic3A_1154 : i32 to index
        %swap3A_1160 = arith.index_cast %and3A_1156 : i32 to index
        %swap3A_1161 = tpu.vector_load %arg6[%swap3A_1158, %swap3A_1159, %swap3A_1160] {strides = array<i32>} : memref<2x8x1024xi32, #tpu.memory_space<vmem>>, vector<16xi32>,
        tpu.vector_store %arg6[%swap3A_1158, %swap3A_1159, %swap3A_1160], %add3A_1152 {strides = array<i32>} : memref<2x8x1024xi32, #tpu.memory_space<vmem>>, vector<16xi32>,
      }
      %scan3A_280 = arith.constant 128 : i32
      %gt3A_281 = arith.constant 1 : i32
      %gt3A_282 = arith.cmpi sgt, %add3A_258, %gt3A_281 : i32
      %convert_element_type3A_283 = arith.extui %gt3A_282 : i1 to i32
      %cond3A_284 = arith.constant 0 : i32
      %cond3A_285 = arith.cmpi ne, %convert_element_type3A_283, %cond3A_284 : i32
      scf.if %cond3A_285 {
        %mul3A_379 = arith.constant 4 : i32
        %mul3A_380 = arith.muli %mul3A_2, %mul3A_379 : i32
        %dma_wait3A_381 = arith.constant 1 : i32
        %dma_wait3A_382 = arith.constant 0 : i32
        %dma_wait3A_383 = tpu.memref_slice %arg7[%dma_wait3A_381, %dma_wait3A_382] : memref<2x8192xf32, #tpu.memory_space<vmem>> -> memref<1x8192xf32, #tpu.memory_space<vmem>>
        %dma_wait3A_384 = tpu.memref_squeeze %dma_wait3A_383 : memref<1x8192xf32, #tpu.memory_space<vmem>> -> memref<8192xf32, #tpu.memory_space<vmem>>
        %dma_wait3A_385 = tpu.memref_slice %arg4[%mul3A_380] : memref<4194304xf32, #tpu.memory_space<hbm>> -> memref<8192xf32, #tpu.memory_space<hbm>>
        %dma_wait3A_386 = tpu.memref_slice %arg4[%mul3A_380] : memref<4194304xf32, #tpu.memory_space<hbm>> -> memref<8192xf32, #tpu.memory_space<hbm>>
        %dma_wait3A_387 = arith.constant 0 : i32
        %dma_wait3A_388 = tpu.memref_slice %arg7[%dma_wait3A_381, %dma_wait3A_387] : memref<2x8192xf32, #tpu.memory_space<vmem>> -> memref<1x8192xf32, #tpu.memory_space<vmem>>
        %dma_wait3A_389 = tpu.memref_squeeze %dma_wait3A_388 : memref<1x8192xf32, #tpu.memory_space<vmem>> -> memref<8192xf32, #tpu.memory_space<vmem>>
        tpu.wait_dma2 semaphore(%arg10 : memref<!tpu.dma_semaphore, #tpu.memory_space<semaphore_mem>>) src(%dma_wait3A_389 : memref<8192xf32, #tpu.memory_space<vmem>>) dst(%dma_wait3A_386 : memref<8192xf32, #tpu.memory_space<hbm>>)
      } else {
      }
      %dma_start3A_286 = arith.constant 1 : i32
      %dma_start3A_287 = arith.constant 0 : i32
      %dma_start3A_288 = arith.constant 1 : i32
      %dma_start3A_289 = arith.constant 0 : i32
      %dma_start3A_290 = tpu.memref_slice %arg7[%dma_start3A_288, %dma_start3A_289] : memref<2x8192xf32, #tpu.memory_space<vmem>> -> memref<1x1024xf32, #tpu.memory_space<vmem>>
      %dma_start3A_291 = tpu.memref_squeeze %dma_start3A_290 : memref<1x1024xf32, #tpu.memory_space<vmem>> -> memref<1024xf32, #tpu.memory_space<vmem>>
      %dma_start3A_292 = arith.constant 0 : i32
      %dma_start3A_293 = tpu.memref_slice %arg6[%dma_start3A_286, %dma_start3A_287, %dma_start3A_292] : memref<2x8x1024xi32, #tpu.memory_space<vmem>> -> memref<1x1x1024xi32, #tpu.memory_space<vmem>>
      %dma_start3A_294 = tpu.memref_squeeze %dma_start3A_293 : memref<1x1x1024xi32, #tpu.memory_space<vmem>> -> memref<1024xi32, #tpu.memory_space<vmem>>
      %dma_start3A_295 = arith.constant 0 : i32
      %dma_start3A_296 = tpu.memref_slice %arg3[%dma_start3A_295] : memref<16777216xf32, #tpu.memory_space<hbm>> -> memref<16777216xf32, #tpu.memory_space<hbm>>
      tpu.enqueue_indirect_dma source(%dma_start3A_296 : memref<16777216xf32, #tpu.memory_space<hbm>>) target(%dma_start3A_291 : memref<1024xf32, #tpu.memory_space<vmem>>) offsets(%dma_start3A_294 : memref<1024xi32, #tpu.memory_space<vmem>>) semaphore(%arg9 : memref<!tpu.dma_semaphore, #tpu.memory_space<semaphore_mem>>)
      %dma_start3A_297 = arith.constant 1 : i32
      %dma_start3A_298 = arith.constant 1 : i32
      %dma_start3A_299 = arith.constant 1 : i32
      %dma_start3A_300 = arith.constant 1024 : i32
      %dma_start3A_301 = tpu.memref_slice %arg7[%dma_start3A_299, %dma_start3A_300] : memref<2x8192xf32, #tpu.memory_space<vmem>> -> memref<1x1024xf32, #tpu.memory_space<vmem>>
      %dma_start3A_302 = tpu.memref_squeeze %dma_start3A_301 : memref<1x1024xf32, #tpu.memory_space<vmem>> -> memref<1024xf32, #tpu.memory_space<vmem>>
      %dma_start3A_303 = arith.constant 0 : i32
      %dma_start3A_304 = tpu.memref_slice %arg6[%dma_start3A_297, %dma_start3A_298, %dma_start3A_303] : memref<2x8x1024xi32, #tpu.memory_space<vmem>> -> memref<1x1x1024xi32, #tpu.memory_space<vmem>>
      %dma_start3A_305 = tpu.memref_squeeze %dma_start3A_304 : memref<1x1x1024xi32, #tpu.memory_space<vmem>> -> memref<1024xi32, #tpu.memory_space<vmem>>
      %dma_start3A_306 = arith.constant 0 : i32
      %dma_start3A_307 = tpu.memref_slice %arg3[%dma_start3A_306] : memref<16777216xf32, #tpu.memory_space<hbm>> -> memref<16777216xf32, #tpu.memory_space<hbm>>
      tpu.enqueue_indirect_dma source(%dma_start3A_307 : memref<16777216xf32, #tpu.memory_space<hbm>>) target(%dma_start3A_302 : memref<1024xf32, #tpu.memory_space<vmem>>) offsets(%dma_start3A_305 : memref<1024xi32, #tpu.memory_space<vmem>>) semaphore(%arg9 : memref<!tpu.dma_semaphore, #tpu.memory_space<semaphore_mem>>)
      %dma_start3A_308 = arith.constant 1 : i32
      %dma_start3A_309 = arith.constant 2 : i32
      %dma_start3A_310 = arith.constant 1 : i32
      %dma_start3A_311 = arith.constant 2048 : i32
      %dma_start3A_312 = tpu.memref_slice %arg7[%dma_start3A_310, %dma_start3A_311] : memref<2x8192xf32, #tpu.memory_space<vmem>> -> memref<1x1024xf32, #tpu.memory_space<vmem>>
      %dma_start3A_313 = tpu.memref_squeeze %dma_start3A_312 : memref<1x1024xf32, #tpu.memory_space<vmem>> -> memref<1024xf32, #tpu.memory_space<vmem>>
      %dma_start3A_314 = arith.constant 0 : i32
      %dma_start3A_315 = tpu.memref_slice %arg6[%dma_start3A_308, %dma_start3A_309, %dma_start3A_314] : memref<2x8x1024xi32, #tpu.memory_space<vmem>> -> memref<1x1x1024xi32, #tpu.memory_space<vmem>>
      %dma_start3A_316 = tpu.memref_squeeze %dma_start3A_315 : memref<1x1x1024xi32, #tpu.memory_space<vmem>> -> memref<1024xi32, #tpu.memory_space<vmem>>
      %dma_start3A_317 = arith.constant 0 : i32
      %dma_start3A_318 = tpu.memref_slice %arg3[%dma_start3A_317] : memref<16777216xf32, #tpu.memory_space<hbm>> -> memref<16777216xf32, #tpu.memory_space<hbm>>
      tpu.enqueue_indirect_dma source(%dma_start3A_318 : memref<16777216xf32, #tpu.memory_space<hbm>>) target(%dma_start3A_313 : memref<1024xf32, #tpu.memory_space<vmem>>) offsets(%dma_start3A_316 : memref<1024xi32, #tpu.memory_space<vmem>>) semaphore(%arg9 : memref<!tpu.dma_semaphore, #tpu.memory_space<semaphore_mem>>)
      %dma_start3A_319 = arith.constant 1 : i32
      %dma_start3A_320 = arith.constant 3 : i32
      %dma_start3A_321 = arith.constant 1 : i32
      %dma_start3A_322 = arith.constant 3072 : i32
      %dma_start3A_323 = tpu.memref_slice %arg7[%dma_start3A_321, %dma_start3A_322] : memref<2x8192xf32, #tpu.memory_space<vmem>> -> memref<1x1024xf32, #tpu.memory_space<vmem>>
      %dma_start3A_324 = tpu.memref_squeeze %dma_start3A_323 : memref<1x1024xf32, #tpu.memory_space<vmem>> -> memref<1024xf32, #tpu.memory_space<vmem>>
      %dma_start3A_325 = arith.constant 0 : i32
      %dma_start3A_326 = tpu.memref_slice %arg6[%dma_start3A_319, %dma_start3A_320, %dma_start3A_325] : memref<2x8x1024xi32, #tpu.memory_space<vmem>> -> memref<1x1x1024xi32, #tpu.memory_space<vmem>>
      %dma_start3A_327 = tpu.memref_squeeze %dma_start3A_326 : memref<1x1x1024xi32, #tpu.memory_space<vmem>> -> memref<1024xi32, #tpu.memory_space<vmem>>
      %dma_start3A_328 = arith.constant 0 : i32
      %dma_start3A_329 = tpu.memref_slice %arg3[%dma_start3A_328] : memref<16777216xf32, #tpu.memory_space<hbm>> -> memref<16777216xf32, #tpu.memory_space<hbm>>
      tpu.enqueue_indirect_dma source(%dma_start3A_329 : memref<16777216xf32, #tpu.memory_space<hbm>>) target(%dma_start3A_324 : memref<1024xf32, #tpu.memory_space<vmem>>) offsets(%dma_start3A_327 : memref<1024xi32, #tpu.memory_space<vmem>>) semaphore(%arg9 : memref<!tpu.dma_semaphore, #tpu.memory_space<semaphore_mem>>)
      %dma_start3A_330 = arith.constant 1 : i32
      %dma_start3A_331 = arith.constant 4 : i32
      %dma_start3A_332 = arith.constant 1 : i32
      %dma_start3A_333 = arith.constant 4096 : i32
      %dma_start3A_334 = tpu.memref_slice %arg7[%dma_start3A_332, %dma_start3A_333] : memref<2x8192xf32, #tpu.memory_space<vmem>> -> memref<1x1024xf32, #tpu.memory_space<vmem>>
      %dma_start3A_335 = tpu.memref_squeeze %dma_start3A_334 : memref<1x1024xf32, #tpu.memory_space<vmem>> -> memref<1024xf32, #tpu.memory_space<vmem>>
      %dma_start3A_336 = arith.constant 0 : i32
      %dma_start3A_337 = tpu.memref_slice %arg6[%dma_start3A_330, %dma_start3A_331, %dma_start3A_336] : memref<2x8x1024xi32, #tpu.memory_space<vmem>> -> memref<1x1x1024xi32, #tpu.memory_space<vmem>>
      %dma_start3A_338 = tpu.memref_squeeze %dma_start3A_337 : memref<1x1x1024xi32, #tpu.memory_space<vmem>> -> memref<1024xi32, #tpu.memory_space<vmem>>
      %dma_start3A_339 = arith.constant 0 : i32
      %dma_start3A_340 = tpu.memref_slice %arg3[%dma_start3A_339] : memref<16777216xf32, #tpu.memory_space<hbm>> -> memref<16777216xf32, #tpu.memory_space<hbm>>
      tpu.enqueue_indirect_dma source(%dma_start3A_340 : memref<16777216xf32, #tpu.memory_space<hbm>>) target(%dma_start3A_335 : memref<1024xf32, #tpu.memory_space<vmem>>) offsets(%dma_start3A_338 : memref<1024xi32, #tpu.memory_space<vmem>>) semaphore(%arg9 : memref<!tpu.dma_semaphore, #tpu.memory_space<semaphore_mem>>)
      %dma_start3A_341 = arith.constant 1 : i32
      %dma_start3A_342 = arith.constant 5 : i32
      %dma_start3A_343 = arith.constant 1 : i32
      %dma_start3A_344 = arith.constant 5120 : i32
      %dma_start3A_345 = tpu.memref_slice %arg7[%dma_start3A_343, %dma_start3A_344] : memref<2x8192xf32, #tpu.memory_space<vmem>> -> memref<1x1024xf32, #tpu.memory_space<vmem>>
      %dma_start3A_346 = tpu.memref_squeeze %dma_start3A_345 : memref<1x1024xf32, #tpu.memory_space<vmem>> -> memref<1024xf32, #tpu.memory_space<vmem>>
      %dma_start3A_347 = arith.constant 0 : i32
      %dma_start3A_348 = tpu.memref_slice %arg6[%dma_start3A_341, %dma_start3A_342, %dma_start3A_347] : memref<2x8x1024xi32, #tpu.memory_space<vmem>> -> memref<1x1x1024xi32, #tpu.memory_space<vmem>>
      %dma_start3A_349 = tpu.memref_squeeze %dma_start3A_348 : memref<1x1x1024xi32, #tpu.memory_space<vmem>> -> memref<1024xi32, #tpu.memory_space<vmem>>
      %dma_start3A_350 = arith.constant 0 : i32
      %dma_start3A_351 = tpu.memref_slice %arg3[%dma_start3A_350] : memref<16777216xf32, #tpu.memory_space<hbm>> -> memref<16777216xf32, #tpu.memory_space<hbm>>
      tpu.enqueue_indirect_dma source(%dma_start3A_351 : memref<16777216xf32, #tpu.memory_space<hbm>>) target(%dma_start3A_346 : memref<1024xf32, #tpu.memory_space<vmem>>) offsets(%dma_start3A_349 : memref<1024xi32, #tpu.memory_space<vmem>>) semaphore(%arg9 : memref<!tpu.dma_semaphore, #tpu.memory_space<semaphore_mem>>)
      %dma_start3A_352 = arith.constant 1 : i32
      %dma_start3A_353 = arith.constant 6 : i32
      %dma_start3A_354 = arith.constant 1 : i32
      %dma_start3A_355 = arith.constant 6144 : i32
      %dma_start3A_356 = tpu.memref_slice %arg7[%dma_start3A_354, %dma_start3A_355] : memref<2x8192xf32, #tpu.memory_space<vmem>> -> memref<1x1024xf32, #tpu.memory_space<vmem>>
      %dma_start3A_357 = tpu.memref_squeeze %dma_start3A_356 : memref<1x1024xf32, #tpu.memory_space<vmem>> -> memref<1024xf32, #tpu.memory_space<vmem>>
      %dma_start3A_358 = arith.constant 0 : i32
      %dma_start3A_359 = tpu.memref_slice %arg6[%dma_start3A_352, %dma_start3A_353, %dma_start3A_358] : memref<2x8x1024xi32, #tpu.memory_space<vmem>> -> memref<1x1x1024xi32, #tpu.memory_space<vmem>>
      %dma_start3A_360 = tpu.memref_squeeze %dma_start3A_359 : memref<1x1x1024xi32, #tpu.memory_space<vmem>> -> memref<1024xi32, #tpu.memory_space<vmem>>
      %dma_start3A_361 = arith.constant 0 : i32
      %dma_start3A_362 = tpu.memref_slice %arg3[%dma_start3A_361] : memref<16777216xf32, #tpu.memory_space<hbm>> -> memref<16777216xf32, #tpu.memory_space<hbm>>
      tpu.enqueue_indirect_dma source(%dma_start3A_362 : memref<16777216xf32, #tpu.memory_space<hbm>>) target(%dma_start3A_357 : memref<1024xf32, #tpu.memory_space<vmem>>) offsets(%dma_start3A_360 : memref<1024xi32, #tpu.memory_space<vmem>>) semaphore(%arg9 : memref<!tpu.dma_semaphore, #tpu.memory_space<semaphore_mem>>)
      %dma_start3A_363 = arith.constant 1 : i32
      %dma_start3A_364 = arith.constant 7 : i32
      %dma_start3A_365 = arith.constant 1 : i32
      %dma_start3A_366 = arith.constant 7168 : i32
      %dma_start3A_367 = tpu.memref_slice %arg7[%dma_start3A_365, %dma_start3A_366] : memref<2x8192xf32, #tpu.memory_space<vmem>> -> memref<1x1024xf32, #tpu.memory_space<vmem>>
      %dma_start3A_368 = tpu.memref_squeeze %dma_start3A_367 : memref<1x1024xf32, #tpu.memory_space<vmem>> -> memref<1024xf32, #tpu.memory_space<vmem>>
      %dma_start3A_369 = arith.constant 0 : i32
      %dma_start3A_370 = tpu.memref_slice %arg6[%dma_start3A_363, %dma_start3A_364, %dma_start3A_369] : memref<2x8x1024xi32, #tpu.memory_space<vmem>> -> memref<1x1x1024xi32, #tpu.memory_space<vmem>>
      %dma_start3A_371 = tpu.memref_squeeze %dma_start3A_370 : memref<1x1x1024xi32, #tpu.memory_space<vmem>> -> memref<1024xi32, #tpu.memory_space<vmem>>
      %dma_start3A_372 = arith.constant 0 : i32
      %dma_start3A_373 = tpu.memref_slice %arg3[%dma_start3A_372] : memref<16777216xf32, #tpu.memory_space<hbm>> -> memref<16777216xf32, #tpu.memory_space<hbm>>
      tpu.enqueue_indirect_dma source(%dma_start3A_373 : memref<16777216xf32, #tpu.memory_space<hbm>>) target(%dma_start3A_368 : memref<1024xf32, #tpu.memory_space<vmem>>) offsets(%dma_start3A_371 : memref<1024xi32, #tpu.memory_space<vmem>>) semaphore(%arg9 : memref<!tpu.dma_semaphore, #tpu.memory_space<semaphore_mem>>)
      %gt3A_374 = arith.constant 0 : i32
      %gt3A_375 = arith.cmpi sgt, %add3A_258, %gt3A_374 : i32
      %convert_element_type3A_376 = arith.extui %gt3A_375 : i1 to i32
      %cond3A_377 = arith.constant 0 : i32
      %cond3A_378 = arith.cmpi ne, %convert_element_type3A_376, %cond3A_377 : i32
      scf.if %cond3A_378 {
        %dma_wait3A_379 = arith.constant 0 : i32
        %dma_wait3A_380 = arith.constant 0 : i32
        %dma_wait3A_381 = arith.constant 0 : i32
        %dma_wait3A_382 = tpu.memref_slice %arg7[%dma_wait3A_380, %dma_wait3A_381] : memref<2x8192xf32, #tpu.memory_space<vmem>> -> memref<1x1024xf32, #tpu.memory_space<vmem>>
        %dma_wait3A_383 = tpu.memref_squeeze %dma_wait3A_382 : memref<1x1024xf32, #tpu.memory_space<vmem>> -> memref<1024xf32, #tpu.memory_space<vmem>>
        %dma_wait3A_384 = tpu.memref_slice %arg3[%dma_wait3A_379] : memref<16777216xf32, #tpu.memory_space<hbm>> -> memref<1024xf32, #tpu.memory_space<hbm>>
        %dma_wait3A_385 = arith.constant 0 : i32
        %dma_wait3A_386 = tpu.memref_slice %arg7[%dma_wait3A_380, %dma_wait3A_385] : memref<2x8192xf32, #tpu.memory_space<vmem>> -> memref<1x1024xf32, #tpu.memory_space<vmem>>
        %dma_wait3A_387 = tpu.memref_squeeze %dma_wait3A_386 : memref<1x1024xf32, #tpu.memory_space<vmem>> -> memref<1024xf32, #tpu.memory_space<vmem>>
        %dma_wait3A_388 = tpu.memref_slice %arg3[%dma_wait3A_379] : memref<16777216xf32, #tpu.memory_space<hbm>> -> memref<1024xf32, #tpu.memory_space<hbm>>
        tpu.wait_dma2 semaphore(%arg8 : memref<!tpu.dma_semaphore, #tpu.memory_space<semaphore_mem>>) src(%dma_wait3A_388 : memref<1024xf32, #tpu.memory_space<hbm>>) dst(%dma_wait3A_387 : memref<1024xf32, #tpu.memory_space<vmem>>)
        %dma_wait3A_389 = arith.constant 0 : i32
        %dma_wait3A_390 = arith.constant 0 : i32
        %dma_wait3A_391 = arith.constant 1024 : i32
        %dma_wait3A_392 = tpu.memref_slice %arg7[%dma_wait3A_390, %dma_wait3A_391] : memref<2x8192xf32, #tpu.memory_space<vmem>> -> memref<1x1024xf32, #tpu.memory_space<vmem>>
        %dma_wait3A_393 = tpu.memref_squeeze %dma_wait3A_392 : memref<1x1024xf32, #tpu.memory_space<vmem>> -> memref<1024xf32, #tpu.memory_space<vmem>>
        %dma_wait3A_394 = tpu.memref_slice %arg3[%dma_wait3A_389] : memref<16777216xf32, #tpu.memory_space<hbm>> -> memref<1024xf32, #tpu.memory_space<hbm>>
        %dma_wait3A_395 = arith.constant 1024 : i32
        %dma_wait3A_396 = tpu.memref_slice %arg7[%dma_wait3A_390, %dma_wait3A_395] : memref<2x8192xf32, #tpu.memory_space<vmem>> -> memref<1x1024xf32, #tpu.memory_space<vmem>>
        %dma_wait3A_397 = tpu.memref_squeeze %dma_wait3A_396 : memref<1x1024xf32, #tpu.memory_space<vmem>> -> memref<1024xf32, #tpu.memory_space<vmem>>
        %dma_wait3A_398 = tpu.memref_slice %arg3[%dma_wait3A_389] : memref<16777216xf32, #tpu.memory_space<hbm>> -> memref<1024xf32, #tpu.memory_space<hbm>>
        tpu.wait_dma2 semaphore(%arg8 : memref<!tpu.dma_semaphore, #tpu.memory_space<semaphore_mem>>) src(%dma_wait3A_398 : memref<1024xf32, #tpu.memory_space<hbm>>) dst(%dma_wait3A_397 : memref<1024xf32, #tpu.memory_space<vmem>>)
        %dma_wait3A_399 = arith.constant 0 : i32
        %dma_wait3A_400 = arith.constant 0 : i32
        %dma_wait3A_401 = arith.constant 2048 : i32
        %dma_wait3A_402 = tpu.memref_slice %arg7[%dma_wait3A_400, %dma_wait3A_401] : memref<2x8192xf32, #tpu.memory_space<vmem>> -> memref<1x1024xf32, #tpu.memory_space<vmem>>
        %dma_wait3A_403 = tpu.memref_squeeze %dma_wait3A_402 : memref<1x1024xf32, #tpu.memory_space<vmem>> -> memref<1024xf32, #tpu.memory_space<vmem>>
        %dma_wait3A_404 = tpu.memref_slice %arg3[%dma_wait3A_399] : memref<16777216xf32, #tpu.memory_space<hbm>> -> memref<1024xf32, #tpu.memory_space<hbm>>
        %dma_wait3A_405 = arith.constant 2048 : i32
        %dma_wait3A_406 = tpu.memref_slice %arg7[%dma_wait3A_400, %dma_wait3A_405] : memref<2x8192xf32, #tpu.memory_space<vmem>> -> memref<1x1024xf32, #tpu.memory_space<vmem>>
        %dma_wait3A_407 = tpu.memref_squeeze %dma_wait3A_406 : memref<1x1024xf32, #tpu.memory_space<vmem>> -> memref<1024xf32, #tpu.memory_space<vmem>>
        %dma_wait3A_408 = tpu.memref_slice %arg3[%dma_wait3A_399] : memref<16777216xf32, #tpu.memory_space<hbm>> -> memref<1024xf32, #tpu.memory_space<hbm>>
        tpu.wait_dma2 semaphore(%arg8 : memref<!tpu.dma_semaphore, #tpu.memory_space<semaphore_mem>>) src(%dma_wait3A_408 : memref<1024xf32, #tpu.memory_space<hbm>>) dst(%dma_wait3A_407 : memref<1024xf32, #tpu.memory_space<vmem>>)
        %dma_wait3A_409 = arith.constant 0 : i32
        %dma_wait3A_410 = arith.constant 0 : i32
        %dma_wait3A_411 = arith.constant 3072 : i32
        %dma_wait3A_412 = tpu.memref_slice %arg7[%dma_wait3A_410, %dma_wait3A_411] : memref<2x8192xf32, #tpu.memory_space<vmem>> -> memref<1x1024xf32, #tpu.memory_space<vmem>>
        %dma_wait3A_413 = tpu.memref_squeeze %dma_wait3A_412 : memref<1x1024xf32, #tpu.memory_space<vmem>> -> memref<1024xf32, #tpu.memory_space<vmem>>
        %dma_wait3A_414 = tpu.memref_slice %arg3[%dma_wait3A_409] : memref<16777216xf32, #tpu.memory_space<hbm>> -> memref<1024xf32, #tpu.memory_space<hbm>>
        %dma_wait3A_415 = arith.constant 3072 : i32
        %dma_wait3A_416 = tpu.memref_slice %arg7[%dma_wait3A_410, %dma_wait3A_415] : memref<2x8192xf32, #tpu.memory_space<vmem>> -> memref<1x1024xf32, #tpu.memory_space<vmem>>
        %dma_wait3A_417 = tpu.memref_squeeze %dma_wait3A_416 : memref<1x1024xf32, #tpu.memory_space<vmem>> -> memref<1024xf32, #tpu.memory_space<vmem>>
        %dma_wait3A_418 = tpu.memref_slice %arg3[%dma_wait3A_409] : memref<16777216xf32, #tpu.memory_space<hbm>> -> memref<1024xf32, #tpu.memory_space<hbm>>
        tpu.wait_dma2 semaphore(%arg8 : memref<!tpu.dma_semaphore, #tpu.memory_space<semaphore_mem>>) src(%dma_wait3A_418 : memref<1024xf32, #tpu.memory_space<hbm>>) dst(%dma_wait3A_417 : memref<1024xf32, #tpu.memory_space<vmem>>)
        %dma_wait3A_419 = arith.constant 0 : i32
        %dma_wait3A_420 = arith.constant 0 : i32
        %dma_wait3A_421 = arith.constant 4096 : i32
        %dma_wait3A_422 = tpu.memref_slice %arg7[%dma_wait3A_420, %dma_wait3A_421] : memref<2x8192xf32, #tpu.memory_space<vmem>> -> memref<1x1024xf32, #tpu.memory_space<vmem>>
        %dma_wait3A_423 = tpu.memref_squeeze %dma_wait3A_422 : memref<1x1024xf32, #tpu.memory_space<vmem>> -> memref<1024xf32, #tpu.memory_space<vmem>>
        %dma_wait3A_424 = tpu.memref_slice %arg3[%dma_wait3A_419] : memref<16777216xf32, #tpu.memory_space<hbm>> -> memref<1024xf32, #tpu.memory_space<hbm>>
        %dma_wait3A_425 = arith.constant 4096 : i32
        %dma_wait3A_426 = tpu.memref_slice %arg7[%dma_wait3A_420, %dma_wait3A_425] : memref<2x8192xf32, #tpu.memory_space<vmem>> -> memref<1x1024xf32, #tpu.memory_space<vmem>>
        %dma_wait3A_427 = tpu.memref_squeeze %dma_wait3A_426 : memref<1x1024xf32, #tpu.memory_space<vmem>> -> memref<1024xf32, #tpu.memory_space<vmem>>
        %dma_wait3A_428 = tpu.memref_slice %arg3[%dma_wait3A_419] : memref<16777216xf32, #tpu.memory_space<hbm>> -> memref<1024xf32, #tpu.memory_space<hbm>>
        tpu.wait_dma2 semaphore(%arg8 : memref<!tpu.dma_semaphore, #tpu.memory_space<semaphore_mem>>) src(%dma_wait3A_428 : memref<1024xf32, #tpu.memory_space<hbm>>) dst(%dma_wait3A_427 : memref<1024xf32, #tpu.memory_space<vmem>>)
        %dma_wait3A_429 = arith.constant 0 : i32
        %dma_wait3A_430 = arith.constant 0 : i32
        %dma_wait3A_431 = arith.constant 5120 : i32
        %dma_wait3A_432 = tpu.memref_slice %arg7[%dma_wait3A_430, %dma_wait3A_431] : memref<2x8192xf32, #tpu.memory_space<vmem>> -> memref<1x1024xf32, #tpu.memory_space<vmem>>
        %dma_wait3A_433 = tpu.memref_squeeze %dma_wait3A_432 : memref<1x1024xf32, #tpu.memory_space<vmem>> -> memref<1024xf32, #tpu.memory_space<vmem>>
        %dma_wait3A_434 = tpu.memref_slice %arg3[%dma_wait3A_429] : memref<16777216xf32, #tpu.memory_space<hbm>> -> memref<1024xf32, #tpu.memory_space<hbm>>
        %dma_wait3A_435 = arith.constant 5120 : i32
        %dma_wait3A_436 = tpu.memref_slice %arg7[%dma_wait3A_430, %dma_wait3A_435] : memref<2x8192xf32, #tpu.memory_space<vmem>> -> memref<1x1024xf32, #tpu.memory_space<vmem>>
        %dma_wait3A_437 = tpu.memref_squeeze %dma_wait3A_436 : memref<1x1024xf32, #tpu.memory_space<vmem>> -> memref<1024xf32, #tpu.memory_space<vmem>>
        %dma_wait3A_438 = tpu.memref_slice %arg3[%dma_wait3A_429] : memref<16777216xf32, #tpu.memory_space<hbm>> -> memref<1024xf32, #tpu.memory_space<hbm>>
        tpu.wait_dma2 semaphore(%arg8 : memref<!tpu.dma_semaphore, #tpu.memory_space<semaphore_mem>>) src(%dma_wait3A_438 : memref<1024xf32, #tpu.memory_space<hbm>>) dst(%dma_wait3A_437 : memref<1024xf32, #tpu.memory_space<vmem>>)
        %dma_wait3A_439 = arith.constant 0 : i32
        %dma_wait3A_440 = arith.constant 0 : i32
        %dma_wait3A_441 = arith.constant 6144 : i32
        %dma_wait3A_442 = tpu.memref_slice %arg7[%dma_wait3A_440, %dma_wait3A_441] : memref<2x8192xf32, #tpu.memory_space<vmem>> -> memref<1x1024xf32, #tpu.memory_space<vmem>>
        %dma_wait3A_443 = tpu.memref_squeeze %dma_wait3A_442 : memref<1x1024xf32, #tpu.memory_space<vmem>> -> memref<1024xf32, #tpu.memory_space<vmem>>
        %dma_wait3A_444 = tpu.memref_slice %arg3[%dma_wait3A_439] : memref<16777216xf32, #tpu.memory_space<hbm>> -> memref<1024xf32, #tpu.memory_space<hbm>>
        %dma_wait3A_445 = arith.constant 6144 : i32
        %dma_wait3A_446 = tpu.memref_slice %arg7[%dma_wait3A_440, %dma_wait3A_445] : memref<2x8192xf32, #tpu.memory_space<vmem>> -> memref<1x1024xf32, #tpu.memory_space<vmem>>
        %dma_wait3A_447 = tpu.memref_squeeze %dma_wait3A_446 : memref<1x1024xf32, #tpu.memory_space<vmem>> -> memref<1024xf32, #tpu.memory_space<vmem>>
        %dma_wait3A_448 = tpu.memref_slice %arg3[%dma_wait3A_439] : memref<16777216xf32, #tpu.memory_space<hbm>> -> memref<1024xf32, #tpu.memory_space<hbm>>
        tpu.wait_dma2 semaphore(%arg8 : memref<!tpu.dma_semaphore, #tpu.memory_space<semaphore_mem>>) src(%dma_wait3A_448 : memref<1024xf32, #tpu.memory_space<hbm>>) dst(%dma_wait3A_447 : memref<1024xf32, #tpu.memory_space<vmem>>)
        %dma_wait3A_449 = arith.constant 0 : i32
        %dma_wait3A_450 = arith.constant 0 : i32
        %dma_wait3A_451 = arith.constant 7168 : i32
        %dma_wait3A_452 = tpu.memref_slice %arg7[%dma_wait3A_450, %dma_wait3A_451] : memref<2x8192xf32, #tpu.memory_space<vmem>> -> memref<1x1024xf32, #tpu.memory_space<vmem>>
        %dma_wait3A_453 = tpu.memref_squeeze %dma_wait3A_452 : memref<1x1024xf32, #tpu.memory_space<vmem>> -> memref<1024xf32, #tpu.memory_space<vmem>>
        %dma_wait3A_454 = tpu.memref_slice %arg3[%dma_wait3A_449] : memref<16777216xf32, #tpu.memory_space<hbm>> -> memref<1024xf32, #tpu.memory_space<hbm>>
        %dma_wait3A_455 = arith.constant 7168 : i32
        %dma_wait3A_456 = tpu.memref_slice %arg7[%dma_wait3A_450, %dma_wait3A_455] : memref<2x8192xf32, #tpu.memory_space<vmem>> -> memref<1x1024xf32, #tpu.memory_space<vmem>>
        %dma_wait3A_457 = tpu.memref_squeeze %dma_wait3A_456 : memref<1x1024xf32, #tpu.memory_space<vmem>> -> memref<1024xf32, #tpu.memory_space<vmem>>
        %dma_wait3A_458 = tpu.memref_slice %arg3[%dma_wait3A_449] : memref<16777216xf32, #tpu.memory_space<hbm>> -> memref<1024xf32, #tpu.memory_space<hbm>>
        tpu.wait_dma2 semaphore(%arg8 : memref<!tpu.dma_semaphore, #tpu.memory_space<semaphore_mem>>) src(%dma_wait3A_458 : memref<1024xf32, #tpu.memory_space<hbm>>) dst(%dma_wait3A_457 : memref<1024xf32, #tpu.memory_space<vmem>>)
        %sub3A = arith.constant 1 : i32
        %sub3A_459 = arith.subi %add3A_258, %sub3A : i32
        %mul3A_460 = arith.constant 2048 : i32
        %mul3A_461 = arith.muli %sub3A_459, %mul3A_460 : i32
        %add3A_462 = arith.addi %mul3A_2, %mul3A_461 : i32
        %mul3A_463 = arith.constant 4 : i32
        %mul3A_464 = arith.muli %add3A_462, %mul3A_463 : i32
        %dma_start3A_465 = arith.constant 0 : i32
        %dma_start3A_466 = arith.constant 0 : i32
        %dma_start3A_467 = tpu.memref_slice %arg7[%dma_start3A_465, %dma_start3A_466] : memref<2x8192xf32, #tpu.memory_space<vmem>> -> memref<1x8192xf32, #tpu.memory_space<vmem>>
        %dma_start3A_468 = tpu.memref_squeeze %dma_start3A_467 : memref<1x8192xf32, #tpu.memory_space<vmem>> -> memref<8192xf32, #tpu.memory_space<vmem>>
        %dma_start3A_469 = tpu.memref_slice %arg4[%mul3A_464] : memref<4194304xf32, #tpu.memory_space<hbm>> -> memref<8192xf32, #tpu.memory_space<hbm>>
        %dma_start3A_470 = tpu.memref_slice %arg4[%mul3A_464] : memref<4194304xf32, #tpu.memory_space<hbm>> -> memref<8192xf32, #tpu.memory_space<hbm>>
        %dma_start3A_471 = arith.constant 0 : i32
        %dma_start3A_472 = tpu.memref_slice %arg7[%dma_start3A_465, %dma_start3A_471] : memref<2x8192xf32, #tpu.memory_space<vmem>> -> memref<1x8192xf32, #tpu.memory_space<vmem>>
        %dma_start3A_473 = tpu.memref_squeeze %dma_start3A_472 : memref<1x8192xf32, #tpu.memory_space<vmem>> -> memref<8192xf32, #tpu.memory_space<vmem>>
        tpu.enqueue_dma source(%dma_start3A_473 : memref<8192xf32, #tpu.memory_space<vmem>>) target(%dma_start3A_470 : memref<8192xf32, #tpu.memory_space<hbm>>) target_semaphore(%arg10 : memref<!tpu.dma_semaphore, #tpu.memory_space<semaphore_mem>>)
      } else {
      }
    }
    %scan3A_21 = arith.constant 8 : i32
    %dma_wait3A = arith.constant 0 : i32
    %dma_wait3A_22 = arith.constant 1 : i32
    %dma_wait3A_23 = arith.constant 0 : i32
    %dma_wait3A_24 = tpu.memref_slice %arg7[%dma_wait3A_22, %dma_wait3A_23] : memref<2x8192xf32, #tpu.memory_space<vmem>> -> memref<1x1024xf32, #tpu.memory_space<vmem>>
    %dma_wait3A_25 = tpu.memref_squeeze %dma_wait3A_24 : memref<1x1024xf32, #tpu.memory_space<vmem>> -> memref<1024xf32, #tpu.memory_space<vmem>>
    %dma_wait3A_26 = tpu.memref_slice %arg3[%dma_wait3A] : memref<16777216xf32, #tpu.memory_space<hbm>> -> memref<1024xf32, #tpu.memory_space<hbm>>
    %dma_wait3A_27 = arith.constant 0 : i32
    %dma_wait3A_28 = tpu.memref_slice %arg7[%dma_wait3A_22, %dma_wait3A_27] : memref<2x8192xf32, #tpu.memory_space<vmem>> -> memref<1x1024xf32, #tpu.memory_space<vmem>>
    %dma_wait3A_29 = tpu.memref_squeeze %dma_wait3A_28 : memref<1x1024xf32, #tpu.memory_space<vmem>> -> memref<1024xf32, #tpu.memory_space<vmem>>
    %dma_wait3A_30 = tpu.memref_slice %arg3[%dma_wait3A] : memref<16777216xf32, #tpu.memory_space<hbm>> -> memref<1024xf32, #tpu.memory_space<hbm>>
    tpu.wait_dma2 semaphore(%arg9 : memref<!tpu.dma_semaphore, #tpu.memory_space<semaphore_mem>>) src(%dma_wait3A_30 : memref<1024xf32, #tpu.memory_space<hbm>>) dst(%dma_wait3A_29 : memref<1024xf32, #tpu.memory_space<vmem>>)
    %dma_wait3A_31 = arith.constant 0 : i32
    %dma_wait3A_32 = arith.constant 1 : i32
    %dma_wait3A_33 = arith.constant 1024 : i32
    %dma_wait3A_34 = tpu.memref_slice %arg7[%dma_wait3A_32, %dma_wait3A_33] : memref<2x8192xf32, #tpu.memory_space<vmem>> -> memref<1x1024xf32, #tpu.memory_space<vmem>>
    %dma_wait3A_35 = tpu.memref_squeeze %dma_wait3A_34 : memref<1x1024xf32, #tpu.memory_space<vmem>> -> memref<1024xf32, #tpu.memory_space<vmem>>
    %dma_wait3A_36 = tpu.memref_slice %arg3[%dma_wait3A_31] : memref<16777216xf32, #tpu.memory_space<hbm>> -> memref<1024xf32, #tpu.memory_space<hbm>>
    %dma_wait3A_37 = arith.constant 1024 : i32
    %dma_wait3A_38 = tpu.memref_slice %arg7[%dma_wait3A_32, %dma_wait3A_37] : memref<2x8192xf32, #tpu.memory_space<vmem>> -> memref<1x1024xf32, #tpu.memory_space<vmem>>
    %dma_wait3A_39 = tpu.memref_squeeze %dma_wait3A_38 : memref<1x1024xf32, #tpu.memory_space<vmem>> -> memref<1024xf32, #tpu.memory_space<vmem>>
    %dma_wait3A_40 = tpu.memref_slice %arg3[%dma_wait3A_31] : memref<16777216xf32, #tpu.memory_space<hbm>> -> memref<1024xf32, #tpu.memory_space<hbm>>
    tpu.wait_dma2 semaphore(%arg9 : memref<!tpu.dma_semaphore, #tpu.memory_space<semaphore_mem>>) src(%dma_wait3A_40 : memref<1024xf32, #tpu.memory_space<hbm>>) dst(%dma_wait3A_39 : memref<1024xf32, #tpu.memory_space<vmem>>)
    %dma_wait3A_41 = arith.constant 0 : i32
    %dma_wait3A_42 = arith.constant 1 : i32
    %dma_wait3A_43 = arith.constant 2048 : i32
    %dma_wait3A_44 = tpu.memref_slice %arg7[%dma_wait3A_42, %dma_wait3A_43] : memref<2x8192xf32, #tpu.memory_space<vmem>> -> memref<1x1024xf32, #tpu.memory_space<vmem>>
    %dma_wait3A_45 = tpu.memref_squeeze %dma_wait3A_44 : memref<1x1024xf32, #tpu.memory_space<vmem>> -> memref<1024xf32, #tpu.memory_space<vmem>>
    %dma_wait3A_46 = tpu.memref_slice %arg3[%dma_wait3A_41] : memref<16777216xf32, #tpu.memory_space<hbm>> -> memref<1024xf32, #tpu.memory_space<hbm>>
    %dma_wait3A_47 = arith.constant 2048 : i32
    %dma_wait3A_48 = tpu.memref_slice %arg7[%dma_wait3A_42, %dma_wait3A_47] : memref<2x8192xf32, #tpu.memory_space<vmem>> -> memref<1x1024xf32, #tpu.memory_space<vmem>>
    %dma_wait3A_49 = tpu.memref_squeeze %dma_wait3A_48 : memref<1x1024xf32, #tpu.memory_space<vmem>> -> memref<1024xf32, #tpu.memory_space<vmem>>
    %dma_wait3A_50 = tpu.memref_slice %arg3[%dma_wait3A_41] : memref<16777216xf32, #tpu.memory_space<hbm>> -> memref<1024xf32, #tpu.memory_space<hbm>>
    tpu.wait_dma2 semaphore(%arg9 : memref<!tpu.dma_semaphore, #tpu.memory_space<semaphore_mem>>) src(%dma_wait3A_50 : memref<1024xf32, #tpu.memory_space<hbm>>) dst(%dma_wait3A_49 : memref<1024xf32, #tpu.memory_space<vmem>>)
    %dma_wait3A_51 = arith.constant 0 : i32
    %dma_wait3A_52 = arith.constant 1 : i32
    %dma_wait3A_53 = arith.constant 3072 : i32
    %dma_wait3A_54 = tpu.memref_slice %arg7[%dma_wait3A_52, %dma_wait3A_53] : memref<2x8192xf32, #tpu.memory_space<vmem>> -> memref<1x1024xf32, #tpu.memory_space<vmem>>
    %dma_wait3A_55 = tpu.memref_squeeze %dma_wait3A_54 : memref<1x1024xf32, #tpu.memory_space<vmem>> -> memref<1024xf32, #tpu.memory_space<vmem>>
    %dma_wait3A_56 = tpu.memref_slice %arg3[%dma_wait3A_51] : memref<16777216xf32, #tpu.memory_space<hbm>> -> memref<1024xf32, #tpu.memory_space<hbm>>
    %dma_wait3A_57 = arith.constant 3072 : i32
    %dma_wait3A_58 = tpu.memref_slice %arg7[%dma_wait3A_52, %dma_wait3A_57] : memref<2x8192xf32, #tpu.memory_space<vmem>> -> memref<1x1024xf32, #tpu.memory_space<vmem>>
    %dma_wait3A_59 = tpu.memref_squeeze %dma_wait3A_58 : memref<1x1024xf32, #tpu.memory_space<vmem>> -> memref<1024xf32, #tpu.memory_space<vmem>>
    %dma_wait3A_60 = tpu.memref_slice %arg3[%dma_wait3A_51] : memref<16777216xf32, #tpu.memory_space<hbm>> -> memref<1024xf32, #tpu.memory_space<hbm>>
    tpu.wait_dma2 semaphore(%arg9 : memref<!tpu.dma_semaphore, #tpu.memory_space<semaphore_mem>>) src(%dma_wait3A_60 : memref<1024xf32, #tpu.memory_space<hbm>>) dst(%dma_wait3A_59 : memref<1024xf32, #tpu.memory_space<vmem>>)
    %dma_wait3A_61 = arith.constant 0 : i32
    %dma_wait3A_62 = arith.constant 1 : i32
    %dma_wait3A_63 = arith.constant 4096 : i32
    %dma_wait3A_64 = tpu.memref_slice %arg7[%dma_wait3A_62, %dma_wait3A_63] : memref<2x8192xf32, #tpu.memory_space<vmem>> -> memref<1x1024xf32, #tpu.memory_space<vmem>>
    %dma_wait3A_65 = tpu.memref_squeeze %dma_wait3A_64 : memref<1x1024xf32, #tpu.memory_space<vmem>> -> memref<1024xf32, #tpu.memory_space<vmem>>
    %dma_wait3A_66 = tpu.memref_slice %arg3[%dma_wait3A_61] : memref<16777216xf32, #tpu.memory_space<hbm>> -> memref<1024xf32, #tpu.memory_space<hbm>>
    %dma_wait3A_67 = arith.constant 4096 : i32
    %dma_wait3A_68 = tpu.memref_slice %arg7[%dma_wait3A_62, %dma_wait3A_67] : memref<2x8192xf32, #tpu.memory_space<vmem>> -> memref<1x1024xf32, #tpu.memory_space<vmem>>
    %dma_wait3A_69 = tpu.memref_squeeze %dma_wait3A_68 : memref<1x1024xf32, #tpu.memory_space<vmem>> -> memref<1024xf32, #tpu.memory_space<vmem>>
    %dma_wait3A_70 = tpu.memref_slice %arg3[%dma_wait3A_61] : memref<16777216xf32, #tpu.memory_space<hbm>> -> memref<1024xf32, #tpu.memory_space<hbm>>
    tpu.wait_dma2 semaphore(%arg9 : memref<!tpu.dma_semaphore, #tpu.memory_space<semaphore_mem>>) src(%dma_wait3A_70 : memref<1024xf32, #tpu.memory_space<hbm>>) dst(%dma_wait3A_69 : memref<1024xf32, #tpu.memory_space<vmem>>)
    %dma_wait3A_71 = arith.constant 0 : i32
    %dma_wait3A_72 = arith.constant 1 : i32
    %dma_wait3A_73 = arith.constant 5120 : i32
    %dma_wait3A_74 = tpu.memref_slice %arg7[%dma_wait3A_72, %dma_wait3A_73] : memref<2x8192xf32, #tpu.memory_space<vmem>> -> memref<1x1024xf32, #tpu.memory_space<vmem>>
    %dma_wait3A_75 = tpu.memref_squeeze %dma_wait3A_74 : memref<1x1024xf32, #tpu.memory_space<vmem>> -> memref<1024xf32, #tpu.memory_space<vmem>>
    %dma_wait3A_76 = tpu.memref_slice %arg3[%dma_wait3A_71] : memref<16777216xf32, #tpu.memory_space<hbm>> -> memref<1024xf32, #tpu.memory_space<hbm>>
    %dma_wait3A_77 = arith.constant 5120 : i32
    %dma_wait3A_78 = tpu.memref_slice %arg7[%dma_wait3A_72, %dma_wait3A_77] : memref<2x8192xf32, #tpu.memory_space<vmem>> -> memref<1x1024xf32, #tpu.memory_space<vmem>>
    %dma_wait3A_79 = tpu.memref_squeeze %dma_wait3A_78 : memref<1x1024xf32, #tpu.memory_space<vmem>> -> memref<1024xf32, #tpu.memory_space<vmem>>
    %dma_wait3A_80 = tpu.memref_slice %arg3[%dma_wait3A_71] : memref<16777216xf32, #tpu.memory_space<hbm>> -> memref<1024xf32, #tpu.memory_space<hbm>>
    tpu.wait_dma2 semaphore(%arg9 : memref<!tpu.dma_semaphore, #tpu.memory_space<semaphore_mem>>) src(%dma_wait3A_80 : memref<1024xf32, #tpu.memory_space<hbm>>) dst(%dma_wait3A_79 : memref<1024xf32, #tpu.memory_space<vmem>>)
    %dma_wait3A_81 = arith.constant 0 : i32
    %dma_wait3A_82 = arith.constant 1 : i32
    %dma_wait3A_83 = arith.constant 6144 : i32
    %dma_wait3A_84 = tpu.memref_slice %arg7[%dma_wait3A_82, %dma_wait3A_83] : memref<2x8192xf32, #tpu.memory_space<vmem>> -> memref<1x1024xf32, #tpu.memory_space<vmem>>
    %dma_wait3A_85 = tpu.memref_squeeze %dma_wait3A_84 : memref<1x1024xf32, #tpu.memory_space<vmem>> -> memref<1024xf32, #tpu.memory_space<vmem>>
    %dma_wait3A_86 = tpu.memref_slice %arg3[%dma_wait3A_81] : memref<16777216xf32, #tpu.memory_space<hbm>> -> memref<1024xf32, #tpu.memory_space<hbm>>
    %dma_wait3A_87 = arith.constant 6144 : i32
    %dma_wait3A_88 = tpu.memref_slice %arg7[%dma_wait3A_82, %dma_wait3A_87] : memref<2x8192xf32, #tpu.memory_space<vmem>> -> memref<1x1024xf32, #tpu.memory_space<vmem>>
    %dma_wait3A_89 = tpu.memref_squeeze %dma_wait3A_88 : memref<1x1024xf32, #tpu.memory_space<vmem>> -> memref<1024xf32, #tpu.memory_space<vmem>>
    %dma_wait3A_90 = tpu.memref_slice %arg3[%dma_wait3A_81] : memref<16777216xf32, #tpu.memory_space<hbm>> -> memref<1024xf32, #tpu.memory_space<hbm>>
    tpu.wait_dma2 semaphore(%arg9 : memref<!tpu.dma_semaphore, #tpu.memory_space<semaphore_mem>>) src(%dma_wait3A_90 : memref<1024xf32, #tpu.memory_space<hbm>>) dst(%dma_wait3A_89 : memref<1024xf32, #tpu.memory_space<vmem>>)
    %dma_wait3A_91 = arith.constant 0 : i32
    %dma_wait3A_92 = arith.constant 1 : i32
    %dma_wait3A_93 = arith.constant 7168 : i32
    %dma_wait3A_94 = tpu.memref_slice %arg7[%dma_wait3A_92, %dma_wait3A_93] : memref<2x8192xf32, #tpu.memory_space<vmem>> -> memref<1x1024xf32, #tpu.memory_space<vmem>>
    %dma_wait3A_95 = tpu.memref_squeeze %dma_wait3A_94 : memref<1x1024xf32, #tpu.memory_space<vmem>> -> memref<1024xf32, #tpu.memory_space<vmem>>
    %dma_wait3A_96 = tpu.memref_slice %arg3[%dma_wait3A_91] : memref<16777216xf32, #tpu.memory_space<hbm>> -> memref<1024xf32, #tpu.memory_space<hbm>>
    %dma_wait3A_97 = arith.constant 7168 : i32
    %dma_wait3A_98 = tpu.memref_slice %arg7[%dma_wait3A_92, %dma_wait3A_97] : memref<2x8192xf32, #tpu.memory_space<vmem>> -> memref<1x1024xf32, #tpu.memory_space<vmem>>
    %dma_wait3A_99 = tpu.memref_squeeze %dma_wait3A_98 : memref<1x1024xf32, #tpu.memory_space<vmem>> -> memref<1024xf32, #tpu.memory_space<vmem>>
    %dma_wait3A_100 = tpu.memref_slice %arg3[%dma_wait3A_91] : memref<16777216xf32, #tpu.memory_space<hbm>> -> memref<1024xf32, #tpu.memory_space<hbm>>
    tpu.wait_dma2 semaphore(%arg9 : memref<!tpu.dma_semaphore, #tpu.memory_space<semaphore_mem>>) src(%dma_wait3A_100 : memref<1024xf32, #tpu.memory_space<hbm>>) dst(%dma_wait3A_99 : memref<1024xf32, #tpu.memory_space<vmem>>)
    %mul3A_101 = arith.constant 4 : i32
    %mul3A_102 = arith.muli %mul3A_2, %mul3A_101 : i32
    %dma_wait3A_103 = arith.constant 0 : i32
    %dma_wait3A_104 = arith.constant 0 : i32
    %dma_wait3A_105 = tpu.memref_slice %arg7[%dma_wait3A_103, %dma_wait3A_104] : memref<2x8192xf32, #tpu.memory_space<vmem>> -> memref<1x8192xf32, #tpu.memory_space<vmem>>
    %dma_wait3A_106 = tpu.memref_squeeze %dma_wait3A_105 : memref<1x8192xf32, #tpu.memory_space<vmem>> -> memref<8192xf32, #tpu.memory_space<vmem>>
    %dma_wait3A_107 = tpu.memref_slice %arg4[%mul3A_102] : memref<4194304xf32, #tpu.memory_space<hbm>> -> memref<8192xf32, #tpu.memory_space<hbm>>
    %dma_wait3A_108 = tpu.memref_slice %arg4[%mul3A_102] : memref<4194304xf32, #tpu.memory_space<hbm>> -> memref<8192xf32, #tpu.memory_space<hbm>>
    %dma_wait3A_109 = arith.constant 0 : i32
    %dma_wait3A_110 = tpu.memref_slice %arg7[%dma_wait3A_103, %dma_wait3A_109] : memref<2x8192xf32, #tpu.memory_space<vmem>> -> memref<1x8192xf32, #tpu.memory_space<vmem>>
    %dma_wait3A_111 = tpu.memref_squeeze %dma_wait3A_110 : memref<1x8192xf32, #tpu.memory_space<vmem>> -> memref<8192xf32, #tpu.memory_space<vmem>>
    tpu.wait_dma2 semaphore(%arg10 : memref<!tpu.dma_semaphore, #tpu.memory_space<semaphore_mem>>) src(%dma_wait3A_111 : memref<8192xf32, #tpu.memory_space<vmem>>) dst(%dma_wait3A_108 : memref<8192xf32, #tpu.memory_space<hbm>>)
    %mul3A_112 = arith.constant 15 : i32
    %mul3A_113 = arith.constant 2048 : i32
    %mul3A_114 = arith.muli %mul3A_112, %mul3A_113 : i32
    %add3A_115 = arith.addi %mul3A_2, %mul3A_114 : i32
    %mul3A_116 = arith.constant 4 : i32
    %mul3A_117 = arith.muli %add3A_115, %mul3A_116 : i32
    %dma_start3A_118 = arith.constant 1 : i32
    %dma_start3A_119 = arith.constant 0 : i32
    %dma_start3A_120 = tpu.memref_slice %arg7[%dma_start3A_118, %dma_start3A_119] : memref<2x8192xf32, #tpu.memory_space<vmem>> -> memref<1x8192xf32, #tpu.memory_space<vmem>>
    %dma_start3A_121 = tpu.memref_squeeze %dma_start3A_120 : memref<1x8192xf32, #tpu.memory_space<vmem>> -> memref<8192xf32, #tpu.memory_space<vmem>>
    %dma_start3A_122 = tpu.memref_slice %arg4[%mul3A_117] : memref<4194304xf32, #tpu.memory_space<hbm>> -> memref<8192xf32, #tpu.memory_space<hbm>>
    %dma_start3A_123 = tpu.memref_slice %arg4[%mul3A_117] : memref<4194304xf32, #tpu.memory_space<hbm>> -> memref<8192xf32, #tpu.memory_space<hbm>>
    %dma_start3A_124 = arith.constant 0 : i32
    %dma_start3A_125 = tpu.memref_slice %arg7[%dma_start3A_118, %dma_start3A_124] : memref<2x8192xf32, #tpu.memory_space<vmem>> -> memref<1x8192xf32, #tpu.memory_space<vmem>>
    %dma_start3A_126 = tpu.memref_squeeze %dma_start3A_125 : memref<1x8192xf32, #tpu.memory_space<vmem>> -> memref<8192xf32, #tpu.memory_space<vmem>>
    tpu.enqueue_dma source(%dma_start3A_126 : memref<8192xf32, #tpu.memory_space<vmem>>) target(%dma_start3A_123 : memref<8192xf32, #tpu.memory_space<hbm>>) target_semaphore(%arg10 : memref<!tpu.dma_semaphore, #tpu.memory_space<semaphore_mem>>)
    %mul3A_127 = arith.constant 4 : i32
    %mul3A_128 = arith.muli %mul3A_2, %mul3A_127 : i32
    %dma_wait3A_129 = arith.constant 1 : i32
    %dma_wait3A_130 = arith.constant 0 : i32
    %dma_wait3A_131 = tpu.memref_slice %arg7[%dma_wait3A_129, %dma_wait3A_130] : memref<2x8192xf32, #tpu.memory_space<vmem>> -> memref<1x8192xf32, #tpu.memory_space<vmem>>
    %dma_wait3A_132 = tpu.memref_squeeze %dma_wait3A_131 : memref<1x8192xf32, #tpu.memory_space<vmem>> -> memref<8192xf32, #tpu.memory_space<vmem>>
    %dma_wait3A_133 = tpu.memref_slice %arg4[%mul3A_128] : memref<4194304xf32, #tpu.memory_space<hbm>> -> memref<8192xf32, #tpu.memory_space<hbm>>
    %dma_wait3A_134 = tpu.memref_slice %arg4[%mul3A_128] : memref<4194304xf32, #tpu.memory_space<hbm>> -> memref<8192xf32, #tpu.memory_space<hbm>>
    %dma_wait3A_135 = arith.constant 0 : i32
    %dma_wait3A_136 = tpu.memref_slice %arg7[%dma_wait3A_129, %dma_wait3A_135] : memref<2x8192xf32, #tpu.memory_space<vmem>> -> memref<1x8192xf32, #tpu.memory_space<vmem>>
    %dma_wait3A_137 = tpu.memref_squeeze %dma_wait3A_136 : memref<1x8192xf32, #tpu.memory_space<vmem>> -> memref<8192xf32, #tpu.memory_space<vmem>>
    tpu.wait_dma2 semaphore(%arg10 : memref<!tpu.dma_semaphore, #tpu.memory_space<semaphore_mem>>) src(%dma_wait3A_137 : memref<8192xf32, #tpu.memory_space<vmem>>) dst(%dma_wait3A_134 : memref<8192xf32, #tpu.memory_space<hbm>>)
    return
  }
}

</mosaic_0001>

<sc_bundles>
// kernel: kernel.3.cloned.1.call-start
scs
__scs_entry_jumppad:
0x0: {  	(pc) =	sbr.rel $0x88, $3  }
0x1: {  	(tag) =	ssettag $0x0;
	lr =	simm.s32 $0x1  }
0x2: {  	[smem:$0x3F9F] =	sst lr;
	_ =	strace $0xD0000000  }
0x3: {  	_ = 	snop  }
0x4: {  	_ = 	snop  }
0x5: {  	_ = 	snop  }
0x6: {  	_ = 	snop  }
0x7: {  	_ = 	snop  }
__scs_overlays_trampoline_lowered:
0x8: {  	[smem:$0x3FAE] =	sst s0  }
0x9: {  	[smem:$0x3FAF] =	sst s1  }
0xa: {  	[smem:$0x3FB0] =	sst s2  }
0xb: {  	[smem:$0x3FB1] =	sst s3  }
0xc: {  	[smem:$0x3FB2] =	sst s4  }
0xd: {  	[smem:$0x3FB3] =	sst s5  }
0xe: {  	[smem:$0x3FB4] =	sst s6  }
0xf: {  	[smem:$0x3FB5] =	sst s7  }
0x10: {  	[smem:$0x3FB6] =	sst s8  }
0x11: {  	[smem:$0x3FB7] =	sst s9;
	s0 =	simm.s32 @!p0 $0x0  }
0x12: {  	s1 =	sld [smem:$0x3F9D];
	s0 =	simm.s32 @p0 $0x1  }
0x13: {  	[smem:$0x3FB8] =	sst s0;
	s0 =	simm.s32 @!p1 $0x0  }
0x14: {  	s2 =	sld [smem:$0x3F9C];
	s0 =	simm.s32 @p1 $0x1  }
0x15: {  	[smem:$0x3FB9] =	sst s0;
	s0 =	simm.s32 @!p2 $0x0  }
0x16: {  	s3 =	sld [smem:$0x3FDB];
	s0 =	simm.s32 @p2 $0x1  }
0x17: {  	s4 =	simm.s32 $0x1BF5;
	[smem:$0x3FBB] =	sst s0  }
0x18: {  	s0 =	sld [smem:$0x3F9E];
	_ =	swait.ge [sflag:s4], $0x0  }
0x19: {  	s7 =	sld [smem:$0x3F9F]  }
0x1a: {  	s8 =	sadd.s32 $0xFFFFE003, lr  }
0x1b: {  	s9 =	sadd.s32 $0xFFFFFEF7, lr;
	s5 =	simm.s32 $0xFFFFFFFF;
	p2 =	slt.u32 s8, $0xFFFFF086  }
0x1c: {  	p1 =	slt.u32 s9, $0xF7A;
	s5 =	simm.s32 @!p2 $0x0  }
0x1d: {  	s5 =	simm.s32 @p1 $0x1;
	p0 =	seq.s32 s7, s2  }
0x1e: {  	s7 =	smul.u32 @!p0 $0xF7A, s2;
	p2 =	seq.s32 @!p0 s5, $0x0  }
0x1f: {  	s9 =	smul.u32 $0xF7A, s1;
	s8 =	simm.s32 @!p0 $0x1BF5;
	p2 =	por !p2, p0  }
0x20: {  	[sflag:s8] =	ssyncset.s32 @!p0 $0xFFFFF086;
	s6 =	sadd.s32 @!p0 s3, s7;
	s7 =	simm.s32 @!p0 $0x108  }
0x21: {  	s3 =	sadd.s32 s3, s9;
	s6 =	sadd.s32 @!p0 $0x88, s6;
	s7 =	simm.s32 @p2 $0x1082  }
0x22: {  	[simem:s7], [sflag:s8] =	dma.local @!p0 [hbm:s6], $0xF7A  }
0x23: {  	s9 =	sor.u32 $0xD0000000, s2;
	s6 =	simm.s32 $0x108;
	_ =	swait.ge @!p0 [sflag:s8], $0x0  }
0x24: {  	s3 =	sadd.s32 $0x88, s3;
	s6 =	simm.s32 @!p1 $0x1082;
	[sflag:s4] =	ssyncset.s32 $0xFFFFF086  }
0x25: {  	[simem:s6], [sflag:s4] =	dma.local [hbm:s3], $0xF7A  }
0x26: {  	[smem:$0x3F9F] =	sst s1;
	(tag) =	ssettag s2;
	_ =	strace s9  }
0x27: {  	s1 =	sld [smem:$0x3FAF]  }
0x28: {  	s2 =	sld [smem:$0x3FB0]  }
0x29: {  	s4 =	sld [smem:$0x3FB2]  }
0x2a: {  	p0 =	seq.s32 s5, $0x0;
	s5 =	sld [smem:$0x3FB3]  }
0x2b: {  	s6 =	sld [smem:$0x3FB4]  }
0x2c: {  	s7 =	sld [smem:$0x3FB5]  }
0x2d: {  	s3 =	simm.s32 $0x108;
	s8 =	sld [smem:$0x3FB6]  }
0x2e: {  	s3 =	simm.s32 @!p0 $0x1082;
	s9 =	sld [smem:$0x3FB7]  }
0x2f: {  	lr =	sadd.s32 s0, s3;
	s0 =	sld [smem:$0x3FAE]  }
0x30: {  	s3 =	sld [smem:$0x3FB1]  }
0x31: {  	[smem:$0x3FBA] =	sst s10  }
0x32: {  	s10 =	sld [smem:$0x3FB8];
	_ =	sdelay $0x3  }
0x33: {  	p0 =	seq.s32 s10, $0x1;
	s10 =	sld [smem:$0x3FBA];
	_ =	sdelay $0x3  }
0x34: {  	[smem:$0x3FBA] =	sst s10  }
0x35: {  	s10 =	sld [smem:$0x3FB9];
	_ =	sdelay $0x3  }
0x36: {  	p1 =	seq.s32 s10, $0x1;
	s10 =	sld [smem:$0x3FBA];
	_ =	sdelay $0x3  }
0x37: {  	[smem:$0x3FBA] =	sst s10  }
0x38: {  	s10 =	sld [smem:$0x3FBB]  }
0x39: {  	_ = 	snop;
	(pc) =	sbr.ind lr, $3  }
0x3a: {  	_ = 	snop  }
0x3b: {  	_ = 	snop  }
0x3c: {  	p2 =	seq.s32 s10, $0x1;
	s10 =	sld [smem:$0x3FBA]  }
0x3d: {  	_ =	shalt  }
0x3e: {  	_ =	shalt  }
0x3f: {  	_ =	shalt  }
0x40: {  	_ =	shalt  }
0x41: {  	_ =	shalt  }
0x42: {  	_ =	shalt  }
0x43: {  	_ =	shalt  }
0x44: {  	_ =	shalt  }
0x45: {  	_ =	shalt  }
0x46: {  	_ =	shalt  }
0x47: {  	_ =	shalt  }
0x48: {  	_ =	shalt  }
0x49: {  	_ =	shalt  }
0x4a: {  	_ =	shalt  }
0x4b: {  	_ =	shalt  }
0x4c: {  	_ =	shalt  }
0x4d: {  	_ =	shalt  }
0x4e: {  	_ =	shalt  }
0x4f: {  	_ =	shalt  }
0x50: {  	_ =	shalt  }
0x51: {  	_ =	shalt  }
0x52: {  	_ =	shalt  }
0x53: {  	_ =	shalt  }
0x54: {  	_ =	shalt  }
0x55: {  	_ =	shalt  }
0x56: {  	_ =	shalt  }
0x57: {  	_ =	shalt  }
0x58: {  	_ =	shalt  }
0x59: {  	_ =	shalt  }
0x5a: {  	_ =	shalt  }
0x5b: {  	_ =	shalt  }
0x5c: {  	_ =	shalt  }
0x5d: {  	_ =	shalt  }
0x5e: {  	_ =	shalt  }
0x5f: {  	_ =	shalt  }
0x60: {  	_ =	shalt  }
0x61: {  	_ =	shalt  }
0x62: {  	_ =	shalt  }
0x63: {  	_ =	shalt  }
0x64: {  	_ =	shalt  }
0x65: {  	_ =	shalt  }
0x66: {  	_ =	shalt  }
0x67: {  	_ =	shalt  }
0x68: {  	_ =	shalt  }
0x69: {  	_ =	shalt  }
0x6a: {  	_ =	shalt  }
0x6b: {  	_ =	shalt  }
0x6c: {  	_ =	shalt  }
0x6d: {  	_ =	shalt  }
0x6e: {  	_ =	shalt  }
0x6f: {  	_ =	shalt  }
0x70: {  	_ =	shalt  }
0x71: {  	_ =	shalt  }
0x72: {  	_ =	shalt  }
0x73: {  	_ =	shalt  }
0x74: {  	_ =	shalt  }
0x75: {  	_ =	shalt  }
0x76: {  	_ =	shalt  }
0x77: {  	_ =	shalt  }
0x78: {  	_ =	shalt  }
0x79: {  	_ =	shalt  }
0x7a: {  	_ =	shalt  }
0x7b: {  	_ =	shalt  }
0x7c: {  	_ =	shalt  }
0x7d: {  	_ =	shalt  }
0x7e: {  	_ =	shalt  }
0x7f: {  	_ =	shalt  }
0x80: {  	_ =	shalt  }
0x81: {  	_ =	shalt  }
0x82: {  	_ =	shalt  }
0x83: {  	_ =	shalt  }
0x84: {  	_ =	shalt  }
0x85: {  	_ =	shalt  }
0x86: {  	_ =	shalt  }
0x87: {  	_ =	shalt  }
.Lfunc_end0:
.L_simem_size_0:
called_computation_lowered:
.L_overlay_start_0:
0x88: {  	s2 =	sld [smem:$0x3FD9]  }
0x89: {  	s3 =	sld [smem:$0x3FFE];
	_ =	sdelay $0x1  }
0x8a: {  	s1 =	srdreg.scid  }
0x8b: {  	s0 =	sand.u32 $0x1, s1  }
0x8c: {  	s18 =	sshll.u32 s0, $0xA;
	s2 =	sadd.s32 s3, s2  }
0x8d: {  	s2 =	sadd.s32 s2, s18  }
0x8e: {  	[smem:$0x3FC6] =	sst s2  }
0x8f: {  	_ = 	snop  }
0x90: {  	s2 =	sld [smem:$0x3FC9]  }
0x91: {  	s19 =	sld [smem:$0x3FC8]  }
0x92: {  	s4 =	sld [smem:$0x3FD0];
	(tm) =	ssettm $0x1  }
0x93: {  	s5 =	sld [smem:$0x3FFB];
	_ =	sdelay $0x3  }
0x94: {  	_ =	strace s5  }
0x95: {  	s5 =	sld [smem:$0x3FFC];
	_ =	sdelay $0x3  }
0x96: {  	_ =	strace s5  }
0x97: {  	s5 =	sld [smem:$0x3FFD];
	_ =	sdelay $0x3  }
0x98: {  	_ =	strace s5  }
0x99: {  	_ =	strace $0x8FFFFFFF  }
0x9a: {  	s20 =	sld [smem:$0x3FDB];
	_ =	sdelay $0x1  }
0x9b: {  	s6 =	simm.s32 $_scs_section_size  }
0x9c: {  	s7 =	simm.s32 $_size__tile_overlayer_lowered;
	s8 =	simm.s32 $_tile_overlayer_lowered  }
0x9d: {  	s23 =	simm.s32 $0x1BFF;
	s22 =	sshll.u32 s8, $0x1;
	s5 =	sadd.s32 s6, s20  }
0x9e: {  	s9 =	simm.s32 $0x0;
	s21 =	sshll.u32 s7, $0x1;
	s7 =	sadd.s32 s22, s5  }
0x9f: {  	[timem:s9], [sflag:s23] =	dma.local [hbm:s7], s21  }
0xa0: {  	_ =	swait.ge [sflag:s23], s21  }
0xa1: {  	s6 =	ssub.s32 $0x0, s21;
	[sflag:s23] =	ssyncset.done $0x0  }
0xa2: {  	[sflag:s23] =	ssyncadd.s32 s6;
	_ =	sdelay $0x1  }
0xa3: {  	s24 =	simm.s32 $0x1B8B  }
0xa4: {  	_ =	swait.ge [sflag:s24], $0x1  }
0xa5: {  	[sflag:s24] =	ssyncset.done $0x0  }
0xa6: {  	s25 =	simm.s32 $0x1B8E;
	[sflag:s24] =	ssyncadd.s32 $0xFFFFFFFF  }
0xa7: {  	s26 =	simm.s32 $execute0_lowered;
	[smem:$0x3FD2] =	sst s25  }
0xa8: {  	s6 =	sshll.u32 s26, $0x1;
	_ =	strace $0x80000046;
	[dreg:$0x1] =	wrdreg $0xFFFFFFFF  }
0xa9: {  	s28 =	simm.s32 $_size_execute0_lowered;
	s5 =	sadd.s32 s5, s6;
	[dreg:$0x0] =	wrdreg $0x0  }
0xaa: {  	s6 =	sshll.u32 s28, $0x1;
	[dreg:$0x2] =	wrdreg s5  }
0xab: {  	[dreg:$0x3] =	wrdreg s6  }
0xac: {  	[dreg:$0x4] =	wrdreg $0xC0  }
0xad: {  	_ =	task [dreg:s9], $0x5FFFF  }
0xae: {  	[dreg:$0x1] =	wrdreg $0xFFFFFFFF  }
0xaf: {  	[dreg:$0x0] =	wrdreg $0x60  }
0xb0: {  	[dreg:$0x2] =	wrdreg s2  }
0xb1: {  	[dreg:$0x3] =	wrdreg s19  }
0xb2: {  	[dreg:$0x4] =	wrdreg s4  }
0xb3: {  	[dreg:$0x5] =	wrdreg $0x9  }
0xb4: {  	_ =	task.clear_ibuf [dreg:s9], $0x6FFFF;
	_ =	strace $0x90000046  }
0xb5: {  	s29 =	simm.s32 $0x9;
	_ =	strace $0x80000048  }
0xb6: {  	_ =	swait.ge [sflag:s29], $0x1  }
0xb7: {  	[sflag:s29] =	ssyncadd.s32 $0xFFFFFFFF  }
0xb8: {  	_ =	strace $0x90000048  }
0xb9: {  	_ =	sfence  }
0xba: {  	s30 =	sld [smem:$0x0];
	_ =	sdelay $0x2  }
0xbb: {  	s31 =	sshll.u32 s1, $0xD;
	s1 =	sshrl.u32 s1, $0x2  }
0xbc: {  	s3 =	sand.u32 $0x4000, s31;
	s1 =	sadd.s32 s1, s30  }
0xbd: {  	s0 =	sor.u32 s3, s0;
	s1 =	sshll.u32 s1, $0x11  }
0xbe: {  	s0 =	sor.u32 s1, s0  }
0xbf: {  	s0 =	sadd.s32 $0x8F2B, s0  }
0xc0: {  	[sflag:s0] =	ssyncadd.remote.s32 $0x1  }
0xc1: {  	_ =	sfence.sel $0xFFFF  }
0xc2: {  	[dreg:$0x0] =	wrdreg $0xFFFFFFFF;
	(pc) =	sbr.abs _section_cstart, $3  }
0xc3: {  	[dreg:$0x1] =	wrdreg $0xFFFFFFFF  }
0xc4: {  	_ =	task.clear_ibuf [dreg:s9], $0x2FFFF;
	_ =	strace $0x9FFFFFFF  }
0xc5: {  	(tm) =	ssettm $0x7FFFFFFF  }
tec
execute0_lowered:
.L_overlay_start_1:
0x0: {  	(tag) =	ssettag $0x1  }
0x1: {  	s1 =	rddreg [dreg:$0x0]  }
0x2: {  	s2 =	rddreg [dreg:$0x1];
	s5 =	simm.s32 $0x0  }
0x3: {  	[smem:$0x7FF] =	sst s5  }
0x4: {  	s7 =	rddreg [dreg:$0x2];
	v0 =	vimm.f32 $1.000000050e-03;
	_ =	strace $0x80000047  }
0x5: {  	(erf) = vrcp.f32 v0  }
0x6: {  	s0 =	srdreg.scid;
	s6 =	stileid.u32;
	s13 =	simm.s32 $0x4  }
0x7: {  	s15 =	simm.s32 $0x400;
	s0 =	sand.u32 $0x1, s0;
	s6 =	sshll.u32 s6, $0x1  }
0x8: {  	s17 =	simm.s32 $0x8000;
	s3 =	ssub.s32 $0x2, s0;
	s0 =	sor.u32 s0, s6  }
0x9: {  	s12 =	simm.s32 $0x0;
	s4 =	sshrl.u32 s3, $0x1;
	s6 =	sshll.u32 s0, $0xF  }
0xa: {  	s30 =	sshll.u32 s0, $0xD;
	s0 =	sshll.u32 s0, $0xE;
	s3 =	ssub.s32 s3, s4  }
0xb: {  	s4 =	sadd.s32 s1, s30;
	s8 =	sadd.s32 $0x3FFFF800, s6;
	s9 =	sadd.s32 s7, s0  }
0xc: {  	s10 =	sor.u32 $0x1000, s6;
	[dreg:$0x4] =	wrdreg s4;
	s0 =	sadd.s32 $0x3C00, s9  }
0xd: {  	s7 =	simm.s32 $0x6000;
	s31 =	smax.u32 s3, $0x1;
	[dreg:$0x5] =	wrdreg s0  }
0xe: {  	s4 =	simm.s32 $0x1;
	[dreg:$0x6] =	wrdreg s31;
	s0 =	simm.s32 $0x9C00;
	v0 =	vpop (erf)  }
.LBB2_1:
0xf: {  	[dreg:$0x7] =	wrdreg s12  }
0x10: {  	s3 =	rddreg [dreg:$0x4];
	s12 =	simm.s32 $0x0  }
0x11: {  	[tilespmem:s5], [sflag:$0x4] =	stream.linear.gather [hbm4b:s3+s5], $0x1000, $0x38;
	[tilespmem:$0xA000] =	vst v63  }
.LBB2_2:
0x12: {  	s11 =	sshll.u32 s12, $0xC  }
0x13: {  	s3 =	sor.u32 s11, s6  }
0x14: {  	_ =	swait.ge [sflag:s13], $0x1000;
	s16 =	simm.s32 $0x1000;
	s3 =	sshrl.u32 s3, $0x2  }
0x15: {  	s20 =	simm.s32 $0x0;
	[sflag:s13] =	ssyncset.done $0x0;
	s3 =	sadd.s32 s3, s1  }
0x16: {  	[sflag:s13] =	ssyncadd.s32 $0xFFFFF000;
	s14 =	sadd.s32 $0x200, s3;
	s3 =	simm.s32 $0x0  }
0x17: {  	[tilespmem:s16], [sflag:$0x4] =	stream.linear.gather [hbm4b:s14+s3], $0x1000, $0x38;
	[tilespmem:$0xA000] =	vst v63  }
0x18: {  	s19 =	sand.u32 $0x40, s3;
	s14 =	sand.u32 $0x3FFFFF00, s20  }
0x19: {  	s21 =	sor.u32 s19, s14  }
0x1a: {  	v1 =	vld [tilespmem:s21+$0x0]  }
0x1b: {  	v2 =	vld [tilespmem:s21+$0x80];
	_ =	sdelay $0x3  }
0x1c: {  	v1 =	vmul.f32 v1, v0  }
0x1d: {  	v2 =	vmul.f32 v2, v0  }
0x1e: {  	v1 =	vtrunc.f32 v1  }
0x1f: {  	v2 =	vtrunc.f32 v2;
	v1 =	vcvt.f32.s32 v1  }
0x20: {  	v2 =	vcvt.f32.s32 v2  }
0x21: {  	v3 =	vmul.u32 $0xCA6B, v1  }
0x22: {  	v1 =	vmul.u32 $0x85EB, v1;
	v4 =	vmul.u32 $0xC2B2, v2  }
0x23: {  	v2 =	vmul.u32 $0xAE35, v2;
	v5 =	vshra.s32 v3, $0x10  }
0x24: {  	v6 =	vand.u32 $0xFFFF, v1;
	v3 =	vand.u32 $0xFFFF, v3;
	v34 =	vshrl.u32 v4, $0x10  }
0x25: {  	v1 =	vshra.s32 v1, $0x10;
	v4 =	vand.u32 $0xFFFE, v4;
	v5 =	vadd.s32 v6, v5  }
0x26: {  	v8 =	vand.u32 $0xFFFF, v2;
	v2 =	vshra.s32 v2, $0x10;
	v7 =	vshra.s32 v5, $0x10  }
0x27: {  	v10 =	vshrl.u32 v3, $0xD;
	v35 =	vshll.u32 v5, $0x3;
	v1 =	vadd.s32 v1, v7  }
0x28: {  	v5 =	vand.u32 $0xFFFF, v5;
	v7 =	vand.u32 $0xFFF8, v35;
	v9 =	vshll.u32 v1, $0x3  }
0x29: {  	v11 =	vshrl.u32 v5, $0xD;
	v7 =	vor.u32 v10, v7;
	v9 =	vand.u32 $0xFFF8, v9  }
0x2a: {  	v2 =	vadd.s32 v4, v2;
	v3 =	vxor.u32 v3, v7;
	v9 =	vor.u32 v11, v9  }
0x2b: {  	v3 =	vadd.s32 v8, v3;
	v4 =	vxor.u32 v5, v9;
	v5 =	vand.u32 $0xFFFF, v2  }
0x2c: {  	v2 =	vshrl.u32 v2, $0x10;
	v4 =	vadd.s32 v5, v4;
	v5 =	vshrl.u32 v3, $0x10  }
0x2d: {  	v2 =	vadd.s32 v34, v2;
	v4 =	vadd.s32 v5, v4  }
0x2e: {  	v1 =	vadd.s32 v1, v2;
	v2 =	vshrl.u32 v4, $0x10  }
0x2f: {  	v1 =	vadd.s32 v2, v1  }
0x30: {  	v1 =	vxor.u32 v4, v1  }
0x31: {  	v2 =	vxor.u32 v3, v4;
	v1 =	vshll.u32 v1, $0x10  }
0x32: {  	s18 =	simm.s32 $0x0;
	v3 =	vand.u32 $0xFF80, v2;
	v1 =	vand.u32 $0x3F0000, v1  }
0x33: {  	s16 =	sand.u32 $0xFFFFFE00, s18;
	v1 =	vor.u32 v3, v1  }
0x34: {  	s18 =	sand.u32 $0x1C00, s18;
	s20 =	sor.u32 s19, s16;
	v2 =	vand.u32 $0x7F, v2;
	v1 =	vshll.u32 v1, $0x2  }
0x35: {  	s18 =	sor.u32 $0x2000, s18;
	s21 =	sand.u32 $0x240, s20;
	v1 =	vor.u32 v2, v1  }
0x36: {  	s22 =	sor.u32 s21, s18;
	[tilespmem:s20+$0x2000] =	vst v1;
	v2 =	vor.u32 $0x80, v1  }
0x37: {  	v3 =	vor.u32 $0x100, v1;
	[tilespmem:s22+$0x80] =	vst v2  }
0x38: {  	s23 =	sor.u32 $0x10, s19;
	v1 =	vor.u32 $0x180, v1;
	[tilespmem:s22+$0x100] =	vst v3  }
0x39: {  	s24 =	sor.u32 s23, s14;
	[tilespmem:s22+$0x180] =	vst v1  }
0x3a: {  	v1 =	vld [tilespmem:s24+$0x0];
	_ =	sdelay $0x1  }
0x3b: {  	v2 =	vld [tilespmem:s24+$0x80];
	_ =	sdelay $0x2  }
0x3c: {  	v1 =	vmul.f32 v1, v0;
	_ =	sdelay $0x1  }
0x3d: {  	v2 =	vmul.f32 v2, v0;
	v1 =	vtrunc.f32 v1  }
0x3e: {  	v1 =	vcvt.f32.s32 v1  }
0x3f: {  	v2 =	vtrunc.f32 v2  }
0x40: {  	v2 =	vcvt.f32.s32 v2;
	v3 =	vmul.u32 $0xCA6B, v1  }
0x41: {  	v1 =	vmul.u32 $0x85EB, v1  }
0x42: {  	v4 =	vmul.u32 $0xAE35, v2;
	v2 =	vmul.u32 $0xC2B2, v2;
	v5 =	vshra.s32 v3, $0x10  }
0x43: {  	v36 =	vand.u32 $0xFFFF, v1;
	v3 =	vand.u32 $0xFFFF, v3;
	v1 =	vshra.s32 v1, $0x10  }
0x44: {  	v39 =	vand.u32 $0xFFFF, v4;
	v40 =	vand.u32 $0xFFFE, v2;
	v5 =	vadd.s32 v36, v5  }
0x45: {  	v4 =	vshra.s32 v4, $0x10;
	v2 =	vshrl.u32 v2, $0x10;
	v38 =	vshra.s32 v5, $0x10  }
0x46: {  	v37 =	vshrl.u32 v3, $0xD;
	v41 =	vshll.u32 v5, $0x3;
	v1 =	vadd.s32 v1, v38  }
0x47: {  	v5 =	vand.u32 $0xFFFF, v5;
	v7 =	vand.u32 $0xFFF8, v41;
	v42 =	vshll.u32 v1, $0x3  }
0x48: {  	v43 =	vshrl.u32 v5, $0xD;
	v6 =	vor.u32 v37, v7;
	v10 =	vand.u32 $0xFFF8, v42  }
0x49: {  	v4 =	vadd.s32 v40, v4;
	v3 =	vxor.u32 v3, v6;
	v10 =	vor.u32 v43, v10  }
0x4a: {  	v44 =	vand.u32 $0xFFFF, v4;
	v3 =	vadd.s32 v39, v3;
	v5 =	vxor.u32 v5, v10  }
0x4b: {  	v4 =	vshrl.u32 v4, $0x10;
	v45 =	vshrl.u32 v3, $0x10;
	v5 =	vadd.s32 v44, v5  }
0x4c: {  	v2 =	vadd.s32 v2, v4;
	v4 =	vadd.s32 v45, v5  }
0x4d: {  	v1 =	vadd.s32 v1, v2;
	v2 =	vshrl.u32 v4, $0x10  }
0x4e: {  	v1 =	vadd.s32 v2, v1  }
0x4f: {  	v1 =	vxor.u32 v4, v1  }
0x50: {  	v2 =	vxor.u32 v3, v4;
	v1 =	vshll.u32 v1, $0x10  }
0x51: {  	v3 =	vand.u32 $0xFF80, v2;
	v1 =	vand.u32 $0x3F0000, v1  }
0x52: {  	v1 =	vor.u32 v3, v1  }
0x53: {  	s25 =	sor.u32 s16, s23;
	v2 =	vand.u32 $0x7F, v2;
	v1 =	vshll.u32 v1, $0x2  }
0x54: {  	s21 =	sand.u32 $0x250, s25;
	v1 =	vor.u32 v2, v1  }
0x55: {  	s26 =	sor.u32 s21, s18;
	[tilespmem:s25+$0x2000] =	vst v1;
	v2 =	vor.u32 $0x100, v1  }
0x56: {  	v3 =	vor.u32 $0x80, v1;
	[tilespmem:s26+$0x100] =	vst v2  }
0x57: {  	s28 =	sor.u32 $0x20, s19;
	v1 =	vor.u32 $0x180, v1;
	[tilespmem:s26+$0x80] =	vst v3  }
0x58: {  	s29 =	sor.u32 s28, s14;
	[tilespmem:s26+$0x180] =	vst v1  }
0x59: {  	v1 =	vld [tilespmem:s29+$0x0]  }
0x5a: {  	v2 =	vld [tilespmem:s29+$0x80];
	_ =	sdelay $0x3  }
0x5b: {  	v1 =	vmul.f32 v1, v0  }
0x5c: {  	v2 =	vmul.f32 v2, v0  }
0x5d: {  	v1 =	vtrunc.f32 v1  }
0x5e: {  	v2 =	vtrunc.f32 v2;
	v1 =	vcvt.f32.s32 v1  }
0x5f: {  	v2 =	vcvt.f32.s32 v2  }
0x60: {  	v3 =	vmul.u32 $0xCA6B, v1  }
0x61: {  	v1 =	vmul.u32 $0x85EB, v1;
	v4 =	vmul.u32 $0xAE35, v2  }
0x62: {  	v2 =	vmul.u32 $0xC2B2, v2;
	v5 =	vshra.s32 v3, $0x10  }
0x63: {  	v46 =	vand.u32 $0xFFFF, v1;
	v3 =	vand.u32 $0xFFFF, v3;
	v48 =	vand.u32 $0xFFFF, v4  }
0x64: {  	v1 =	vshra.s32 v1, $0x10;
	v51 =	vshrl.u32 v2, $0x10;
	v5 =	vadd.s32 v46, v5  }
0x65: {  	v2 =	vand.u32 $0xFFFE, v2;
	v4 =	vshra.s32 v4, $0x10;
	v50 =	vshra.s32 v5, $0x10  }
0x66: {  	v49 =	vand.u32 $0xFFFF, v5;
	v5 =	vshll.u32 v5, $0x3;
	v1 =	vadd.s32 v1, v50  }
0x67: {  	v47 =	vshrl.u32 v3, $0xD;
	v5 =	vand.u32 $0xFFF8, v5;
	v52 =	vshll.u32 v1, $0x3  }
0x68: {  	v53 =	vshrl.u32 v49, $0xD;
	v5 =	vor.u32 v47, v5;
	v6 =	vand.u32 $0xFFF8, v52  }
0x69: {  	v2 =	vadd.s32 v2, v4;
	v3 =	vxor.u32 v3, v5;
	v4 =	vor.u32 v53, v6  }
0x6a: {  	v5 =	vand.u32 $0xFFFF, v2;
	v3 =	vadd.s32 v48, v3;
	v4 =	vxor.u32 v49, v4  }
0x6b: {  	v2 =	vshrl.u32 v2, $0x10;
	v54 =	vshrl.u32 v3, $0x10;
	v4 =	vadd.s32 v5, v4  }
0x6c: {  	v2 =	vadd.s32 v51, v2;
	v4 =	vadd.s32 v54, v4  }
0x6d: {  	v1 =	vadd.s32 v1, v2;
	v2 =	vshrl.u32 v4, $0x10  }
0x6e: {  	v1 =	vadd.s32 v2, v1  }
0x6f: {  	v1 =	vxor.u32 v4, v1  }
0x70: {  	v2 =	vxor.u32 v3, v4;
	v1 =	vshll.u32 v1, $0x10  }
0x71: {  	v3 =	vand.u32 $0xFF80, v2;
	v1 =	vand.u32 $0x3F0000, v1  }
0x72: {  	v1 =	vor.u32 v3, v1  }
0x73: {  	s30 =	sor.u32 s16, s28;
	v2 =	vand.u32 $0x7F, v2;
	v1 =	vshll.u32 v1, $0x2  }
0x74: {  	s21 =	sand.u32 $0x260, s30;
	v1 =	vor.u32 v2, v1  }
0x75: {  	s31 =	sor.u32 s21, s18;
	[tilespmem:s30+$0x2000] =	vst v1;
	v2 =	vor.u32 $0x80, v1  }
0x76: {  	v3 =	vor.u32 $0x100, v1;
	[tilespmem:s31+$0x80] =	vst v2  }
0x77: {  	s19 =	sor.u32 $0x30, s19;
	v1 =	vor.u32 $0x180, v1;
	[tilespmem:s31+$0x100] =	vst v3  }
0x78: {  	s14 =	sor.u32 s19, s14;
	[tilespmem:s31+$0x180] =	vst v1  }
0x79: {  	v1 =	vld [tilespmem:s14+$0x0];
	_ =	sdelay $0x1  }
0x7a: {  	v2 =	vld [tilespmem:s14+$0x80];
	_ =	sdelay $0x2  }
0x7b: {  	v1 =	vmul.f32 v1, v0;
	_ =	sdelay $0x1  }
0x7c: {  	v2 =	vmul.f32 v2, v0;
	v1 =	vtrunc.f32 v1  }
0x7d: {  	v1 =	vcvt.f32.s32 v1  }
0x7e: {  	v2 =	vtrunc.f32 v2  }
0x7f: {  	v2 =	vcvt.f32.s32 v2;
	v3 =	vmul.u32 $0xCA6B, v1  }
0x80: {  	v1 =	vmul.u32 $0x85EB, v1  }
0x81: {  	v4 =	vmul.u32 $0xAE35, v2;
	v2 =	vmul.u32 $0xC2B2, v2;
	v5 =	vshra.s32 v3, $0x10  }
0x82: {  	v55 =	vand.u32 $0xFFFF, v1;
	v3 =	vand.u32 $0xFFFF, v3;
	v1 =	vshra.s32 v1, $0x10  }
0x83: {  	v60 =	vand.u32 $0xFFFE, v2;
	v62 =	vand.u32 $0xFFFF, v4;
	v5 =	vadd.s32 v55, v5  }
0x84: {  	v57 =	vshll.u32 v5, $0x3;
	v58 =	vand.u32 $0xFFFF, v5;
	v5 =	vshra.s32 v5, $0x10  }
0x85: {  	v4 =	vshra.s32 v4, $0x10;
	v2 =	vshrl.u32 v2, $0x10;
	v1 =	vadd.s32 v1, v5  }
0x86: {  	v56 =	vshrl.u32 v3, $0xD;
	v7 =	vand.u32 $0xFFF8, v57;
	v59 =	vshll.u32 v1, $0x3  }
0x87: {  	v5 =	vshrl.u32 v58, $0xD;
	v6 =	vor.u32 v56, v7;
	v61 =	vand.u32 $0xFFF8, v59  }
0x88: {  	v4 =	vadd.s32 v60, v4;
	v3 =	vxor.u32 v3, v6;
	v5 =	vor.u32 v5, v61  }
0x89: {  	v63 =	vand.u32 $0xFFFF, v4;
	v3 =	vadd.s32 v62, v3;
	v5 =	vxor.u32 v58, v5  }
0x8a: {  	v4 =	vshrl.u32 v4, $0x10;
	v7 =	vshrl.u32 v3, $0x10;
	v5 =	vadd.s32 v63, v5  }
0x8b: {  	v2 =	vadd.s32 v2, v4;
	v4 =	vadd.s32 v7, v5  }
0x8c: {  	v1 =	vadd.s32 v1, v2;
	v2 =	vshrl.u32 v4, $0x10  }
0x8d: {  	v1 =	vadd.s32 v2, v1  }
0x8e: {  	v1 =	vxor.u32 v4, v1  }
0x8f: {  	v2 =	vxor.u32 v3, v4;
	v1 =	vshll.u32 v1, $0x10  }
0x90: {  	v3 =	vand.u32 $0xFF80, v2;
	v1 =	vand.u32 $0x3F0000, v1  }
0x91: {  	v1 =	vor.u32 v3, v1  }
0x92: {  	s16 =	sor.u32 s16, s19;
	v2 =	vand.u32 $0x7F, v2;
	v1 =	vshll.u32 v1, $0x2  }
0x93: {  	s19 =	sand.u32 $0x270, s16;
	v1 =	vor.u32 v2, v1  }
0x94: {  	s14 =	simm.s32 $0x0;
	[tilespmem:s16+$0x2000] =	vst v1;
	v2 =	vor.u32 $0x80, v1;
	s16 =	sor.u32 s19, s18;
	v3 =	vor.u32 $0x100, v1;
	v1 =	vor.u32 $0x180, v1  }
.LBB2_3:
0x95: {  	s14 =	sadd.s32 $0x4, s14;
	[tilespmem:s16+$0x100] =	vst v3;
	s3 =	sadd.s32 $0x40, s3  }
0x96: {  	s18 =	sshll.u32 s14, $0x5;
	s19 =	sshll.u32 s14, $0x6;
	p0 =	slt.u32 s14, $0x7C;
	[tilespmem:s16+$0x80] =	vst v2  }
0x97: {  	s20 =	sand.u32 $0x40, s3;
	s18 =	sand.u32 $0x3FFFFF00, s18;
	s28 =	sand.u32 $0xFFFFFE00, s19;
	[tilespmem:s16+$0x180] =	vst v1  }
0x98: {  	s19 =	sand.u32 $0x1C00, s19;
	s16 =	sor.u32 s20, s18;
	s25 =	sor.u32 s20, s28  }
0x99: {  	s24 =	sor.u32 $0x10, s20;
	s22 =	sor.u32 $0x20, s20;
	v1 =	vld [tilespmem:s16+$0x0];
	s26 =	sand.u32 $0x240, s25  }
0x9a: {  	s23 =	sor.u32 s28, s24;
	s21 =	sor.u32 s28, s22;
	s20 =	sor.u32 $0x30, s20;
	v2 =	vld [tilespmem:s16+$0x80]  }
0x9b: {  	s16 =	sor.u32 s28, s20;
	_ =	sdelay $0x2  }
0x9c: {  	v1 =	vmul.f32 v1, v0  }
0x9d: {  	v2 =	vmul.f32 v2, v0  }
0x9e: {  	v1 =	vtrunc.f32 v1  }
0x9f: {  	v1 =	vcvt.f32.s32 v1;
	v2 =	vtrunc.f32 v2  }
0xa0: {  	v2 =	vcvt.f32.s32 v2  }
0xa1: {  	v3 =	vmul.u32 $0xCA6B, v1;
	v1 =	vmul.u32 $0x85EB, v1  }
0xa2: {  	v4 =	vmul.u32 $0xAE35, v2;
	v2 =	vmul.u32 $0xC2B2, v2  }
0xa3: {  	v5 =	vshra.s32 v3, $0x10;
	v6 =	vand.u32 $0xFFFF, v1  }
0xa4: {  	v3 =	vand.u32 $0xFFFF, v3;
	v5 =	vadd.s32 v6, v5;
	v6 =	vshrl.u32 v2, $0x10  }
0xa5: {  	v1 =	vshra.s32 v1, $0x10;
	v2 =	vand.u32 $0xFFFE, v2;
	v7 =	vshra.s32 v5, $0x10  }
0xa6: {  	v8 =	vand.u32 $0xFFFF, v4;
	v1 =	vadd.s32 v1, v7;
	v7 =	vshll.u32 v5, $0x3  }
0xa7: {  	v5 =	vand.u32 $0xFFFF, v5;
	v7 =	vand.u32 $0xFFF8, v7;
	v9 =	vshll.u32 v1, $0x3  }
0xa8: {  	v10 =	vshrl.u32 v3, $0xD;
	v11 =	vshrl.u32 v5, $0xD;
	v9 =	vand.u32 $0xFFF8, v9  }
0xa9: {  	v4 =	vshra.s32 v4, $0x10;
	v7 =	vor.u32 v10, v7;
	v9 =	vor.u32 v11, v9  }
0xaa: {  	v2 =	vadd.s32 v2, v4;
	v3 =	vxor.u32 v3, v7;
	v5 =	vxor.u32 v5, v9  }
0xab: {  	v4 =	vand.u32 $0xFFFF, v2;
	v2 =	vshrl.u32 v2, $0x10;
	v3 =	vadd.s32 v8, v3  }
0xac: {  	v2 =	vadd.s32 v6, v2;
	v4 =	vadd.s32 v4, v5;
	v5 =	vshrl.u32 v3, $0x10  }
0xad: {  	v4 =	vadd.s32 v5, v4  }
0xae: {  	v1 =	vadd.s32 v1, v2;
	v2 =	vshrl.u32 v4, $0x10;
	v3 =	vxor.u32 v3, v4  }
0xaf: {  	v1 =	vadd.s32 v2, v1  }
0xb0: {  	v1 =	vxor.u32 v4, v1  }
0xb1: {  	v1 =	vshll.u32 v1, $0x10  }
0xb2: {  	v2 =	vand.u32 $0xFF80, v3;
	v1 =	vand.u32 $0x3F0000, v1  }
0xb3: {  	v1 =	vor.u32 v2, v1  }
0xb4: {  	v2 =	vand.u32 $0x7F, v3;
	v1 =	vshll.u32 v1, $0x2  }
0xb5: {  	s19 =	sor.u32 $0x2000, s19;
	v1 =	vor.u32 v2, v1  }
0xb6: {  	v2 =	vor.u32 $0x80, v1;
	v3 =	vor.u32 $0x100, v1;
	[tilespmem:s25+$0x2000] =	vst v1;
	s25 =	sor.u32 s26, s19;
	v1 =	vor.u32 $0x180, v1  }
0xb7: {  	[tilespmem:s25+$0x80] =	vst v2  }
0xb8: {  	[tilespmem:s25+$0x100] =	vst v3;
	_ =	sdelay $0x2  }
0xb9: {  	s24 =	sor.u32 s24, s18;
	[tilespmem:s25+$0x180] =	vst v1  }
0xba: {  	v1 =	vld [tilespmem:s24+$0x0]  }
0xbb: {  	v2 =	vld [tilespmem:s24+$0x80];
	_ =	sdelay $0x3  }
0xbc: {  	v1 =	vmul.f32 v1, v0  }
0xbd: {  	v2 =	vmul.f32 v2, v0  }
0xbe: {  	v1 =	vtrunc.f32 v1  }
0xbf: {  	v1 =	vcvt.f32.s32 v1;
	v2 =	vtrunc.f32 v2  }
0xc0: {  	v2 =	vcvt.f32.s32 v2  }
0xc1: {  	v3 =	vmul.u32 $0xCA6B, v1;
	v1 =	vmul.u32 $0x85EB, v1  }
0xc2: {  	v4 =	vmul.u32 $0xAE35, v2;
	v2 =	vmul.u32 $0xC2B2, v2  }
0xc3: {  	v5 =	vand.u32 $0xFFFF, v3;
	v3 =	vshra.s32 v3, $0x10;
	v6 =	vand.u32 $0xFFFF, v1  }
0xc4: {  	v3 =	vadd.s32 v6, v3;
	v6 =	vshrl.u32 v5, $0xD;
	v7 =	vand.u32 $0xFFFF, v4  }
0xc5: {  	v1 =	vshra.s32 v1, $0x10;
	v9 =	vand.u32 $0xFFFE, v2;
	v8 =	vshra.s32 v3, $0x10  }
0xc6: {  	v1 =	vadd.s32 v1, v8;
	v8 =	vshll.u32 v3, $0x3  }
0xc7: {  	v3 =	vand.u32 $0xFFFF, v3;
	v8 =	vand.u32 $0xFFF8, v8;
	v10 =	vshll.u32 v1, $0x3  }
0xc8: {  	v4 =	vshra.s32 v4, $0x10;
	v11 =	vshrl.u32 v3, $0xD;
	v10 =	vand.u32 $0xFFF8, v10  }
0xc9: {  	v2 =	vshrl.u32 v2, $0x10;
	v4 =	vadd.s32 v9, v4;
	v10 =	vor.u32 v11, v10  }
0xca: {  	v9 =	vand.u32 $0xFFFF, v4;
	v4 =	vshrl.u32 v4, $0x10;
	v3 =	vxor.u32 v3, v10  }
0xcb: {  	v2 =	vadd.s32 v2, v4;
	v6 =	vor.u32 v6, v8;
	v3 =	vadd.s32 v9, v3  }
0xcc: {  	v1 =	vadd.s32 v1, v2;
	v4 =	vxor.u32 v5, v6  }
0xcd: {  	v2 =	vadd.s32 v7, v4  }
0xce: {  	v4 =	vshrl.u32 v2, $0x10  }
0xcf: {  	v3 =	vadd.s32 v4, v3  }
0xd0: {  	v4 =	vshrl.u32 v3, $0x10;
	v2 =	vxor.u32 v2, v3  }
0xd1: {  	v1 =	vadd.s32 v4, v1  }
0xd2: {  	v1 =	vxor.u32 v3, v1  }
0xd3: {  	v1 =	vshll.u32 v1, $0x10  }
0xd4: {  	v3 =	vand.u32 $0xFF80, v2;
	v1 =	vand.u32 $0x3F0000, v1  }
0xd5: {  	v1 =	vor.u32 v3, v1  }
0xd6: {  	v2 =	vand.u32 $0x7F, v2;
	v1 =	vshll.u32 v1, $0x2  }
0xd7: {  	s24 =	sand.u32 $0x250, s23;
	v1 =	vor.u32 v2, v1  }
0xd8: {  	v2 =	vor.u32 $0x80, v1;
	v3 =	vor.u32 $0x100, v1;
	[tilespmem:s23+$0x2000] =	vst v1;
	s23 =	sor.u32 s24, s19;
	v1 =	vor.u32 $0x180, v1  }
0xd9: {  	[tilespmem:s23+$0x100] =	vst v3  }
0xda: {  	[tilespmem:s23+$0x80] =	vst v2  }
0xdb: {  	s22 =	sor.u32 s22, s18;
	[tilespmem:s23+$0x180] =	vst v1  }
0xdc: {  	v1 =	vld [tilespmem:s22+$0x0]  }
0xdd: {  	v2 =	vld [tilespmem:s22+$0x80];
	_ =	sdelay $0x3  }
0xde: {  	v1 =	vmul.f32 v1, v0  }
0xdf: {  	v2 =	vmul.f32 v2, v0  }
0xe0: {  	v1 =	vtrunc.f32 v1  }
0xe1: {  	v1 =	vcvt.f32.s32 v1;
	v2 =	vtrunc.f32 v2  }
0xe2: {  	v2 =	vcvt.f32.s32 v2  }
0xe3: {  	v3 =	vmul.u32 $0xCA6B, v1;
	v1 =	vmul.u32 $0x85EB, v1  }
0xe4: {  	v4 =	vmul.u32 $0xAE35, v2;
	v2 =	vmul.u32 $0xC2B2, v2  }
0xe5: {  	v5 =	vand.u32 $0xFFFF, v3;
	v3 =	vshra.s32 v3, $0x10;
	v6 =	vand.u32 $0xFFFF, v1  }
0xe6: {  	v3 =	vadd.s32 v6, v3;
	v6 =	vshrl.u32 v5, $0xD;
	v7 =	vand.u32 $0xFFFF, v4  }
0xe7: {  	v8 =	vand.u32 $0xFFFF, v3;
	v9 =	vshra.s32 v3, $0x10;
	v3 =	vshll.u32 v3, $0x3  }
0xe8: {  	v1 =	vshra.s32 v1, $0x10;
	v10 =	vshrl.u32 v2, $0x10;
	v3 =	vand.u32 $0xFFF8, v3  }
0xe9: {  	v2 =	vand.u32 $0xFFFE, v2;
	v1 =	vadd.s32 v1, v9;
	v3 =	vor.u32 v6, v3  }
0xea: {  	v4 =	vshra.s32 v4, $0x10;
	v3 =	vxor.u32 v5, v3;
	v5 =	vshrl.u32 v8, $0xD  }
0xeb: {  	v2 =	vadd.s32 v2, v4;
	v6 =	vshll.u32 v1, $0x3;
	v3 =	vadd.s32 v7, v3  }
0xec: {  	v4 =	vand.u32 $0xFFF8, v6;
	v6 =	vand.u32 $0xFFFF, v2;
	v2 =	vshrl.u32 v2, $0x10  }
0xed: {  	v4 =	vor.u32 v5, v4;
	v2 =	vadd.s32 v10, v2;
	v5 =	vshrl.u32 v3, $0x10  }
0xee: {  	v4 =	vxor.u32 v8, v4;
	v1 =	vadd.s32 v1, v2  }
0xef: {  	v2 =	vadd.s32 v6, v4  }
0xf0: {  	v2 =	vadd.s32 v5, v2  }
0xf1: {  	v4 =	vshrl.u32 v2, $0x10;
	v3 =	vxor.u32 v3, v2  }
0xf2: {  	v1 =	vadd.s32 v4, v1  }
0xf3: {  	v1 =	vxor.u32 v2, v1  }
0xf4: {  	v1 =	vshll.u32 v1, $0x10  }
0xf5: {  	v2 =	vand.u32 $0xFF80, v3;
	v1 =	vand.u32 $0x3F0000, v1  }
0xf6: {  	v1 =	vor.u32 v2, v1  }
0xf7: {  	v2 =	vand.u32 $0x7F, v3;
	v1 =	vshll.u32 v1, $0x2  }
0xf8: {  	s22 =	sand.u32 $0x260, s21;
	v1 =	vor.u32 v2, v1  }
0xf9: {  	v2 =	vor.u32 $0x80, v1;
	v3 =	vor.u32 $0x100, v1;
	[tilespmem:s21+$0x2000] =	vst v1;
	s21 =	sor.u32 s22, s19;
	v1 =	vor.u32 $0x180, v1  }
0xfa: {  	[tilespmem:s21+$0x80] =	vst v2  }
0xfb: {  	[tilespmem:s21+$0x100] =	vst v3  }
0xfc: {  	s18 =	sor.u32 s20, s18;
	[tilespmem:s21+$0x180] =	vst v1  }
0xfd: {  	v1 =	vld [tilespmem:s18+$0x0]  }
0xfe: {  	v2 =	vld [tilespmem:s18+$0x80];
	_ =	sdelay $0x3  }
0xff: {  	v1 =	vmul.f32 v1, v0  }
0x100: {  	v2 =	vmul.f32 v2, v0  }
0x101: {  	v1 =	vtrunc.f32 v1  }
0x102: {  	v1 =	vcvt.f32.s32 v1;
	v2 =	vtrunc.f32 v2  }
0x103: {  	v2 =	vcvt.f32.s32 v2  }
0x104: {  	v3 =	vmul.u32 $0xCA6B, v1;
	v1 =	vmul.u32 $0x85EB, v1  }
0x105: {  	v4 =	vmul.u32 $0xAE35, v2;
	v2 =	vmul.u32 $0xC2B2, v2  }
0x106: {  	v5 =	vand.u32 $0xFFFF, v3;
	v3 =	vshra.s32 v3, $0x10;
	v6 =	vand.u32 $0xFFFF, v1  }
0x107: {  	v1 =	vshra.s32 v1, $0x10;
	v3 =	vadd.s32 v6, v3;
	v6 =	vshrl.u32 v5, $0xD  }
0x108: {  	v7 =	vand.u32 $0xFFFF, v3;
	v8 =	vshra.s32 v3, $0x10;
	v3 =	vshll.u32 v3, $0x3  }
0x109: {  	v1 =	vadd.s32 v1, v8;
	v3 =	vand.u32 $0xFFF8, v3;
	v8 =	vshrl.u32 v7, $0xD  }
0x10a: {  	v9 =	vand.u32 $0xFFFE, v2;
	v3 =	vor.u32 v6, v3;
	v6 =	vshll.u32 v1, $0x3  }
0x10b: {  	v3 =	vxor.u32 v5, v3;
	v5 =	vand.u32 $0xFFF8, v6;
	v6 =	vand.u32 $0xFFFF, v4  }
0x10c: {  	v4 =	vshra.s32 v4, $0x10;
	v5 =	vor.u32 v8, v5;
	v3 =	vadd.s32 v6, v3  }
0x10d: {  	v4 =	vadd.s32 v9, v4;
	v5 =	vxor.u32 v7, v5  }
0x10e: {  	v6 =	vand.u32 $0xFFFF, v4;
	v4 =	vshrl.u32 v4, $0x10;
	v7 =	vshrl.u32 v3, $0x10  }
0x10f: {  	v2 =	vshrl.u32 v2, $0x10;
	v5 =	vadd.s32 v6, v5  }
0x110: {  	v2 =	vadd.s32 v2, v4;
	v4 =	vadd.s32 v7, v5  }
0x111: {  	v1 =	vadd.s32 v1, v2;
	v2 =	vshrl.u32 v4, $0x10;
	v3 =	vxor.u32 v3, v4  }
0x112: {  	v1 =	vadd.s32 v2, v1  }
0x113: {  	v1 =	vxor.u32 v4, v1  }
0x114: {  	v1 =	vshll.u32 v1, $0x10  }
.Ltmp0:
0x115: {  	v2 =	vand.u32 $0xFF80, v3;
	v1 =	vand.u32 $0x3F0000, v1;
	(pc) =	sbr.rel @p0 .LBB2_3-.Ltmp0, $4  }
0x116: {  	v1 =	vor.u32 v2, v1  }
0x117: {  	v2 =	vand.u32 $0x7F, v3;
	v1 =	vshll.u32 v1, $0x2  }
0x118: {  	s18 =	sand.u32 $0x270, s16;
	v1 =	vor.u32 v2, v1  }
0x119: {  	v2 =	vor.u32 $0x80, v1;
	v3 =	vor.u32 $0x100, v1;
	[tilespmem:s16+$0x2000] =	vst v1;
	s16 =	sor.u32 s18, s19;
	v1 =	vor.u32 $0x180, v1  }
0x11a: {  	[tilespmem:s16+$0x100] =	vst v3  }
0x11b: {  	[tilespmem:s16+$0x80] =	vst v2;
	p0 =	seq.s32 s12, $0x0  }
0x11c: {  	[tilespmem:s16+$0x180] =	vst v1;
	s3 =	simm.s32 @p0 $0x400;
	s14 =	simm.s32 @p0 $0x2000;
	s16 =	simm.s32 @p0 $0x6000  }
0x11d: {  	[tilespmem:s16], [sflag:$0x1] =	stream.indirect.gather @p0 [hbm4b:s2+s3], $0x1, s14, s3, $0xb8;
	[tilespmem:$0xA000] =	vst v63  }
0x11e: {  	s14 =	simm.s32 @p0 $0x2400;
	s16 =	simm.s32 @p0 $0x6400  }
0x11f: {  	[tilespmem:s16], [sflag:$0x1] =	stream.indirect.gather @p0 [hbm4b:s2+s3], $0x1, s14, s3, $0xb8;
	[tilespmem:$0xA000] =	vst v63  }
0x120: {  	s14 =	simm.s32 @p0 $0x2800;
	s16 =	simm.s32 @p0 $0x6800  }
0x121: {  	[tilespmem:s16], [sflag:$0x1] =	stream.indirect.gather @p0 [hbm4b:s2+s3], $0x1, s14, s3, $0xb8;
	[tilespmem:$0xA000] =	vst v63  }
0x122: {  	s14 =	simm.s32 @p0 $0x2C00;
	s16 =	simm.s32 @p0 $0x6C00  }
0x123: {  	[tilespmem:s16], [sflag:$0x1] =	stream.indirect.gather @p0 [hbm4b:s2+s3], $0x1, s14, s3, $0xb8;
	[tilespmem:$0xA000] =	vst v63  }
0x124: {  	s14 =	simm.s32 @p0 $0x3000;
	s16 =	simm.s32 @p0 $0x7000  }
0x125: {  	[tilespmem:s16], [sflag:$0x1] =	stream.indirect.gather @p0 [hbm4b:s2+s3], $0x1, s14, s3, $0xb8;
	[tilespmem:$0xA000] =	vst v63  }
0x126: {  	s14 =	simm.s32 @p0 $0x3400;
	s16 =	simm.s32 @p0 $0x7400  }
0x127: {  	[tilespmem:s16], [sflag:$0x1] =	stream.indirect.gather @p0 [hbm4b:s2+s3], $0x1, s14, s3, $0xb8;
	[tilespmem:$0xA000] =	vst v63  }
0x128: {  	s14 =	simm.s32 @p0 $0x3800;
	s16 =	simm.s32 @p0 $0x7800  }
0x129: {  	[tilespmem:s16], [sflag:$0x1] =	stream.indirect.gather @p0 [hbm4b:s2+s3], $0x1, s14, s3, $0xb8;
	[tilespmem:$0xA000] =	vst v63  }
0x12a: {  	s14 =	simm.s32 @p0 $0x3C00;
	s16 =	simm.s32 @p0 $0x7C00  }
0x12b: {  	[tilespmem:s16], [sflag:$0x1] =	stream.indirect.gather @p0 [hbm4b:s2+s3], $0x1, s14, s3, $0xb8;
	[tilespmem:$0xA000] =	vst v63  }
0x12c: {  	s3 =	simm.s32 @!p0 $0x3  }
0x12d: {  	_ =	swait.ge @!p0 [sflag:s3], $0x2000  }
0x12e: {  	s14 =	simm.s32 @!p0 $0x2000;
	[sflag:s3] =	ssyncset.done @!p0 $0x0  }
0x12f: {  	s16 =	simm.s32 @!p0 $0x6000;
	[sflag:s3] =	ssyncadd.s32 @!p0 $0xFFFFE000;
	s3 =	simm.s32 @!p0 $0x400  }
0x130: {  	[tilespmem:s16], [sflag:$0x1] =	stream.indirect.gather @!p0 [hbm4b:s2+s3], $0x1, s14, s3, $0xb8;
	[tilespmem:$0xA000] =	vst v63  }
0x131: {  	s14 =	simm.s32 @!p0 $0x2400;
	s16 =	simm.s32 @!p0 $0x6400  }
0x132: {  	[tilespmem:s16], [sflag:$0x1] =	stream.indirect.gather @!p0 [hbm4b:s2+s3], $0x1, s14, s3, $0xb8;
	[tilespmem:$0xA000] =	vst v63  }
0x133: {  	s14 =	simm.s32 @!p0 $0x2800;
	s16 =	simm.s32 @!p0 $0x6800  }
0x134: {  	[tilespmem:s16], [sflag:$0x1] =	stream.indirect.gather @!p0 [hbm4b:s2+s3], $0x1, s14, s3, $0xb8;
	[tilespmem:$0xA000] =	vst v63  }
0x135: {  	s14 =	simm.s32 @!p0 $0x2C00;
	s16 =	simm.s32 @!p0 $0x6C00  }
0x136: {  	[tilespmem:s16], [sflag:$0x1] =	stream.indirect.gather @!p0 [hbm4b:s2+s3], $0x1, s14, s3, $0xb8;
	[tilespmem:$0xA000] =	vst v63  }
0x137: {  	s14 =	simm.s32 @!p0 $0x3000;
	s16 =	simm.s32 @!p0 $0x7000  }
0x138: {  	[tilespmem:s16], [sflag:$0x1] =	stream.indirect.gather @!p0 [hbm4b:s2+s3], $0x1, s14, s3, $0xb8;
	[tilespmem:$0xA000] =	vst v63  }
0x139: {  	s14 =	simm.s32 @!p0 $0x3400;
	s16 =	simm.s32 @!p0 $0x7400  }
0x13a: {  	[tilespmem:s16], [sflag:$0x1] =	stream.indirect.gather @!p0 [hbm4b:s2+s3], $0x1, s14, s3, $0xb8;
	[tilespmem:$0xA000] =	vst v63  }
0x13b: {  	s14 =	simm.s32 @!p0 $0x3800;
	s16 =	simm.s32 @!p0 $0x7800  }
0x13c: {  	[tilespmem:s16], [sflag:$0x1] =	stream.indirect.gather @!p0 [hbm4b:s2+s3], $0x1, s14, s3, $0xb8;
	[tilespmem:$0xA000] =	vst v63  }
0x13d: {  	s14 =	simm.s32 @!p0 $0x3C00;
	s16 =	simm.s32 @!p0 $0x7C00  }
0x13e: {  	[tilespmem:s16], [sflag:$0x1] =	stream.indirect.gather @!p0 [hbm4b:s2+s3], $0x1, s14, s3, $0xb8;
	[tilespmem:$0xA000] =	vst v63  }
0x13f: {  	s3 =	simm.s32 @!p0 $0x2  }
0x140: {  	_ =	swait.ge @!p0 [sflag:s3], $0x400  }
0x141: {  	[sflag:s3] =	ssyncset.done @!p0 $0x0  }
0x142: {  	[sflag:s3] =	ssyncadd.s32 @!p0 $0xFFFFFC00  }
0x143: {  	_ =	swait.ge @!p0 [sflag:s3], $0x400  }
0x144: {  	[sflag:s3] =	ssyncset.done @!p0 $0x0  }
0x145: {  	[sflag:s3] =	ssyncadd.s32 @!p0 $0xFFFFFC00  }
0x146: {  	_ =	swait.ge @!p0 [sflag:s3], $0x400  }
0x147: {  	[sflag:s3] =	ssyncset.done @!p0 $0x0  }
0x148: {  	[sflag:s3] =	ssyncadd.s32 @!p0 $0xFFFFFC00  }
0x149: {  	_ =	swait.ge @!p0 [sflag:s3], $0x400  }
0x14a: {  	[sflag:s3] =	ssyncset.done @!p0 $0x0  }
0x14b: {  	[sflag:s3] =	ssyncadd.s32 @!p0 $0xFFFFFC00  }
0x14c: {  	_ =	swait.ge @!p0 [sflag:s3], $0x400  }
0x14d: {  	[sflag:s3] =	ssyncset.done @!p0 $0x0  }
0x14e: {  	[sflag:s3] =	ssyncadd.s32 @!p0 $0xFFFFFC00  }
0x14f: {  	_ =	swait.ge @!p0 [sflag:s3], $0x400  }
0x150: {  	[sflag:s3] =	ssyncset.done @!p0 $0x0  }
0x151: {  	[sflag:s3] =	ssyncadd.s32 @!p0 $0xFFFFFC00  }
0x152: {  	_ =	swait.ge @!p0 [sflag:s3], $0x400  }
0x153: {  	[sflag:s3] =	ssyncset.done @!p0 $0x0  }
0x154: {  	[sflag:s3] =	ssyncadd.s32 @!p0 $0xFFFFFC00  }
0x155: {  	_ =	swait.ge @!p0 [sflag:s3], $0x400  }
0x156: {  	s14 =	sadd.s32 @!p0 s11, s8;
	[sflag:s3] =	ssyncset.done @!p0 $0x0  }
0x157: {  	s14 =	sshrl.u32 @!p0 s14, $0x1;
	[sflag:s3] =	ssyncadd.s32 @!p0 $0xFFFFFC00  }
0x158: {  	p1 =	sgt.u32 s12, $0x6;
	s3 =	sand.u32 @!p0 $0x1FFFFC00, s14;
	s14 =	rddreg [dreg:$0x2]  }
0x159: {  	s16 =	simm.s32 @!p0 $0x8000;
	s3 =	sadd.s32 @!p0 s14, s3;
	s14 =	simm.s32 @!p0 $0x0  }
0x15a: {  	[hbm4b:s3+s14] =	stream.linear.scatter @!p0 [tilespmem:s16], [sflag:$0x3], $0x2000, $0x38;
	[tilespmem:$0xA000] =	vst v63  }
0x15b: {  	s3 =	sadd.s32 @!p1 s11, s10;
	_ =	swait.ge [sflag:s13], $0x1000  }
0x15c: {  	s3 =	sshrl.u32 @!p1 s3, $0x2;
	[sflag:s13] =	ssyncset.done $0x0  }
0x15d: {  	s11 =	simm.s32 @!p1 $0x0;
	s3 =	sadd.s32 @!p1 s1, s3;
	[sflag:s13] =	ssyncadd.s32 $0xFFFFF000  }
0x15e: {  	[tilespmem:s11], [sflag:$0x4] =	stream.linear.gather @!p1 [hbm4b:s3+s11], $0x1000, $0x38;
	[tilespmem:$0xA000] =	vst v63  }
0x15f: {  	s24 =	simm.s32 $0x0;
	s3 =	simm.s32 $0x0  }
0x160: {  	s21 =	sand.u32 $0x3FFFFF00, s24;
	s20 =	sand.u32 $0x40, s3  }
0x161: {  	s11 =	sor.u32 s20, s21  }
0x162: {  	v1 =	vld [tilespmem:s11+$0x1080]  }
0x163: {  	v2 =	vld [tilespmem:s11+$0x1000];
	_ =	sdelay $0x3  }
0x164: {  	v1 =	vmul.f32 v1, v0  }
0x165: {  	v2 =	vmul.f32 v2, v0  }
0x166: {  	v1 =	vtrunc.f32 v1  }
0x167: {  	v2 =	vtrunc.f32 v2;
	v1 =	vcvt.f32.s32 v1  }
0x168: {  	v2 =	vcvt.f32.s32 v2  }
0x169: {  	v3 =	vmul.u32 $0xAE35, v1  }
0x16a: {  	v1 =	vmul.u32 $0xC2B2, v1;
	v4 =	vmul.u32 $0xCA6B, v2;
	v2 =	vmul.u32 $0x85EB, v2  }
0x16b: {  	v5 =	vshra.s32 v3, $0x10  }
0x16c: {  	v6 =	vand.u32 $0xFFFE, v1;
	v7 =	vshra.s32 v4, $0x10;
	v8 =	vand.u32 $0xFFFF, v2  }
0x16d: {  	v1 =	vshrl.u32 v1, $0x10;
	v4 =	vand.u32 $0xFFFF, v4;
	v7 =	vadd.s32 v8, v7  }
0x16e: {  	v2 =	vshra.s32 v2, $0x10;
	v8 =	vshrl.u32 v4, $0xD;
	v9 =	vshra.s32 v7, $0x10  }
0x16f: {  	v5 =	vadd.s32 v6, v5;
	v6 =	vshll.u32 v7, $0x3;
	v2 =	vadd.s32 v2, v9  }
0x170: {  	v7 =	vand.u32 $0xFFFF, v7;
	v6 =	vand.u32 $0xFFF8, v6;
	v9 =	vshll.u32 v2, $0x3  }
0x171: {  	v6 =	vor.u32 v8, v6;
	v8 =	vshrl.u32 v7, $0xD;
	v9 =	vand.u32 $0xFFF8, v9  }
0x172: {  	v3 =	vand.u32 $0xFFFF, v3;
	v4 =	vxor.u32 v4, v6;
	v6 =	vor.u32 v8, v9  }
0x173: {  	v3 =	vadd.s32 v3, v4;
	v6 =	vxor.u32 v7, v6;
	v7 =	vand.u32 $0xFFFF, v5  }
0x174: {  	v4 =	vshrl.u32 v5, $0x10;
	v5 =	vadd.s32 v7, v6;
	v6 =	vshrl.u32 v3, $0x10  }
0x175: {  	v1 =	vadd.s32 v1, v4;
	v4 =	vadd.s32 v6, v5  }
0x176: {  	v1 =	vadd.s32 v2, v1;
	v2 =	vshrl.u32 v4, $0x10  }
0x177: {  	v1 =	vadd.s32 v2, v1  }
0x178: {  	v1 =	vxor.u32 v4, v1  }
0x179: {  	v2 =	vxor.u32 v3, v4;
	v1 =	vshll.u32 v1, $0x10  }
0x17a: {  	s25 =	simm.s32 $0x0;
	v3 =	vand.u32 $0xFF80, v2;
	v1 =	vand.u32 $0x3F0000, v1  }
0x17b: {  	s19 =	sand.u32 $0x1C00, s25;
	s11 =	sand.u32 $0x200, s25;
	v1 =	vor.u32 v3, v1  }
0x17c: {  	s14 =	sor.u32 $0x4000, s19;
	s22 =	sor.u32 s20, s11;
	v2 =	vand.u32 $0x7F, v2;
	v1 =	vshll.u32 v1, $0x2  }
0x17d: {  	s16 =	sor.u32 $0x4080, s19;
	s18 =	sor.u32 s22, s14;
	v1 =	vor.u32 v2, v1  }
0x17e: {  	s23 =	sor.u32 s22, s16;
	[tilespmem:s18+$0x0] =	vst v1;
	v2 =	vor.u32 $0x80, v1;
	s18 =	sor.u32 $0x4100, s19  }
0x17f: {  	s19 =	sor.u32 $0x4180, s19;
	[tilespmem:s23+$0x0] =	vst v2;
	v2 =	vor.u32 $0x100, v1;
	s26 =	sor.u32 s22, s18  }
0x180: {  	s24 =	sor.u32 $0x10, s20;
	v1 =	vor.u32 $0x180, v1;
	s22 =	sor.u32 s22, s19;
	[tilespmem:s26+$0x0] =	vst v2  }
0x181: {  	s28 =	sor.u32 s24, s21;
	[tilespmem:s22+$0x0] =	vst v1  }
0x182: {  	v1 =	vld [tilespmem:s28+$0x1000];
	_ =	sdelay $0x1  }
0x183: {  	v2 =	vld [tilespmem:s28+$0x1080];
	_ =	sdelay $0x2  }
0x184: {  	v1 =	vmul.f32 v1, v0;
	_ =	sdelay $0x1  }
0x185: {  	v2 =	vmul.f32 v2, v0;
	v1 =	vtrunc.f32 v1  }
0x186: {  	v1 =	vcvt.f32.s32 v1  }
0x187: {  	v2 =	vtrunc.f32 v2  }
0x188: {  	v2 =	vcvt.f32.s32 v2;
	v3 =	vmul.u32 $0xCA6B, v1  }
0x189: {  	v1 =	vmul.u32 $0x85EB, v1  }
0x18a: {  	v4 =	vmul.u32 $0xAE35, v2;
	v2 =	vmul.u32 $0xC2B2, v2;
	v5 =	vshra.s32 v3, $0x10  }
0x18b: {  	v6 =	vand.u32 $0xFFFF, v1;
	v3 =	vand.u32 $0xFFFF, v3;
	v1 =	vshra.s32 v1, $0x10  }
0x18c: {  	v8 =	vand.u32 $0xFFFE, v2;
	v5 =	vadd.s32 v6, v5;
	v6 =	vshra.s32 v4, $0x10  }
0x18d: {  	v4 =	vand.u32 $0xFFFF, v4;
	v7 =	vshra.s32 v5, $0x10;
	v9 =	vshll.u32 v5, $0x3  }
0x18e: {  	v5 =	vand.u32 $0xFFFF, v5;
	v6 =	vadd.s32 v8, v6;
	v1 =	vadd.s32 v1, v7  }
0x18f: {  	v8 =	vshrl.u32 v3, $0xD;
	v7 =	vand.u32 $0xFFF8, v9;
	v9 =	vshll.u32 v1, $0x3  }
0x190: {  	v10 =	vshrl.u32 v5, $0xD;
	v7 =	vor.u32 v8, v7;
	v9 =	vand.u32 $0xFFF8, v9  }
0x191: {  	v8 =	vshrl.u32 v6, $0x10;
	v3 =	vxor.u32 v3, v7;
	v9 =	vor.u32 v10, v9  }
0x192: {  	v6 =	vand.u32 $0xFFFF, v6;
	v3 =	vadd.s32 v4, v3;
	v5 =	vxor.u32 v5, v9  }
0x193: {  	v2 =	vshrl.u32 v2, $0x10;
	v4 =	vadd.s32 v6, v5;
	v5 =	vshrl.u32 v3, $0x10  }
0x194: {  	v2 =	vadd.s32 v2, v8;
	v4 =	vadd.s32 v5, v4  }
0x195: {  	v1 =	vadd.s32 v1, v2;
	v2 =	vshrl.u32 v4, $0x10  }
0x196: {  	v1 =	vadd.s32 v2, v1  }
0x197: {  	v1 =	vxor.u32 v4, v1  }
0x198: {  	v2 =	vxor.u32 v3, v4;
	v1 =	vshll.u32 v1, $0x10  }
0x199: {  	v3 =	vand.u32 $0xFF80, v2;
	v1 =	vand.u32 $0x3F0000, v1  }
0x19a: {  	v1 =	vor.u32 v3, v1  }
0x19b: {  	s29 =	sor.u32 s24, s11;
	v2 =	vand.u32 $0x7F, v2;
	v1 =	vshll.u32 v1, $0x2  }
0x19c: {  	s30 =	sor.u32 s29, s14;
	v1 =	vor.u32 v2, v1  }
0x19d: {  	s31 =	sor.u32 s29, s16;
	[tilespmem:s30+$0x0] =	vst v1;
	v2 =	vor.u32 $0x80, v1  }
0x19e: {  	s24 =	sor.u32 s29, s18;
	[tilespmem:s31+$0x0] =	vst v2;
	v2 =	vor.u32 $0x100, v1  }
0x19f: {  	s25 =	sor.u32 $0x20, s20;
	s22 =	sor.u32 s29, s19;
	v1 =	vor.u32 $0x180, v1;
	[tilespmem:s24+$0x0] =	vst v2  }
0x1a0: {  	s26 =	sor.u32 s25, s21;
	[tilespmem:s22+$0x0] =	vst v1  }
0x1a1: {  	v1 =	vld [tilespmem:s26+$0x1000]  }
0x1a2: {  	v2 =	vld [tilespmem:s26+$0x1080];
	_ =	sdelay $0x3  }
0x1a3: {  	v1 =	vmul.f32 v1, v0  }
0x1a4: {  	v2 =	vmul.f32 v2, v0  }
0x1a5: {  	v1 =	vtrunc.f32 v1  }
0x1a6: {  	v2 =	vtrunc.f32 v2;
	v1 =	vcvt.f32.s32 v1  }
0x1a7: {  	v2 =	vcvt.f32.s32 v2  }
0x1a8: {  	v3 =	vmul.u32 $0xCA6B, v1  }
0x1a9: {  	v1 =	vmul.u32 $0x85EB, v1;
	v4 =	vmul.u32 $0xAE35, v2  }
0x1aa: {  	v2 =	vmul.u32 $0xC2B2, v2;
	v5 =	vshra.s32 v3, $0x10  }
0x1ab: {  	v6 =	vand.u32 $0xFFFF, v1;
	v3 =	vand.u32 $0xFFFF, v3;
	v7 =	vshra.s32 v4, $0x10  }
0x1ac: {  	v1 =	vshra.s32 v1, $0x10;
	v4 =	vand.u32 $0xFFFF, v4;
	v5 =	vadd.s32 v6, v5  }
0x1ad: {  	v6 =	vshrl.u32 v3, $0xD;
	v8 =	vshll.u32 v5, $0x3;
	v9 =	vshra.s32 v5, $0x10  }
0x1ae: {  	v5 =	vand.u32 $0xFFFF, v5;
	v8 =	vand.u32 $0xFFF8, v8;
	v1 =	vadd.s32 v1, v9  }
0x1af: {  	v9 =	vand.u32 $0xFFFE, v2;
	v6 =	vor.u32 v6, v8;
	v8 =	vshll.u32 v1, $0x3  }
0x1b0: {  	v3 =	vxor.u32 v3, v6;
	v6 =	vshrl.u32 v5, $0xD;
	v8 =	vand.u32 $0xFFF8, v8  }
0x1b1: {  	v6 =	vor.u32 v6, v8;
	v3 =	vadd.s32 v4, v3;
	v4 =	vadd.s32 v9, v7  }
0x1b2: {  	v2 =	vshrl.u32 v2, $0x10;
	v5 =	vxor.u32 v5, v6;
	v6 =	vand.u32 $0xFFFF, v4  }
0x1b3: {  	v4 =	vshrl.u32 v4, $0x10;
	v7 =	vshrl.u32 v3, $0x10;
	v5 =	vadd.s32 v6, v5  }
0x1b4: {  	v2 =	vadd.s32 v2, v4;
	v4 =	vadd.s32 v7, v5  }
0x1b5: {  	v1 =	vadd.s32 v1, v2;
	v2 =	vshrl.u32 v4, $0x10  }
0x1b6: {  	v1 =	vadd.s32 v2, v1  }
0x1b7: {  	v1 =	vxor.u32 v4, v1  }
0x1b8: {  	v2 =	vxor.u32 v3, v4;
	v1 =	vshll.u32 v1, $0x10  }
0x1b9: {  	v3 =	vand.u32 $0xFF80, v2;
	v1 =	vand.u32 $0x3F0000, v1  }
0x1ba: {  	v1 =	vor.u32 v3, v1  }
0x1bb: {  	s28 =	sor.u32 s25, s11;
	v2 =	vand.u32 $0x7F, v2;
	v1 =	vshll.u32 v1, $0x2  }
0x1bc: {  	s29 =	sor.u32 s28, s14;
	v1 =	vor.u32 v2, v1  }
0x1bd: {  	s30 =	sor.u32 s28, s16;
	[tilespmem:s29+$0x0] =	vst v1;
	v2 =	vor.u32 $0x80, v1  }
0x1be: {  	s31 =	sor.u32 s28, s18;
	[tilespmem:s30+$0x0] =	vst v2;
	v2 =	vor.u32 $0x100, v1  }
0x1bf: {  	s20 =	sor.u32 $0x30, s20;
	s22 =	sor.u32 s28, s19;
	v1 =	vor.u32 $0x180, v1;
	[tilespmem:s31+$0x0] =	vst v2  }
0x1c0: {  	s21 =	sor.u32 s20, s21;
	[tilespmem:s22+$0x0] =	vst v1  }
0x1c1: {  	v1 =	vld [tilespmem:s21+$0x1000]  }
0x1c2: {  	v2 =	vld [tilespmem:s21+$0x1080];
	_ =	sdelay $0x3  }
0x1c3: {  	v1 =	vmul.f32 v1, v0  }
0x1c4: {  	v2 =	vmul.f32 v2, v0  }
0x1c5: {  	v1 =	vtrunc.f32 v1  }
0x1c6: {  	v2 =	vtrunc.f32 v2;
	v1 =	vcvt.f32.s32 v1  }
0x1c7: {  	v3 =	vcvt.f32.s32 v2  }
0x1c8: {  	v5 =	vmul.u32 $0xCA6B, v1;
	v1 =	vmul.u32 $0x85EB, v1  }
0x1c9: {  	v2 =	vmul.u32 $0xAE35, v3  }
0x1ca: {  	v4 =	vmul.u32 $0xC2B2, v3;
	v6 =	vshra.s32 v5, $0x10;
	v7 =	vand.u32 $0xFFFF, v1  }
0x1cb: {  	v3 =	vand.u32 $0xFFFF, v5;
	v5 =	vshra.s32 v2, $0x10;
	v6 =	vadd.s32 v7, v6  }
0x1cc: {  	v1 =	vshra.s32 v1, $0x10;
	v10 =	vand.u32 $0xFFFE, v4;
	v8 =	vshra.s32 v6, $0x10  }
0x1cd: {  	v7 =	vshrl.u32 v3, $0xD;
	v1 =	vadd.s32 v1, v8;
	v8 =	vshll.u32 v6, $0x3  }
0x1ce: {  	s21 =	simm.s32 $0x0;
	v5 =	vadd.s32 v10, v5;
	v9 =	vand.u32 $0xFFF8, v8;
	v8 =	vshll.u32 v1, $0x3  }
.LBB2_5:
0x1cf: {  	s21 =	sadd.s32 $0x4, s21;
	s3 =	sadd.s32 $0x40, s3  }
0x1d0: {  	v6 =	vand.u32 $0xFFFF, v6;
	v4 =	vshrl.u32 v4, $0x10;
	s22 =	sshll.u32 s21, $0x5;
	s23 =	sshll.u32 s21, $0x6;
	p1 =	slt.u32 s21, $0x7C  }
0x1d1: {  	v7 =	vor.u32 v7, v9;
	v8 =	vand.u32 $0xFFF8, v8;
	s28 =	sand.u32 $0x40, s3;
	v9 =	vshrl.u32 v6, $0xD;
	s22 =	sand.u32 $0x3FFFFF00, s22;
	s25 =	sand.u32 $0x1C00, s23  }
0x1d2: {  	v2 =	vand.u32 $0xFFFF, v2;
	v3 =	vxor.u32 v3, v7;
	s30 =	sand.u32 $0x200, s23;
	s24 =	sor.u32 $0x10, s28;
	v7 =	vor.u32 v9, v8;
	s29 =	sor.u32 s28, s22  }
0x1d3: {  	s23 =	sor.u32 $0x20, s28;
	v2 =	vadd.s32 v2, v3;
	s26 =	sor.u32 s28, s30;
	s28 =	sor.u32 $0x30, s28;
	v6 =	vxor.u32 v6, v7;
	v7 =	vand.u32 $0xFFFF, v5  }
0x1d4: {  	v3 =	vshrl.u32 v5, $0x10;
	v5 =	vadd.s32 v7, v6;
	v6 =	vshrl.u32 v2, $0x10  }
0x1d5: {  	v3 =	vadd.s32 v4, v3;
	v4 =	vadd.s32 v6, v5  }
0x1d6: {  	v1 =	vadd.s32 v1, v3;
	v3 =	vshrl.u32 v4, $0x10;
	v2 =	vxor.u32 v2, v4  }
0x1d7: {  	v1 =	vadd.s32 v3, v1  }
0x1d8: {  	v1 =	vxor.u32 v4, v1  }
0x1d9: {  	v1 =	vshll.u32 v1, $0x10  }
0x1da: {  	v3 =	vand.u32 $0xFF80, v2;
	v1 =	vand.u32 $0x3F0000, v1  }
0x1db: {  	v1 =	vor.u32 v3, v1  }
0x1dc: {  	s31 =	sor.u32 s20, s11;
	s11 =	smov.u32 s30;
	s20 =	smov.u32 s28;
	v2 =	vand.u32 $0x7F, v2;
	v1 =	vshll.u32 v1, $0x2  }
0x1dd: {  	s14 =	sor.u32 s31, s14;
	v1 =	vor.u32 v2, v1  }
0x1de: {  	v2 =	vor.u32 $0x80, v1;
	[tilespmem:s14+$0x0] =	vst v1;
	s14 =	sor.u32 s31, s16  }
0x1df: {  	[tilespmem:s14+$0x0] =	vst v2;
	v2 =	vor.u32 $0x100, v1;
	s14 =	sor.u32 s31, s18  }
0x1e0: {  	v1 =	vor.u32 $0x180, v1;
	[tilespmem:s14+$0x0] =	vst v2;
	s14 =	sor.u32 s31, s19  }
0x1e1: {  	[tilespmem:s14+$0x0] =	vst v1  }
0x1e2: {  	v1 =	vld [tilespmem:s29+$0x1080]  }
0x1e3: {  	v2 =	vld [tilespmem:s29+$0x1000];
	_ =	sdelay $0x3  }
0x1e4: {  	v1 =	vmul.f32 v1, v0  }
0x1e5: {  	v2 =	vmul.f32 v2, v0  }
0x1e6: {  	v1 =	vtrunc.f32 v1  }
0x1e7: {  	v2 =	vtrunc.f32 v2;
	v1 =	vcvt.f32.s32 v1  }
0x1e8: {  	v2 =	vcvt.f32.s32 v2  }
0x1e9: {  	v3 =	vmul.u32 $0xAE35, v1;
	v1 =	vmul.u32 $0xC2B2, v1  }
0x1ea: {  	v4 =	vmul.u32 $0xCA6B, v2;
	v2 =	vmul.u32 $0x85EB, v2  }
0x1eb: {  	v5 =	vshra.s32 v3, $0x10;
	v6 =	vand.u32 $0xFFFE, v1;
	v1 =	vshrl.u32 v1, $0x10  }
0x1ec: {  	v7 =	vand.u32 $0xFFFF, v4;
	v4 =	vshra.s32 v4, $0x10;
	v8 =	vand.u32 $0xFFFF, v2  }
0x1ed: {  	v5 =	vadd.s32 v6, v5;
	v4 =	vadd.s32 v8, v4;
	v8 =	vshrl.u32 v7, $0xD  }
0x1ee: {  	v2 =	vshra.s32 v2, $0x10;
	v6 =	vshra.s32 v4, $0x10;
	v9 =	vshll.u32 v4, $0x3  }
0x1ef: {  	v2 =	vadd.s32 v2, v6;
	v6 =	vand.u32 $0xFFF8, v9;
	v9 =	vshrl.u32 v5, $0x10  }
0x1f0: {  	v4 =	vand.u32 $0xFFFF, v4;
	v6 =	vor.u32 v8, v6;
	v8 =	vshll.u32 v2, $0x3  }
0x1f1: {  	v6 =	vxor.u32 v7, v6;
	v7 =	vshrl.u32 v4, $0xD;
	v8 =	vand.u32 $0xFFF8, v8  }
0x1f2: {  	v3 =	vand.u32 $0xFFFF, v3;
	v1 =	vadd.s32 v1, v9;
	v7 =	vor.u32 v7, v8  }
0x1f3: {  	v5 =	vand.u32 $0xFFFF, v5;
	v3 =	vadd.s32 v3, v6;
	v4 =	vxor.u32 v4, v7  }
0x1f4: {  	v1 =	vadd.s32 v2, v1;
	v4 =	vadd.s32 v5, v4;
	v5 =	vshrl.u32 v3, $0x10  }
0x1f5: {  	v2 =	vadd.s32 v5, v4  }
0x1f6: {  	v4 =	vshrl.u32 v2, $0x10;
	v3 =	vxor.u32 v3, v2  }
0x1f7: {  	v1 =	vadd.s32 v4, v1  }
0x1f8: {  	v1 =	vxor.u32 v2, v1  }
0x1f9: {  	v1 =	vshll.u32 v1, $0x10  }
0x1fa: {  	v2 =	vand.u32 $0xFF80, v3;
	v1 =	vand.u32 $0x3F0000, v1  }
0x1fb: {  	v1 =	vor.u32 v2, v1  }
0x1fc: {  	s14 =	sor.u32 $0x4000, s25;
	v2 =	vand.u32 $0x7F, v3;
	v1 =	vshll.u32 v1, $0x2  }
0x1fd: {  	s16 =	sor.u32 $0x4080, s25;
	s18 =	sor.u32 s26, s14;
	v1 =	vor.u32 v2, v1  }
0x1fe: {  	s19 =	sor.u32 s26, s16;
	[tilespmem:s18+$0x0] =	vst v1;
	v2 =	vor.u32 $0x80, v1;
	s18 =	sor.u32 $0x4100, s25  }
0x1ff: {  	[tilespmem:s19+$0x0] =	vst v2;
	v2 =	vor.u32 $0x100, v1;
	s28 =	sor.u32 s26, s18;
	s19 =	sor.u32 $0x4180, s25  }
0x200: {  	v1 =	vor.u32 $0x180, v1;
	[tilespmem:s28+$0x0] =	vst v2;
	s25 =	sor.u32 s26, s19  }
0x201: {  	[tilespmem:s25+$0x0] =	vst v1;
	s25 =	sor.u32 s24, s22  }
0x202: {  	v1 =	vld [tilespmem:s25+$0x1000]  }
0x203: {  	v2 =	vld [tilespmem:s25+$0x1080];
	_ =	sdelay $0x3  }
0x204: {  	v1 =	vmul.f32 v1, v0  }
0x205: {  	v2 =	vmul.f32 v2, v0  }
0x206: {  	v1 =	vtrunc.f32 v1  }
0x207: {  	v1 =	vcvt.f32.s32 v1;
	v2 =	vtrunc.f32 v2  }
0x208: {  	v2 =	vcvt.f32.s32 v2  }
0x209: {  	v3 =	vmul.u32 $0xCA6B, v1;
	v1 =	vmul.u32 $0x85EB, v1  }
0x20a: {  	v4 =	vmul.u32 $0xAE35, v2;
	v2 =	vmul.u32 $0xC2B2, v2  }
0x20b: {  	v5 =	vand.u32 $0xFFFF, v3;
	v3 =	vshra.s32 v3, $0x10;
	v6 =	vand.u32 $0xFFFF, v1  }
0x20c: {  	v3 =	vadd.s32 v6, v3;
	v6 =	vshra.s32 v4, $0x10;
	v7 =	vand.u32 $0xFFFE, v2  }
0x20d: {  	v1 =	vshra.s32 v1, $0x10;
	v8 =	vshra.s32 v3, $0x10;
	v9 =	vshll.u32 v3, $0x3  }
0x20e: {  	v4 =	vand.u32 $0xFFFF, v4;
	v1 =	vadd.s32 v1, v8;
	v8 =	vand.u32 $0xFFF8, v9  }
0x20f: {  	v3 =	vand.u32 $0xFFFF, v3;
	v6 =	vadd.s32 v7, v6;
	v9 =	vshll.u32 v1, $0x3  }
0x210: {  	v7 =	vshrl.u32 v3, $0xD;
	v10 =	vshrl.u32 v6, $0x10;
	v9 =	vand.u32 $0xFFF8, v9  }
0x211: {  	v11 =	vshrl.u32 v5, $0xD;
	v7 =	vor.u32 v7, v9  }
0x212: {  	v6 =	vand.u32 $0xFFFF, v6;
	v8 =	vor.u32 v11, v8;
	v3 =	vxor.u32 v3, v7  }
0x213: {  	v2 =	vshrl.u32 v2, $0x10;
	v5 =	vxor.u32 v5, v8;
	v3 =	vadd.s32 v6, v3  }
0x214: {  	v2 =	vadd.s32 v2, v10;
	v4 =	vadd.s32 v4, v5  }
0x215: {  	v1 =	vadd.s32 v1, v2;
	v5 =	vshrl.u32 v4, $0x10  }
0x216: {  	v2 =	vadd.s32 v5, v3  }
0x217: {  	v3 =	vshrl.u32 v2, $0x10;
	v4 =	vxor.u32 v4, v2  }
0x218: {  	v1 =	vadd.s32 v3, v1  }
0x219: {  	v1 =	vxor.u32 v2, v1  }
0x21a: {  	v1 =	vshll.u32 v1, $0x10  }
0x21b: {  	v2 =	vand.u32 $0xFF80, v4;
	v1 =	vand.u32 $0x3F0000, v1  }
0x21c: {  	v1 =	vor.u32 v2, v1  }
0x21d: {  	s24 =	sor.u32 s24, s11;
	v2 =	vand.u32 $0x7F, v4;
	v1 =	vshll.u32 v1, $0x2  }
0x21e: {  	s25 =	sor.u32 s24, s14;
	v1 =	vor.u32 v2, v1  }
0x21f: {  	v2 =	vor.u32 $0x80, v1;
	[tilespmem:s25+$0x0] =	vst v1;
	s25 =	sor.u32 s24, s16  }
0x220: {  	[tilespmem:s25+$0x0] =	vst v2;
	v2 =	vor.u32 $0x100, v1;
	s25 =	sor.u32 s24, s18  }
0x221: {  	v1 =	vor.u32 $0x180, v1;
	s24 =	sor.u32 s24, s19;
	[tilespmem:s25+$0x0] =	vst v2  }
0x222: {  	[tilespmem:s24+$0x0] =	vst v1;
	s24 =	sor.u32 s23, s22  }
0x223: {  	v1 =	vld [tilespmem:s24+$0x1000]  }
0x224: {  	v2 =	vld [tilespmem:s24+$0x1080];
	_ =	sdelay $0x3  }
0x225: {  	v1 =	vmul.f32 v1, v0  }
0x226: {  	v2 =	vmul.f32 v2, v0  }
0x227: {  	v1 =	vtrunc.f32 v1  }
0x228: {  	v1 =	vcvt.f32.s32 v1;
	v2 =	vtrunc.f32 v2  }
0x229: {  	v2 =	vcvt.f32.s32 v2  }
0x22a: {  	v3 =	vmul.u32 $0xCA6B, v1;
	v1 =	vmul.u32 $0x85EB, v1  }
0x22b: {  	v4 =	vmul.u32 $0xAE35, v2;
	v2 =	vmul.u32 $0xC2B2, v2  }
0x22c: {  	v5 =	vand.u32 $0xFFFF, v3;
	v3 =	vshra.s32 v3, $0x10;
	v6 =	vand.u32 $0xFFFF, v1  }
0x22d: {  	v3 =	vadd.s32 v6, v3;
	v6 =	vshrl.u32 v5, $0xD;
	v7 =	vshra.s32 v4, $0x10  }
0x22e: {  	v1 =	vshra.s32 v1, $0x10;
	v8 =	vshra.s32 v3, $0x10;
	v9 =	vshll.u32 v3, $0x3  }
0x22f: {  	v4 =	vand.u32 $0xFFFF, v4;
	v1 =	vadd.s32 v1, v8;
	v8 =	vand.u32 $0xFFF8, v9  }
0x230: {  	v3 =	vand.u32 $0xFFFF, v3;
	v6 =	vor.u32 v6, v8;
	v8 =	vshll.u32 v1, $0x3  }
0x231: {  	v5 =	vxor.u32 v5, v6;
	v6 =	vshrl.u32 v3, $0xD;
	v8 =	vand.u32 $0xFFF8, v8  }
0x232: {  	v6 =	vor.u32 v6, v8;
	v8 =	vand.u32 $0xFFFE, v2;
	v4 =	vadd.s32 v4, v5  }
0x233: {  	v2 =	vshrl.u32 v2, $0x10;
	v3 =	vxor.u32 v3, v6;
	v5 =	vadd.s32 v8, v7  }
0x234: {  	v7 =	vshrl.u32 v4, $0x10;
	v6 =	vand.u32 $0xFFFF, v5;
	v5 =	vshrl.u32 v5, $0x10  }
0x235: {  	v2 =	vadd.s32 v2, v5;
	v3 =	vadd.s32 v6, v3  }
0x236: {  	v3 =	vadd.s32 v7, v3;
	v1 =	vadd.s32 v1, v2  }
0x237: {  	v2 =	vshrl.u32 v3, $0x10;
	v4 =	vxor.u32 v4, v3  }
0x238: {  	v1 =	vadd.s32 v2, v1  }
0x239: {  	v1 =	vxor.u32 v3, v1  }
0x23a: {  	v1 =	vshll.u32 v1, $0x10  }
0x23b: {  	v2 =	vand.u32 $0xFF80, v4;
	v1 =	vand.u32 $0x3F0000, v1  }
0x23c: {  	v1 =	vor.u32 v2, v1  }
0x23d: {  	s23 =	sor.u32 s23, s11;
	v2 =	vand.u32 $0x7F, v4;
	v1 =	vshll.u32 v1, $0x2  }
0x23e: {  	s24 =	sor.u32 s23, s14;
	v1 =	vor.u32 v2, v1  }
0x23f: {  	[tilespmem:s24+$0x0] =	vst v1;
	v2 =	vor.u32 $0x80, v1;
	s24 =	sor.u32 s23, s16  }
0x240: {  	[tilespmem:s24+$0x0] =	vst v2;
	v2 =	vor.u32 $0x100, v1;
	s24 =	sor.u32 s23, s18  }
0x241: {  	v1 =	vor.u32 $0x180, v1;
	s23 =	sor.u32 s23, s19;
	[tilespmem:s24+$0x0] =	vst v2  }
0x242: {  	s22 =	sor.u32 s20, s22;
	[tilespmem:s23+$0x0] =	vst v1  }
0x243: {  	v1 =	vld [tilespmem:s22+$0x1000]  }
0x244: {  	v2 =	vld [tilespmem:s22+$0x1080];
	_ =	sdelay $0x3  }
0x245: {  	v1 =	vmul.f32 v1, v0  }
0x246: {  	v2 =	vmul.f32 v2, v0  }
0x247: {  	v1 =	vtrunc.f32 v1  }
0x248: {  	v1 =	vcvt.f32.s32 v1;
	v2 =	vtrunc.f32 v2  }
0x249: {  	v3 =	vcvt.f32.s32 v2  }
0x24a: {  	v5 =	vmul.u32 $0xCA6B, v1;
	v1 =	vmul.u32 $0x85EB, v1  }
0x24b: {  	v2 =	vmul.u32 $0xAE35, v3;
	v4 =	vmul.u32 $0xC2B2, v3  }
.Ltmp1:
0x24c: {  	v6 =	vshra.s32 v5, $0x10;
	v7 =	vand.u32 $0xFFFF, v1;
	(pc) =	sbr.rel @p1 .LBB2_5-.Ltmp1, $4  }
0x24d: {  	v3 =	vand.u32 $0xFFFF, v5;
	v6 =	vadd.s32 v7, v6;
	v5 =	vshra.s32 v2, $0x10  }
0x24e: {  	v1 =	vshra.s32 v1, $0x10;
	v7 =	vshrl.u32 v3, $0xD;
	v8 =	vshra.s32 v6, $0x10  }
0x24f: {  	v10 =	vand.u32 $0xFFFE, v4;
	v1 =	vadd.s32 v1, v8;
	v8 =	vshll.u32 v6, $0x3  }
0x250: {  	v5 =	vadd.s32 v10, v5;
	v9 =	vand.u32 $0xFFF8, v8;
	v8 =	vshll.u32 v1, $0x3  }
0x251: {  	v6 =	vand.u32 $0xFFFF, v6;
	v4 =	vshrl.u32 v4, $0x10  }
0x252: {  	v7 =	vor.u32 v7, v9;
	v8 =	vand.u32 $0xFFF8, v8;
	v58 =	vshrl.u32 v6, $0xD  }
0x253: {  	v2 =	vand.u32 $0xFFFF, v2;
	v3 =	vxor.u32 v3, v7;
	v59 =	vor.u32 v58, v8  }
0x254: {  	v60 =	vand.u32 $0xFFFF, v5;
	v2 =	vadd.s32 v2, v3;
	v6 =	vxor.u32 v6, v59  }
0x255: {  	v3 =	vshrl.u32 v5, $0x10;
	v62 =	vshrl.u32 v2, $0x10;
	v61 =	vadd.s32 v60, v6  }
0x256: {  	v3 =	vadd.s32 v4, v3;
	v63 =	vadd.s32 v62, v61  }
0x257: {  	v1 =	vadd.s32 v1, v3;
	v3 =	vshrl.u32 v63, $0x10  }
0x258: {  	v1 =	vadd.s32 v3, v1  }
0x259: {  	v1 =	vxor.u32 v63, v1  }
0x25a: {  	v2 =	vxor.u32 v2, v63;
	v1 =	vshll.u32 v1, $0x10  }
0x25b: {  	v3 =	vand.u32 $0xFF80, v2;
	v1 =	vand.u32 $0x3F0000, v1  }
0x25c: {  	v1 =	vor.u32 v3, v1  }
0x25d: {  	s3 =	sor.u32 s20, s11;
	v2 =	vand.u32 $0x7F, v2;
	v1 =	vshll.u32 v1, $0x2  }
0x25e: {  	s11 =	sor.u32 s3, s14;
	v1 =	vor.u32 v2, v1  }
0x25f: {  	s30 =	sor.u32 s3, s16;
	[tilespmem:s11+$0x0] =	vst v1;
	v2 =	vor.u32 $0x80, v1  }
0x260: {  	s31 =	sor.u32 s3, s18;
	[tilespmem:s30+$0x0] =	vst v2;
	v2 =	vor.u32 $0x100, v1  }
0x261: {  	s3 =	sor.u32 s3, s19;
	v1 =	vor.u32 $0x180, v1;
	[tilespmem:s31+$0x0] =	vst v2  }
0x262: {  	[tilespmem:s3+$0x0] =	vst v1;
	s3 =	simm.s32 @!p0 $0x3  }
0x263: {  	_ =	swait.ge @!p0 [sflag:s3], $0x2000  }
0x264: {  	[sflag:s3] =	ssyncset.done @!p0 $0x0  }
0x265: {  	s14 =	simm.s32 $0x4000;
	[sflag:s3] =	ssyncadd.s32 @!p0 $0xFFFFE000  }
0x266: {  	[tilespmem:s17], [sflag:$0x2] =	stream.indirect.gather [hbm4b:s2+s15], $0x1, s14, s15, $0xb8;
	[tilespmem:$0xA000] =	vst v63  }
0x267: {  	s16 =	simm.s32 $0x4400;
	s18 =	simm.s32 $0x8400  }
0x268: {  	[tilespmem:s18], [sflag:$0x2] =	stream.indirect.gather [hbm4b:s2+s15], $0x1, s16, s15, $0xb8;
	[tilespmem:$0xA000] =	vst v63  }
0x269: {  	s20 =	simm.s32 $0x8800;
	s19 =	simm.s32 $0x4800  }
0x26a: {  	[tilespmem:s20], [sflag:$0x2] =	stream.indirect.gather [hbm4b:s2+s15], $0x1, s19, s15, $0xb8;
	[tilespmem:$0xA000] =	vst v63  }
0x26b: {  	s21 =	simm.s32 $0x4C00;
	s22 =	simm.s32 $0x8C00  }
0x26c: {  	[tilespmem:s22], [sflag:$0x2] =	stream.indirect.gather [hbm4b:s2+s15], $0x1, s21, s15, $0xb8;
	[tilespmem:$0xA000] =	vst v63  }
0x26d: {  	s23 =	simm.s32 $0x5000;
	s24 =	simm.s32 $0x9000  }
0x26e: {  	[tilespmem:s24], [sflag:$0x2] =	stream.indirect.gather [hbm4b:s2+s15], $0x1, s23, s15, $0xb8;
	[tilespmem:$0xA000] =	vst v63  }
0x26f: {  	s25 =	simm.s32 $0x5400;
	s26 =	simm.s32 $0x9400  }
0x270: {  	[tilespmem:s26], [sflag:$0x2] =	stream.indirect.gather [hbm4b:s2+s15], $0x1, s25, s15, $0xb8;
	[tilespmem:$0xA000] =	vst v63  }
0x271: {  	s28 =	simm.s32 $0x5800;
	s29 =	simm.s32 $0x9800  }
0x272: {  	[tilespmem:s29], [sflag:$0x2] =	stream.indirect.gather [hbm4b:s2+s15], $0x1, s28, s15, $0xb8;
	[tilespmem:$0xA000] =	vst v63  }
0x273: {  	s30 =	simm.s32 $0x5C00  }
0x274: {  	[tilespmem:s0], [sflag:$0x2] =	stream.indirect.gather [hbm4b:s2+s15], $0x1, s30, s15, $0xb8;
	[tilespmem:$0xA000] =	vst v63  }
0x275: {  	_ =	swait.ge [sflag:s4], $0x400  }
0x276: {  	[sflag:s4] =	ssyncset.done $0x0  }
0x277: {  	[sflag:s4] =	ssyncadd.s32 $0xFFFFFC00  }
0x278: {  	_ =	swait.ge [sflag:s4], $0x400  }
0x279: {  	[sflag:s4] =	ssyncset.done $0x0  }
0x27a: {  	[sflag:s4] =	ssyncadd.s32 $0xFFFFFC00  }
0x27b: {  	_ =	swait.ge [sflag:s4], $0x400  }
0x27c: {  	[sflag:s4] =	ssyncset.done $0x0  }
0x27d: {  	[sflag:s4] =	ssyncadd.s32 $0xFFFFFC00  }
0x27e: {  	_ =	swait.ge [sflag:s4], $0x400  }
0x27f: {  	[sflag:s4] =	ssyncset.done $0x0  }
0x280: {  	[sflag:s4] =	ssyncadd.s32 $0xFFFFFC00  }
0x281: {  	_ =	swait.ge [sflag:s4], $0x400  }
0x282: {  	[sflag:s4] =	ssyncset.done $0x0  }
0x283: {  	[sflag:s4] =	ssyncadd.s32 $0xFFFFFC00  }
0x284: {  	_ =	swait.ge [sflag:s4], $0x400  }
0x285: {  	[sflag:s4] =	ssyncset.done $0x0  }
0x286: {  	[sflag:s4] =	ssyncadd.s32 $0xFFFFFC00  }
0x287: {  	s31 =	sshll.u32 s12, $0xB;
	s12 =	sadd.s32 $0x1, s12;
	_ =	swait.ge [sflag:s4], $0x400  }
0x288: {  	p0 =	sne.s32 s12, $0x8;
	[sflag:s4] =	ssyncset.done $0x0  }
.Ltmp2:
0x289: {  	[sflag:s4] =	ssyncadd.s32 $0xFFFFFC00;
	(pc) =	sbr.rel @p0 .LBB2_2-.Ltmp2, $4  }
0x28a: {  	_ =	swait.ge [sflag:s4], $0x400  }
0x28b: {  	[sflag:s4] =	ssyncset.done $0x0  }
0x28c: {  	s3 =	sadd.s32 s31, s9;
	[sflag:s4] =	ssyncadd.s32 $0xFFFFFC00  }
0x28d: {  	[hbm4b:s3+s5] =	stream.linear.scatter [tilespmem:s7], [sflag:$0x3], $0x2000, $0x38;
	[tilespmem:$0xA000] =	vst v63  }
0x28e: {  	s3 =	simm.s32 $0x2  }
0x28f: {  	_ =	swait.ge [sflag:s3], $0x400  }
0x290: {  	[sflag:s3] =	ssyncset.done $0x0  }
0x291: {  	[sflag:s3] =	ssyncadd.s32 $0xFFFFFC00  }
0x292: {  	_ =	swait.ge [sflag:s3], $0x400  }
0x293: {  	[sflag:s3] =	ssyncset.done $0x0  }
0x294: {  	[sflag:s3] =	ssyncadd.s32 $0xFFFFFC00  }
0x295: {  	_ =	swait.ge [sflag:s3], $0x400  }
0x296: {  	[sflag:s3] =	ssyncset.done $0x0  }
0x297: {  	[sflag:s3] =	ssyncadd.s32 $0xFFFFFC00  }
0x298: {  	_ =	swait.ge [sflag:s3], $0x400  }
0x299: {  	[sflag:s3] =	ssyncset.done $0x0  }
0x29a: {  	[sflag:s3] =	ssyncadd.s32 $0xFFFFFC00  }
0x29b: {  	_ =	swait.ge [sflag:s3], $0x400  }
0x29c: {  	[sflag:s3] =	ssyncset.done $0x0  }
0x29d: {  	[sflag:s3] =	ssyncadd.s32 $0xFFFFFC00  }
0x29e: {  	_ =	swait.ge [sflag:s3], $0x400  }
0x29f: {  	[sflag:s3] =	ssyncset.done $0x0  }
0x2a0: {  	[sflag:s3] =	ssyncadd.s32 $0xFFFFFC00  }
0x2a1: {  	_ =	swait.ge [sflag:s3], $0x400  }
0x2a2: {  	[sflag:s3] =	ssyncset.done $0x0  }
0x2a3: {  	[sflag:s3] =	ssyncadd.s32 $0xFFFFFC00  }
0x2a4: {  	_ =	swait.ge [sflag:s3], $0x400  }
0x2a5: {  	[sflag:s3] =	ssyncset.done $0x0  }
0x2a6: {  	s11 =	simm.s32 $0x3;
	[sflag:s3] =	ssyncadd.s32 $0xFFFFFC00  }
0x2a7: {  	_ =	swait.ge [sflag:s11], $0x2000  }
0x2a8: {  	[sflag:s11] =	ssyncset.done $0x0  }
0x2a9: {  	s30 =	rddreg [dreg:$0x5];
	[sflag:s11] =	ssyncadd.s32 $0xFFFFE000  }
0x2aa: {  	[hbm4b:s30+s5] =	stream.linear.scatter [tilespmem:s17], [sflag:$0x3], $0x2000, $0x38;
	[tilespmem:$0xA000] =	vst v63  }
0x2ab: {  	_ =	swait.ge [sflag:s11], $0x2000  }
0x2ac: {  	s12 =	rddreg [dreg:$0x7]  }
0x2ad: {  	s31 =	rddreg [dreg:$0x6];
	s12 =	sadd.s32 $0x1, s12  }
0x2ae: {  	p0 =	sne.s32 s12, s31  }
.Ltmp3:
0x2af: {  	_ = 	snop;
	(pc) =	sbr.rel @p0 .LBB2_1-.Ltmp3, $3  }
0x2b0: {  	_ =	sdelay $0x1  }
0x2b1: {  	[sflag:s11] =	ssyncset.done $0x0  }
0x2b2: {  	[sflag:s11] =	ssyncadd.s32 $0xFFFFE000  }
0x2b3: {  	_ =	sfence.sel $0x180000  }
0x2b4: {  	[bflag:$0x0] =	sbarrier.arrive $0xFFFF  }
0x2b5: {  	_ =	strace $0x90000047  }
0x2b6: {  	s0 =	stileid.u32;
	[bflag:$0x2] =	sbarrier.arrive $0xFFFF  }
0x2b7: {  	p0 =	sne.s32 s0, $0x0;
	s0 =	rddreg [dreg:$0x3]  }
0x2b8: {  	s0 =	sadd.s32 @!p0 $0x100000, s0  }
0x2b9: {  	[sflag:s0] =	ssyncadd.tile.s32 @!p0 $0x1;
	_ =	shalt  }
.Lfunc_end2:
_tile_overlayer_lowered:
.L_overlay_start_2:
0x2ba: {  	(tag) =	ssettag $0x2  }
0x2bb: {  	s0 =	rddreg [dreg:$0x0];
	s2 =	stileid.u32  }
0x2bc: {  	s1 =	rddreg [dreg:$0x1];
	p0 =	sne.s32 s2, $0x0  }
0x2bd: {  	s3 =	rddreg [dreg:$0x2];
	[bflag:$0x3] =	sbarrier.arrive $0xFFFF;
	s2 =	simm.s32 @!p0 $0x1C05  }
0x2be: {  	[timem:s3], [sflag:s2] =	dma.local @!p0 [hbm:s0], s1  }
0x2bf: {  	s0 =	simm.s32 @!p0 $0x5  }
0x2c0: {  	_ =	swait.ge @!p0 [sflag:s0], s1  }
0x2c1: {  	s1 =	ssub.s32 @!p0 $0x0, s1;
	[sflag:s0] =	ssyncset.done @!p0 $0x0  }
0x2c2: {  	[sflag:s0] =	ssyncadd.s32 @!p0 s1  }
0x2c3: {  	[bflag:$0x3] =	sbarrier.arrive $0xFFFF  }
0x2c4: {  	_ =	shalt  }

</sc_bundles>
